<compile_context>
chip_gen: v7x
topology: tpu7x:2x2x1
jax: 0.10.2.dev20260603
libtpu: 0.0.44.dev20260713+nightly
codegen_flags: <defaults>
</compile_context>

<pallas_src>
import functools

import jax
import jax.numpy as jnp
from jax import lax
from jax.experimental import pallas as pl
from jax.experimental.pallas import tpu as pltpu
from jax.experimental.pallas import tpu_sc as plsc

N_NODES = 10000
N_EDGES = 320000
D = 128

NC = 2
NS = 16
NW = NC * NS
EPT = N_EDGES // NW
CP = 128
NCHP = -(-EPT // CP)
EPTP = CP * NCHP
PADW = EPTP - EPT
NPADE = N_NODES + 16
RPT = 640
NPAD = NS * RPT
RCH = 80
FULL_CH = RPT // RCH
LAST_CH = (N_NODES - (NS - 1) * RPT) // RCH

NB = 3
NGRP = NCHP // NB
NTAIL = NCHP - NGRP * NB
NBD = 4
NGRPD = NCHP // NBD
NTAILD = NCHP - NGRPD * NBD
NFR = N_NODES // CP
LASTR = N_NODES - NFR * CP
NRSLOT = -(-(NFR + 1) // NS)

_mesh = plsc.VectorSubcoreMesh(core_axis_name="c", subcore_axis_name="s")



@functools.partial(
    pl.kernel,
    out_type=jax.ShapeDtypeStruct((NC * N_NODES,), jnp.float32),
    mesh=_mesh,
    scratch_types=(
        [pltpu.VMEM((CP,), jnp.float32),
         pltpu.VMEM((RCH,), jnp.float32)]
        + [pltpu.VMEM((CP,), jnp.int32)] * NBD
        + [pltpu.VMEM_SHARED((NPAD,), jnp.float32)]
        + [pltpu.SemaphoreType.DMA] * (2 * NBD)
    ),
)
def _sc_deg(dst_hbm, z80_hbm, ones_hbm, out_hbm, ones_v, db_v, *rest):
    didx = rest[:NBD]
    deg_sh = rest[NBD]
    xs = rest[NBD + 1:NBD + 1 + NBD]
    ss = rest[NBD + 1 + NBD:]
    c = lax.axis_index("c")
    s = lax.axis_index("s")
    wid = s * NC + c
    pltpu.sync_copy(z80_hbm, db_v)

    def initk(k, carry):
        @pl.when((s < NS - 1) | (k < LAST_CH))
        def _():
            pltpu.sync_copy(db_v, deg_sh.at[pl.ds(s * RPT + k * RCH, RCH)])
        return carry

    lax.fori_loop(0, FULL_CH, initk, 0)
    pltpu.sync_copy(ones_hbm, ones_v)
    for b in range(NBD):
        pltpu.async_copy(dst_hbm.at[pl.ds(wid * EPTP + b * CP, CP)], didx[b],
                         xs[b])
    plsc.subcore_barrier()

    def group(g, carry):
        for b in range(NBD):
            ci = g * NBD + b

            @pl.when(g > 0)
            def _():
                pltpu.make_async_copy(ones_hbm, ones_v, ss[b]).wait()
                pltpu.async_copy(dst_hbm.at[pl.ds(wid * EPTP + ci * CP, CP)],
                                 didx[b], xs[b])
        for b in range(NBD):
            pltpu.make_async_copy(dst_hbm.at[pl.ds(0, CP)], didx[b],
                                  xs[b]).wait()
            pltpu.async_copy(ones_v, deg_sh.at[didx[b]], ss[b], add=True)
        return carry

    lax.fori_loop(0, NGRPD, group, 0)
    for b in range(NBD):
        pltpu.make_async_copy(ones_hbm, ones_v, ss[b]).wait()
    for t in range(NTAILD):
        ci = NGRPD * NBD + t
        pltpu.sync_copy(dst_hbm.at[pl.ds(wid * EPTP + ci * CP, CP)], didx[t])
        pltpu.sync_copy(ones_v, deg_sh.at[didx[t]], add=True)
    plsc.subcore_barrier()

    def draink(k, carry):
        @pl.when((s < NS - 1) | (k < LAST_CH))
        def _():
            pltpu.sync_copy(deg_sh.at[pl.ds(s * RPT + k * RCH, RCH)], db_v)
            pltpu.sync_copy(
                db_v, out_hbm.at[pl.ds(c * N_NODES + s * RPT + k * RCH, RCH)])
        return carry

    lax.fori_loop(0, FULL_CH, draink, 0)


_edge_scratch = (
    [pltpu.VMEM_SHARED((NPADE, D), jnp.float32)]
    + [pltpu.VMEM((CP, D), jnp.float32)] * NB
    + [pltpu.VMEM((CP,), jnp.int32)] * NB
    + [pltpu.VMEM((CP,), jnp.int32)] * NB
    + [pltpu.SemaphoreType.DMA] * (4 * NB)
)


@functools.partial(
    pl.kernel,
    out_type=jax.ShapeDtypeStruct((NC * N_NODES, D), jnp.float32),
    mesh=_mesh,
    scratch_types=_edge_scratch,
)
def _sc_edge(h_hbm, src_hbm, dst_hbm, zrows_hbm, out_hbm, acc_sh, *ring):
    rows = ring[:NB]
    sidx = ring[NB:2 * NB]
    didx = ring[2 * NB:3 * NB]
    gs = ring[3 * NB:4 * NB]
    ss = ring[4 * NB:5 * NB]
    xs = ring[5 * NB:6 * NB]
    ds_ = ring[6 * NB:]
    zb_v = rows[0]
    c = lax.axis_index("c")
    s = lax.axis_index("s")
    wid = s * NC + c
    pltpu.sync_copy(zrows_hbm, zb_v)

    def initk(k, carry):
        j = k * NS + s

        @pl.when(j < NFR)
        def _():
            pltpu.sync_copy(zb_v, acc_sh.at[pl.ds(j * CP, CP)])

        @pl.when(j == NFR)
        def _():
            pltpu.sync_copy(zb_v.at[pl.ds(0, LASTR)],
                            acc_sh.at[pl.ds(NFR * CP, LASTR)])
        return carry

    lax.fori_loop(0, NRSLOT, initk, 0)
    for b in range(NB):
        pltpu.async_copy(src_hbm.at[pl.ds(wid * EPTP + b * CP, CP)], sidx[b],
                         xs[b])
        pltpu.async_copy(dst_hbm.at[pl.ds(wid * EPTP + b * CP, CP)], didx[b],
                         ds_[b])
    plsc.subcore_barrier()

    def group(g, carry):
        for b in range(NB):
            ci = g * NB + b

            @pl.when(g > 0)
            def _():
                pltpu.make_async_copy(
                    h_hbm.at[pl.ds(0, CP)], rows[b], ss[b]).wait()
                pltpu.async_copy(dst_hbm.at[pl.ds(wid * EPTP + ci * CP, CP)],
                                 didx[b], ds_[b])
            pltpu.make_async_copy(src_hbm.at[pl.ds(0, CP)], sidx[b],
                                  xs[b]).wait()
            pltpu.async_copy(h_hbm.at[sidx[b]], rows[b], gs[b])
        for b in range(NB):
            ci = g * NB + b
            pltpu.make_async_copy(h_hbm.at[pl.ds(0, CP)], rows[b],
                                  gs[b]).wait()

            @pl.when(ci + NB < NCHP)
            def _():
                pltpu.async_copy(
                    src_hbm.at[pl.ds(wid * EPTP + (ci + NB) * CP, CP)],
                    sidx[b], xs[b])
            pltpu.make_async_copy(dst_hbm.at[pl.ds(0, CP)], didx[b],
                                  ds_[b]).wait()
            pltpu.async_copy(rows[b], acc_sh.at[didx[b]], ss[b], add=True)
        return carry

    lax.fori_loop(0, NGRP, group, 0)
    for b in range(NB):
        pltpu.make_async_copy(h_hbm.at[pl.ds(0, CP)], rows[b], ss[b]).wait()
    for t in range(NTAIL):
        ci = NGRP * NB + t
        pltpu.make_async_copy(src_hbm.at[pl.ds(0, CP)], sidx[t], xs[t]).wait()
        pltpu.sync_copy(dst_hbm.at[pl.ds(wid * EPTP + ci * CP, CP)], didx[t])
        pltpu.async_copy(h_hbm.at[sidx[t]], rows[t], gs[t])
        pltpu.make_async_copy(h_hbm.at[pl.ds(0, CP)], rows[t], gs[t]).wait()
        pltpu.sync_copy(rows[t], acc_sh.at[didx[t]], add=True)
    plsc.subcore_barrier()

    def draink(k, carry):
        j = k * NS + s

        @pl.when(j < NFR)
        def _():
            pltpu.sync_copy(acc_sh.at[pl.ds(j * CP, CP)], zb_v)
            pltpu.sync_copy(zb_v,
                            out_hbm.at[pl.ds(c * N_NODES + j * CP, CP)])

        @pl.when(j == NFR)
        def _():
            pltpu.sync_copy(acc_sh.at[pl.ds(NFR * CP, LASTR)],
                            rows[1].at[pl.ds(0, LASTR)])
            pltpu.sync_copy(
                rows[1].at[pl.ds(0, LASTR)],
                out_hbm.at[pl.ds(c * N_NODES + NFR * CP, LASTR)])
        return carry

    lax.fori_loop(0, NRSLOT, draink, 0)



B = 1000


def _dinv_of(degT_blk):
    deg = degT_blk[:, 0] + degT_blk[:, 1] + 1.0
    return lax.rsqrt(deg)


def _tc_mm_body(x_ref, w_ref, h_ref):
    h_ref[...] = jnp.dot(x_ref[...], w_ref[...],
                         preferred_element_type=jnp.float32)


def _tc_scale_body(degT_ref, h_ref, h1p_ref):
    dinv = _dinv_of(degT_ref[...])
    h1p_ref[...] = h_ref[...] * dinv[:, None]


def _tc_mid_body(degT_ref, s_ref, h1p_ref, b1_ref, w2_ref, h1o_ref, h2p_ref):
    dinv = _dinv_of(degT_ref[...])
    agg = s_ref[0] + s_ref[1] + h1p_ref[...]
    h1o = jnp.maximum(dinv[:, None] * agg + b1_ref[...], 0.0)
    h1o_ref[...] = h1o
    h2 = jnp.dot(h1o, w2_ref[...], preferred_element_type=jnp.float32)
    h2p_ref[...] = h2 * dinv[:, None]


def _tc_fin_body(degT_ref, s_ref, h2p_ref, b2_ref, h1o_ref, out_ref):
    dinv = _dinv_of(degT_ref[...])
    agg = s_ref[0] + s_ref[1] + h2p_ref[...]
    h2o = jnp.maximum(dinv[:, None] * agg + b2_ref[...], 0.0)
    out_ref[:, :D] = h1o_ref[...]
    out_ref[:, D:] = h2o


_degT_spec = pl.BlockSpec((B, NC), lambda i: (i, 0))
_row_spec = pl.BlockSpec((B, D), lambda i: (i, 0))
_S_spec = pl.BlockSpec((NC, B, D), lambda i: (0, i, 0))
_w_spec = pl.BlockSpec((D, D), lambda i: (0, 0))
_b_spec = pl.BlockSpec((1, D), lambda i: (0, 0))

_GRID = (N_NODES // B,)

_tc_mm = pl.pallas_call(
    _tc_mm_body,
    grid=_GRID,
    in_specs=[_row_spec, _w_spec],
    out_specs=_row_spec,
    out_shape=jax.ShapeDtypeStruct((N_NODES, D), jnp.float32),
)

_tc_scale = pl.pallas_call(
    _tc_scale_body,
    grid=_GRID,
    in_specs=[_degT_spec, _row_spec],
    out_specs=_row_spec,
    out_shape=jax.ShapeDtypeStruct((N_NODES, D), jnp.float32),
)

_tc_mid = pl.pallas_call(
    _tc_mid_body,
    grid=_GRID,
    in_specs=[_degT_spec, _S_spec, _row_spec, _b_spec, _w_spec],
    out_specs=[_row_spec, _row_spec],
    out_shape=[jax.ShapeDtypeStruct((N_NODES, D), jnp.float32),
               jax.ShapeDtypeStruct((N_NODES, D), jnp.float32)],
)

_tc_fin = pl.pallas_call(
    _tc_fin_body,
    grid=_GRID,
    in_specs=[_degT_spec, _S_spec, _row_spec, _b_spec, _row_spec],
    out_specs=pl.BlockSpec((B, 2 * D), lambda i: (i, 0)),
    out_shape=jax.ShapeDtypeStruct((N_NODES, 2 * D), jnp.float32),
)



def kernel(x, edge_index, W1, b1, W2, b2):
    ei = edge_index.astype(jnp.int32)
    srcp = jnp.concatenate(
        [ei[0].reshape(NW, EPT), jnp.zeros((NW, PADW), jnp.int32)],
        axis=1).reshape(-1)
    padtgt = N_NODES + (jnp.arange(PADW, dtype=jnp.int32)
                        % (NPADE - N_NODES))
    dstp = jnp.concatenate(
        [ei[1].reshape(NW, EPT), jnp.broadcast_to(padtgt, (NW, PADW))],
        axis=1).reshape(-1)
    zeros_n = jnp.zeros((RCH,), jnp.float32)
    ones_c = jnp.ones((CP,), jnp.float32)
    zrows = jnp.zeros((CP, D), jnp.float32)
    b1r = b1.reshape(1, D)
    b2r = b2.reshape(1, D)

    h1 = _tc_mm(x, W1)
    deg_parts = _sc_deg(dstp, zeros_n, ones_c)
    degT = deg_parts.reshape(NC, N_NODES).T

    h1p = _tc_scale(degT, h1)
    S1 = _sc_edge(h1p, srcp, dstp, zrows).reshape(NC, N_NODES, D)
    h1o, h2p = _tc_mid(degT, S1, h1p, b1r, W2)
    S2 = _sc_edge(h2p, srcp, dstp, zrows).reshape(NC, N_NODES, D)
    out = _tc_fin(degT, S2, h2p, b2r, h1o)
    return out

# --- scband reference (transcript-rebuilt; emitter-appended) ---
"""Pipeline reference for scband-gcnencoder-42640435315022 (READ-ONLY COPY).

The authoritative reference and input builder live on the scoring server;
editing this copy changes nothing except your own understanding.
"""

import jax, jax.numpy as jnp
import numpy as np

N_NODES = 10000
N_EDGES = 320000
D_IN = 128
D_HID = 128


def gcn_conv(x, edge_index, W, b):
    # Faithful PyG-style GCNConv: add self-loops, symmetric normalization,
    # linear transform, scatter-add aggregation, bias.
    N = x.shape[0]
    src = edge_index[0]
    dst = edge_index[1]
    loop = jnp.arange(N, dtype=edge_index.dtype)
    src = jnp.concatenate([src, loop])
    dst = jnp.concatenate([dst, loop])
    ew = jnp.ones(src.shape[0], dtype=x.dtype)
    deg = jnp.zeros((N,), dtype=x.dtype).at[dst].add(ew)
    dinv = jnp.where(deg > 0, deg ** -0.5, 0.0)
    norm = dinv[src] * ew * dinv[dst]
    h = x @ W
    msg = h[src] * norm[:, None]
    out = jnp.zeros((N, W.shape[1]), dtype=x.dtype).at[dst].add(msg)
    return out + b


def setup_inputs(seed: int = 0) -> dict:
    key = jax.random.key(seed)
    k1, k2, k3 = jax.random.split(key, 3)
    x = jax.random.normal(k1, (N_NODES, D_IN), dtype=jnp.float32)
    edge_index = jax.random.randint(k2, (2, N_EDGES), 0, N_NODES, dtype=jnp.int64)
    kw1, kw2 = jax.random.split(k3)
    s1 = (6.0 / (D_IN + D_HID)) ** 0.5
    s2 = (6.0 / (D_HID + D_HID)) ** 0.5
    W1 = jax.random.uniform(kw1, (D_IN, D_HID), minval=-s1, maxval=s1, dtype=jnp.float32)
    W2 = jax.random.uniform(kw2, (D_HID, D_HID), minval=-s2, maxval=s2, dtype=jnp.float32)
    b1 = jnp.zeros((D_HID,), dtype=jnp.float32)
    b2 = jnp.zeros((D_HID,), dtype=jnp.float32)
    return {"x": x, "edge_index": edge_index, "W1": W1, "b1": b1, "W2": W2, "b2": b2}


def reference(x, edge_index, W1, b1, W2, b2):
    h1 = jax.nn.relu(gcn_conv(x, edge_index, W1, b1))
    h2 = jax.nn.relu(gcn_conv(h1, edge_index, W2, b2))
    return jnp.concatenate([h1, h2], axis=1)

if __name__ == "__main__":
    import jax
    _d = setup_inputs()
    print(jax.jit(kernel)(*tuple(_d.values())))

</pallas_src>

<mosaic_0001>
#map = affine_map<(d0, d1) -> (0, 0)>
#map1 = affine_map<(d0, d1) -> (0)>
module attributes {stable_mosaic.version = 14 : i64} {
  func.func @_sc_edge(%arg0: i32, %arg1: i32, %arg2: memref<10000x128xf32, #tpu.memory_space<hbm>>, %arg3: memref<323584xi32, #tpu.memory_space<hbm>>, %arg4: memref<323584xi32, #tpu.memory_space<hbm>>, %arg5: memref<128x128xf32, #tpu.memory_space<hbm>>, %arg6: memref<20000x128xf32, #tpu.memory_space<hbm>>, %arg7: memref<10016x128xf32, #tpu.memory_space<vmem_shared>>, %arg8: memref<128x128xf32, #tpu.memory_space<vmem>>, %arg9: memref<128x128xf32, #tpu.memory_space<vmem>>, %arg10: memref<128x128xf32, #tpu.memory_space<vmem>>, %arg11: memref<128xi32, #tpu.memory_space<vmem>>, %arg12: memref<128xi32, #tpu.memory_space<vmem>>, %arg13: memref<128xi32, #tpu.memory_space<vmem>>, %arg14: memref<128xi32, #tpu.memory_space<vmem>>, %arg15: memref<128xi32, #tpu.memory_space<vmem>>, %arg16: memref<128xi32, #tpu.memory_space<vmem>>, %arg17: memref<!tpu.dma_semaphore, #tpu.memory_space<semaphore_mem>>, %arg18: memref<!tpu.dma_semaphore, #tpu.memory_space<semaphore_mem>>, %arg19: memref<!tpu.dma_semaphore, #tpu.memory_space<semaphore_mem>>, %arg20: memref<!tpu.dma_semaphore, #tpu.memory_space<semaphore_mem>>, %arg21: memref<!tpu.dma_semaphore, #tpu.memory_space<semaphore_mem>>, %arg22: memref<!tpu.dma_semaphore, #tpu.memory_space<semaphore_mem>>, %arg23: memref<!tpu.dma_semaphore, #tpu.memory_space<semaphore_mem>>, %arg24: memref<!tpu.dma_semaphore, #tpu.memory_space<semaphore_mem>>, %arg25: memref<!tpu.dma_semaphore, #tpu.memory_space<semaphore_mem>>, %arg26: memref<!tpu.dma_semaphore, #tpu.memory_space<semaphore_mem>>, %arg27: memref<!tpu.dma_semaphore, #tpu.memory_space<semaphore_mem>>, %arg28: memref<!tpu.dma_semaphore, #tpu.memory_space<semaphore_mem>>) attributes {dimension_semantics = [#tpu.dimension_semantics<core_parallel>, #tpu.dimension_semantics<subcore_parallel>], iteration_bounds = array<i64: 2, 16>, scalar_prefetch = 0 : i64, scratch_operands = 22 : i64, tpu.core_type = #tpu.core_type<sc_vector_subcore>, window_params = [{transform_indices = #map}, {transform_indices = #map1}, {transform_indices = #map1}, {transform_indices = #map}, {transform_indices = #map}]} {
    %mul3A = arith.constant 2 : i32
    %mul3A_0 = arith.muli %arg1, %mul3A : i32
    %add3A = arith.addi %mul3A_0, %arg0 : i32
    "tpu.region"() ({
      %run_scoped3A = tpu.sem_alloc : memref<!tpu.dma_semaphore, #tpu.memory_space<semaphore_mem>>
      tpu.enqueue_dma source(%arg5 : memref<128x128xf32, #tpu.memory_space<hbm>>) target(%arg8 : memref<128x128xf32, #tpu.memory_space<vmem>>) target_semaphore(%run_scoped3A : memref<!tpu.dma_semaphore, #tpu.memory_space<semaphore_mem>>)
      tpu.wait_dma2 semaphore(%run_scoped3A : memref<!tpu.dma_semaphore, #tpu.memory_space<semaphore_mem>>) src(%arg5 : memref<128x128xf32, #tpu.memory_space<hbm>>) dst(%arg8 : memref<128x128xf32, #tpu.memory_space<vmem>>)
      tpu.yield
    }) : () -> ()
    %scan3A = arith.constant 0 : i32
    %scan3A_1 = arith.constant 0 : i32
    %scan3A_2 = arith.constant 5 : i32
    %scan3A_3 = arith.addi %scan3A_1, %scan3A_2 : i32
    %scan3A_4 = arith.constant 1 : i32
    scf.for %scan3A_88 = %scan3A_1 to %scan3A_3 step %scan3A_4  : i32 {
      %mul3A_89 = arith.constant 16 : i32
      %mul3A_90 = arith.muli %scan3A_88, %mul3A_89 : i32
      %add3A_91 = arith.addi %mul3A_90, %arg1 : i32
      %lt3A = arith.constant 78 : i32
      %lt3A_92 = arith.cmpi slt, %add3A_91, %lt3A : i32
      %convert_element_type3A = arith.extui %lt3A_92 : i1 to i32
      %cond3A = arith.constant 0 : i32
      %cond3A_93 = arith.cmpi ne, %convert_element_type3A, %cond3A : i32
      scf.if %cond3A_93 {
        %mul3A_98 = arith.constant 128 : i32
        %mul3A_99 = arith.muli %add3A_91, %mul3A_98 : i32
        "tpu.region"() ({
          %run_scoped3A = tpu.sem_alloc : memref<!tpu.dma_semaphore, #tpu.memory_space<semaphore_mem>>
          %dma_start3A_100 = arith.constant 0 : i32
          %dma_start3A_101 = tpu.memref_slice %arg7[%mul3A_99, %dma_start3A_100] : memref<10016x128xf32, #tpu.memory_space<vmem_shared>> -> memref<128x128xf32, #tpu.memory_space<vmem_shared>>
          %dma_start3A_102 = arith.constant 0 : i32
          %dma_start3A_103 = tpu.memref_slice %arg7[%mul3A_99, %dma_start3A_102] : memref<10016x128xf32, #tpu.memory_space<vmem_shared>> -> memref<128x128xf32, #tpu.memory_space<vmem_shared>>
          tpu.enqueue_dma source(%arg8 : memref<128x128xf32, #tpu.memory_space<vmem>>) target(%dma_start3A_103 : memref<128x128xf32, #tpu.memory_space<vmem_shared>>) target_semaphore(%run_scoped3A : memref<!tpu.dma_semaphore, #tpu.memory_space<semaphore_mem>>)
          %dma_wait3A_104 = arith.constant 0 : i32
          %dma_wait3A_105 = tpu.memref_slice %arg7[%mul3A_99, %dma_wait3A_104] : memref<10016x128xf32, #tpu.memory_space<vmem_shared>> -> memref<128x128xf32, #tpu.memory_space<vmem_shared>>
          %dma_wait3A_106 = arith.constant 0 : i32
          %dma_wait3A_107 = tpu.memref_slice %arg7[%mul3A_99, %dma_wait3A_106] : memref<10016x128xf32, #tpu.memory_space<vmem_shared>> -> memref<128x128xf32, #tpu.memory_space<vmem_shared>>
          tpu.wait_dma2 semaphore(%run_scoped3A : memref<!tpu.dma_semaphore, #tpu.memory_space<semaphore_mem>>) src(%arg8 : memref<128x128xf32, #tpu.memory_space<vmem>>) dst(%dma_wait3A_107 : memref<128x128xf32, #tpu.memory_space<vmem_shared>>)
          tpu.yield
        }) : () -> ()
      } else {
      }
      %eq3A = arith.constant 78 : i32
      %eq3A_94 = arith.cmpi eq, %add3A_91, %eq3A : i32
      %convert_element_type3A_95 = arith.extui %eq3A_94 : i1 to i32
      %cond3A_96 = arith.constant 0 : i32
      %cond3A_97 = arith.cmpi ne, %convert_element_type3A_95, %cond3A_96 : i32
      scf.if %cond3A_97 {
        "tpu.region"() ({
          %run_scoped3A = tpu.sem_alloc : memref<!tpu.dma_semaphore, #tpu.memory_space<semaphore_mem>>
          %dma_start3A_98 = arith.constant 0 : i32
          %dma_start3A_99 = arith.constant 0 : i32
          %dma_start3A_100 = tpu.memref_slice %arg8[%dma_start3A_98, %dma_start3A_99] : memref<128x128xf32, #tpu.memory_space<vmem>> -> memref<16x128xf32, #tpu.memory_space<vmem>>
          %dma_start3A_101 = arith.constant 9984 : i32
          %dma_start3A_102 = arith.constant 0 : i32
          %dma_start3A_103 = tpu.memref_slice %arg7[%dma_start3A_101, %dma_start3A_102] : memref<10016x128xf32, #tpu.memory_space<vmem_shared>> -> memref<16x128xf32, #tpu.memory_space<vmem_shared>>
          %dma_start3A_104 = arith.constant 9984 : i32
          %dma_start3A_105 = arith.constant 0 : i32
          %dma_start3A_106 = tpu.memref_slice %arg7[%dma_start3A_104, %dma_start3A_105] : memref<10016x128xf32, #tpu.memory_space<vmem_shared>> -> memref<16x128xf32, #tpu.memory_space<vmem_shared>>
          %dma_start3A_107 = arith.constant 0 : i32
          %dma_start3A_108 = arith.constant 0 : i32
          %dma_start3A_109 = tpu.memref_slice %arg8[%dma_start3A_107, %dma_start3A_108] : memref<128x128xf32, #tpu.memory_space<vmem>> -> memref<16x128xf32, #tpu.memory_space<vmem>>
          tpu.enqueue_dma source(%dma_start3A_109 : memref<16x128xf32, #tpu.memory_space<vmem>>) target(%dma_start3A_106 : memref<16x128xf32, #tpu.memory_space<vmem_shared>>) target_semaphore(%run_scoped3A : memref<!tpu.dma_semaphore, #tpu.memory_space<semaphore_mem>>)
          %dma_wait3A_110 = arith.constant 0 : i32
          %dma_wait3A_111 = arith.constant 0 : i32
          %dma_wait3A_112 = tpu.memref_slice %arg8[%dma_wait3A_110, %dma_wait3A_111] : memref<128x128xf32, #tpu.memory_space<vmem>> -> memref<16x128xf32, #tpu.memory_space<vmem>>
          %dma_wait3A_113 = arith.constant 9984 : i32
          %dma_wait3A_114 = arith.constant 0 : i32
          %dma_wait3A_115 = tpu.memref_slice %arg7[%dma_wait3A_113, %dma_wait3A_114] : memref<10016x128xf32, #tpu.memory_space<vmem_shared>> -> memref<16x128xf32, #tpu.memory_space<vmem_shared>>
          %dma_wait3A_116 = arith.constant 9984 : i32
          %dma_wait3A_117 = arith.constant 0 : i32
          %dma_wait3A_118 = tpu.memref_slice %arg7[%dma_wait3A_116, %dma_wait3A_117] : memref<10016x128xf32, #tpu.memory_space<vmem_shared>> -> memref<16x128xf32, #tpu.memory_space<vmem_shared>>
          %dma_wait3A_119 = arith.constant 0 : i32
          %dma_wait3A_120 = arith.constant 0 : i32
          %dma_wait3A_121 = tpu.memref_slice %arg8[%dma_wait3A_119, %dma_wait3A_120] : memref<128x128xf32, #tpu.memory_space<vmem>> -> memref<16x128xf32, #tpu.memory_space<vmem>>
          tpu.wait_dma2 semaphore(%run_scoped3A : memref<!tpu.dma_semaphore, #tpu.memory_space<semaphore_mem>>) src(%dma_wait3A_121 : memref<16x128xf32, #tpu.memory_space<vmem>>) dst(%dma_wait3A_118 : memref<16x128xf32, #tpu.memory_space<vmem_shared>>)
          tpu.yield
        }) : () -> ()
      } else {
      }
    }
    %scan3A_5 = arith.constant 5 : i32
    %mul3A_6 = arith.constant 10112 : i32
    %mul3A_7 = arith.muli %add3A, %mul3A_6 : i32
    %add3A_8 = arith.constant 0 : i32
    %add3A_9 = arith.addi %mul3A_7, %add3A_8 : i32
    %dma_start3A = tpu.memref_slice %arg3[%add3A_9] : memref<323584xi32, #tpu.memory_space<hbm>> -> memref<128xi32, #tpu.memory_space<hbm>>
    %dma_start3A_10 = tpu.memref_slice %arg3[%add3A_9] : memref<323584xi32, #tpu.memory_space<hbm>> -> memref<128xi32, #tpu.memory_space<hbm>>
    tpu.enqueue_dma source(%dma_start3A_10 : memref<128xi32, #tpu.memory_space<hbm>>) target(%arg11 : memref<128xi32, #tpu.memory_space<vmem>>) target_semaphore(%arg23 : memref<!tpu.dma_semaphore, #tpu.memory_space<semaphore_mem>>)
    %mul3A_11 = arith.constant 10112 : i32
    %mul3A_12 = arith.muli %add3A, %mul3A_11 : i32
    %add3A_13 = arith.constant 0 : i32
    %add3A_14 = arith.addi %mul3A_12, %add3A_13 : i32
    %dma_start3A_15 = tpu.memref_slice %arg4[%add3A_14] : memref<323584xi32, #tpu.memory_space<hbm>> -> memref<128xi32, #tpu.memory_space<hbm>>
    %dma_start3A_16 = tpu.memref_slice %arg4[%add3A_14] : memref<323584xi32, #tpu.memory_space<hbm>> -> memref<128xi32, #tpu.memory_space<hbm>>
    tpu.enqueue_dma source(%dma_start3A_16 : memref<128xi32, #tpu.memory_space<hbm>>) target(%arg14 : memref<128xi32, #tpu.memory_space<vmem>>) target_semaphore(%arg26 : memref<!tpu.dma_semaphore, #tpu.memory_space<semaphore_mem>>)
    %mul3A_17 = arith.constant 10112 : i32
    %mul3A_18 = arith.muli %add3A, %mul3A_17 : i32
    %add3A_19 = arith.constant 128 : i32
    %add3A_20 = arith.addi %mul3A_18, %add3A_19 : i32
    %dma_start3A_21 = tpu.memref_slice %arg3[%add3A_20] : memref<323584xi32, #tpu.memory_space<hbm>> -> memref<128xi32, #tpu.memory_space<hbm>>
    %dma_start3A_22 = tpu.memref_slice %arg3[%add3A_20] : memref<323584xi32, #tpu.memory_space<hbm>> -> memref<128xi32, #tpu.memory_space<hbm>>
    tpu.enqueue_dma source(%dma_start3A_22 : memref<128xi32, #tpu.memory_space<hbm>>) target(%arg12 : memref<128xi32, #tpu.memory_space<vmem>>) target_semaphore(%arg24 : memref<!tpu.dma_semaphore, #tpu.memory_space<semaphore_mem>>)
    %mul3A_23 = arith.constant 10112 : i32
    %mul3A_24 = arith.muli %add3A, %mul3A_23 : i32
    %add3A_25 = arith.constant 128 : i32
    %add3A_26 = arith.addi %mul3A_24, %add3A_25 : i32
    %dma_start3A_27 = tpu.memref_slice %arg4[%add3A_26] : memref<323584xi32, #tpu.memory_space<hbm>> -> memref<128xi32, #tpu.memory_space<hbm>>
    %dma_start3A_28 = tpu.memref_slice %arg4[%add3A_26] : memref<323584xi32, #tpu.memory_space<hbm>> -> memref<128xi32, #tpu.memory_space<hbm>>
    tpu.enqueue_dma source(%dma_start3A_28 : memref<128xi32, #tpu.memory_space<hbm>>) target(%arg15 : memref<128xi32, #tpu.memory_space<vmem>>) target_semaphore(%arg27 : memref<!tpu.dma_semaphore, #tpu.memory_space<semaphore_mem>>)
    %mul3A_29 = arith.constant 10112 : i32
    %mul3A_30 = arith.muli %add3A, %mul3A_29 : i32
    %add3A_31 = arith.constant 256 : i32
    %add3A_32 = arith.addi %mul3A_30, %add3A_31 : i32
    %dma_start3A_33 = tpu.memref_slice %arg3[%add3A_32] : memref<323584xi32, #tpu.memory_space<hbm>> -> memref<128xi32, #tpu.memory_space<hbm>>
    %dma_start3A_34 = tpu.memref_slice %arg3[%add3A_32] : memref<323584xi32, #tpu.memory_space<hbm>> -> memref<128xi32, #tpu.memory_space<hbm>>
    tpu.enqueue_dma source(%dma_start3A_34 : memref<128xi32, #tpu.memory_space<hbm>>) target(%arg13 : memref<128xi32, #tpu.memory_space<vmem>>) target_semaphore(%arg25 : memref<!tpu.dma_semaphore, #tpu.memory_space<semaphore_mem>>)
    %mul3A_35 = arith.constant 10112 : i32
    %mul3A_36 = arith.muli %add3A, %mul3A_35 : i32
    %add3A_37 = arith.constant 256 : i32
    %add3A_38 = arith.addi %mul3A_36, %add3A_37 : i32
    %dma_start3A_39 = tpu.memref_slice %arg4[%add3A_38] : memref<323584xi32, #tpu.memory_space<hbm>> -> memref<128xi32, #tpu.memory_space<hbm>>
    %dma_start3A_40 = tpu.memref_slice %arg4[%add3A_38] : memref<323584xi32, #tpu.memory_space<hbm>> -> memref<128xi32, #tpu.memory_space<hbm>>
    tpu.enqueue_dma source(%dma_start3A_40 : memref<128xi32, #tpu.memory_space<hbm>>) target(%arg16 : memref<128xi32, #tpu.memory_space<vmem>>) target_semaphore(%arg28 : memref<!tpu.dma_semaphore, #tpu.memory_space<semaphore_mem>>)
    %barrier3A = arith.constant 0 : index
    tpu.barrier barrier_id(%barrier3A)
    %scan3A_41 = arith.constant 0 : i32
    %scan3A_42 = arith.constant 0 : i32
    %scan3A_43 = arith.constant 26 : i32
    %scan3A_44 = arith.addi %scan3A_42, %scan3A_43 : i32
    %scan3A_45 = arith.constant 1 : i32
    scf.for %scan3A_88 = %scan3A_42 to %scan3A_44 step %scan3A_45  : i32 {
      %mul3A_89 = arith.constant 3 : i32
      %mul3A_90 = arith.muli %scan3A_88, %mul3A_89 : i32
      %add3A_91 = arith.constant 0 : i32
      %add3A_92 = arith.addi %mul3A_90, %add3A_91 : i32
      %gt3A = arith.constant 0 : i32
      %gt3A_93 = arith.cmpi sgt, %scan3A_88, %gt3A : i32
      %convert_element_type3A = arith.extui %gt3A_93 : i1 to i32
      %cond3A = arith.constant 0 : i32
      %cond3A_94 = arith.cmpi ne, %convert_element_type3A, %cond3A : i32
      scf.if %cond3A_94 {
        %dma_wait3A_205 = arith.constant 0 : i32
        %dma_wait3A_206 = arith.constant 0 : i32
        %dma_wait3A_207 = tpu.memref_slice %arg2[%dma_wait3A_205, %dma_wait3A_206] : memref<10000x128xf32, #tpu.memory_space<hbm>> -> memref<128x128xf32, #tpu.memory_space<hbm>>
        %dma_wait3A_208 = arith.constant 0 : i32
        %dma_wait3A_209 = arith.constant 0 : i32
        %dma_wait3A_210 = tpu.memref_slice %arg2[%dma_wait3A_208, %dma_wait3A_209] : memref<10000x128xf32, #tpu.memory_space<hbm>> -> memref<128x128xf32, #tpu.memory_space<hbm>>
        tpu.wait_dma2 semaphore(%arg20 : memref<!tpu.dma_semaphore, #tpu.memory_space<semaphore_mem>>) src(%dma_wait3A_210 : memref<128x128xf32, #tpu.memory_space<hbm>>) dst(%arg8 : memref<128x128xf32, #tpu.memory_space<vmem>>)
        %mul3A_211 = arith.constant 10112 : i32
        %mul3A_212 = arith.muli %add3A, %mul3A_211 : i32
        %mul3A_213 = arith.constant 128 : i32
        %mul3A_214 = arith.muli %add3A_92, %mul3A_213 : i32
        %add3A_215 = arith.addi %mul3A_212, %mul3A_214 : i32
        %dma_start3A_216 = tpu.memref_slice %arg4[%add3A_215] : memref<323584xi32, #tpu.memory_space<hbm>> -> memref<128xi32, #tpu.memory_space<hbm>>
        %dma_start3A_217 = tpu.memref_slice %arg4[%add3A_215] : memref<323584xi32, #tpu.memory_space<hbm>> -> memref<128xi32, #tpu.memory_space<hbm>>
        tpu.enqueue_dma source(%dma_start3A_217 : memref<128xi32, #tpu.memory_space<hbm>>) target(%arg14 : memref<128xi32, #tpu.memory_space<vmem>>) target_semaphore(%arg26 : memref<!tpu.dma_semaphore, #tpu.memory_space<semaphore_mem>>)
      } else {
      }
      %dma_wait3A_95 = arith.constant 0 : i32
      %dma_wait3A_96 = tpu.memref_slice %arg3[%dma_wait3A_95] : memref<323584xi32, #tpu.memory_space<hbm>> -> memref<128xi32, #tpu.memory_space<hbm>>
      %dma_wait3A_97 = arith.constant 0 : i32
      %dma_wait3A_98 = tpu.memref_slice %arg3[%dma_wait3A_97] : memref<323584xi32, #tpu.memory_space<hbm>> -> memref<128xi32, #tpu.memory_space<hbm>>
      tpu.wait_dma2 semaphore(%arg23 : memref<!tpu.dma_semaphore, #tpu.memory_space<semaphore_mem>>) src(%dma_wait3A_98 : memref<128xi32, #tpu.memory_space<hbm>>) dst(%arg11 : memref<128xi32, #tpu.memory_space<vmem>>)
      %dma_start3A_99 = arith.constant 0 : i32
      %dma_start3A_100 = arith.constant 0 : i32
      %dma_start3A_101 = tpu.memref_slice %arg2[%dma_start3A_99, %dma_start3A_100] : memref<10000x128xf32, #tpu.memory_space<hbm>> -> memref<10000x128xf32, #tpu.memory_space<hbm>>
      tpu.enqueue_indirect_dma source(%dma_start3A_101 : memref<10000x128xf32, #tpu.memory_space<hbm>>) target(%arg8 : memref<128x128xf32, #tpu.memory_space<vmem>>) offsets(%arg11 : memref<128xi32, #tpu.memory_space<vmem>>) semaphore(%arg17 : memref<!tpu.dma_semaphore, #tpu.memory_space<semaphore_mem>>)
      %mul3A_102 = arith.constant 3 : i32
      %mul3A_103 = arith.muli %scan3A_88, %mul3A_102 : i32
      %add3A_104 = arith.constant 1 : i32
      %add3A_105 = arith.addi %mul3A_103, %add3A_104 : i32
      %gt3A_106 = arith.constant 0 : i32
      %gt3A_107 = arith.cmpi sgt, %scan3A_88, %gt3A_106 : i32
      %convert_element_type3A_108 = arith.extui %gt3A_107 : i1 to i32
      %cond3A_109 = arith.constant 0 : i32
      %cond3A_110 = arith.cmpi ne, %convert_element_type3A_108, %cond3A_109 : i32
      scf.if %cond3A_110 {
        %dma_wait3A_205 = arith.constant 0 : i32
        %dma_wait3A_206 = arith.constant 0 : i32
        %dma_wait3A_207 = tpu.memref_slice %arg2[%dma_wait3A_205, %dma_wait3A_206] : memref<10000x128xf32, #tpu.memory_space<hbm>> -> memref<128x128xf32, #tpu.memory_space<hbm>>
        %dma_wait3A_208 = arith.constant 0 : i32
        %dma_wait3A_209 = arith.constant 0 : i32
        %dma_wait3A_210 = tpu.memref_slice %arg2[%dma_wait3A_208, %dma_wait3A_209] : memref<10000x128xf32, #tpu.memory_space<hbm>> -> memref<128x128xf32, #tpu.memory_space<hbm>>
        tpu.wait_dma2 semaphore(%arg21 : memref<!tpu.dma_semaphore, #tpu.memory_space<semaphore_mem>>) src(%dma_wait3A_210 : memref<128x128xf32, #tpu.memory_space<hbm>>) dst(%arg9 : memref<128x128xf32, #tpu.memory_space<vmem>>)
        %mul3A_211 = arith.constant 10112 : i32
        %mul3A_212 = arith.muli %add3A, %mul3A_211 : i32
        %mul3A_213 = arith.constant 128 : i32
        %mul3A_214 = arith.muli %add3A_105, %mul3A_213 : i32
        %add3A_215 = arith.addi %mul3A_212, %mul3A_214 : i32
        %dma_start3A_216 = tpu.memref_slice %arg4[%add3A_215] : memref<323584xi32, #tpu.memory_space<hbm>> -> memref<128xi32, #tpu.memory_space<hbm>>
        %dma_start3A_217 = tpu.memref_slice %arg4[%add3A_215] : memref<323584xi32, #tpu.memory_space<hbm>> -> memref<128xi32, #tpu.memory_space<hbm>>
        tpu.enqueue_dma source(%dma_start3A_217 : memref<128xi32, #tpu.memory_space<hbm>>) target(%arg15 : memref<128xi32, #tpu.memory_space<vmem>>) target_semaphore(%arg27 : memref<!tpu.dma_semaphore, #tpu.memory_space<semaphore_mem>>)
      } else {
      }
      %dma_wait3A_111 = arith.constant 0 : i32
      %dma_wait3A_112 = tpu.memref_slice %arg3[%dma_wait3A_111] : memref<323584xi32, #tpu.memory_space<hbm>> -> memref<128xi32, #tpu.memory_space<hbm>>
      %dma_wait3A_113 = arith.constant 0 : i32
      %dma_wait3A_114 = tpu.memref_slice %arg3[%dma_wait3A_113] : memref<323584xi32, #tpu.memory_space<hbm>> -> memref<128xi32, #tpu.memory_space<hbm>>
      tpu.wait_dma2 semaphore(%arg24 : memref<!tpu.dma_semaphore, #tpu.memory_space<semaphore_mem>>) src(%dma_wait3A_114 : memref<128xi32, #tpu.memory_space<hbm>>) dst(%arg12 : memref<128xi32, #tpu.memory_space<vmem>>)
      %dma_start3A_115 = arith.constant 0 : i32
      %dma_start3A_116 = arith.constant 0 : i32
      %dma_start3A_117 = tpu.memref_slice %arg2[%dma_start3A_115, %dma_start3A_116] : memref<10000x128xf32, #tpu.memory_space<hbm>> -> memref<10000x128xf32, #tpu.memory_space<hbm>>
      tpu.enqueue_indirect_dma source(%dma_start3A_117 : memref<10000x128xf32, #tpu.memory_space<hbm>>) target(%arg9 : memref<128x128xf32, #tpu.memory_space<vmem>>) offsets(%arg12 : memref<128xi32, #tpu.memory_space<vmem>>) semaphore(%arg18 : memref<!tpu.dma_semaphore, #tpu.memory_space<semaphore_mem>>)
      %mul3A_118 = arith.constant 3 : i32
      %mul3A_119 = arith.muli %scan3A_88, %mul3A_118 : i32
      %add3A_120 = arith.constant 2 : i32
      %add3A_121 = arith.addi %mul3A_119, %add3A_120 : i32
      %gt3A_122 = arith.constant 0 : i32
      %gt3A_123 = arith.cmpi sgt, %scan3A_88, %gt3A_122 : i32
      %convert_element_type3A_124 = arith.extui %gt3A_123 : i1 to i32
      %cond3A_125 = arith.constant 0 : i32
      %cond3A_126 = arith.cmpi ne, %convert_element_type3A_124, %cond3A_125 : i32
      scf.if %cond3A_126 {
        %dma_wait3A_205 = arith.constant 0 : i32
        %dma_wait3A_206 = arith.constant 0 : i32
        %dma_wait3A_207 = tpu.memref_slice %arg2[%dma_wait3A_205, %dma_wait3A_206] : memref<10000x128xf32, #tpu.memory_space<hbm>> -> memref<128x128xf32, #tpu.memory_space<hbm>>
        %dma_wait3A_208 = arith.constant 0 : i32
        %dma_wait3A_209 = arith.constant 0 : i32
        %dma_wait3A_210 = tpu.memref_slice %arg2[%dma_wait3A_208, %dma_wait3A_209] : memref<10000x128xf32, #tpu.memory_space<hbm>> -> memref<128x128xf32, #tpu.memory_space<hbm>>
        tpu.wait_dma2 semaphore(%arg22 : memref<!tpu.dma_semaphore, #tpu.memory_space<semaphore_mem>>) src(%dma_wait3A_210 : memref<128x128xf32, #tpu.memory_space<hbm>>) dst(%arg10 : memref<128x128xf32, #tpu.memory_space<vmem>>)
        %mul3A_211 = arith.constant 10112 : i32
        %mul3A_212 = arith.muli %add3A, %mul3A_211 : i32
        %mul3A_213 = arith.constant 128 : i32
        %mul3A_214 = arith.muli %add3A_121, %mul3A_213 : i32
        %add3A_215 = arith.addi %mul3A_212, %mul3A_214 : i32
        %dma_start3A_216 = tpu.memref_slice %arg4[%add3A_215] : memref<323584xi32, #tpu.memory_space<hbm>> -> memref<128xi32, #tpu.memory_space<hbm>>
        %dma_start3A_217 = tpu.memref_slice %arg4[%add3A_215] : memref<323584xi32, #tpu.memory_space<hbm>> -> memref<128xi32, #tpu.memory_space<hbm>>
        tpu.enqueue_dma source(%dma_start3A_217 : memref<128xi32, #tpu.memory_space<hbm>>) target(%arg16 : memref<128xi32, #tpu.memory_space<vmem>>) target_semaphore(%arg28 : memref<!tpu.dma_semaphore, #tpu.memory_space<semaphore_mem>>)
      } else {
      }
      %dma_wait3A_127 = arith.constant 0 : i32
      %dma_wait3A_128 = tpu.memref_slice %arg3[%dma_wait3A_127] : memref<323584xi32, #tpu.memory_space<hbm>> -> memref<128xi32, #tpu.memory_space<hbm>>
      %dma_wait3A_129 = arith.constant 0 : i32
      %dma_wait3A_130 = tpu.memref_slice %arg3[%dma_wait3A_129] : memref<323584xi32, #tpu.memory_space<hbm>> -> memref<128xi32, #tpu.memory_space<hbm>>
      tpu.wait_dma2 semaphore(%arg25 : memref<!tpu.dma_semaphore, #tpu.memory_space<semaphore_mem>>) src(%dma_wait3A_130 : memref<128xi32, #tpu.memory_space<hbm>>) dst(%arg13 : memref<128xi32, #tpu.memory_space<vmem>>)
      %dma_start3A_131 = arith.constant 0 : i32
      %dma_start3A_132 = arith.constant 0 : i32
      %dma_start3A_133 = tpu.memref_slice %arg2[%dma_start3A_131, %dma_start3A_132] : memref<10000x128xf32, #tpu.memory_space<hbm>> -> memref<10000x128xf32, #tpu.memory_space<hbm>>
      tpu.enqueue_indirect_dma source(%dma_start3A_133 : memref<10000x128xf32, #tpu.memory_space<hbm>>) target(%arg10 : memref<128x128xf32, #tpu.memory_space<vmem>>) offsets(%arg13 : memref<128xi32, #tpu.memory_space<vmem>>) semaphore(%arg19 : memref<!tpu.dma_semaphore, #tpu.memory_space<semaphore_mem>>)
      %mul3A_134 = arith.constant 3 : i32
      %mul3A_135 = arith.muli %scan3A_88, %mul3A_134 : i32
      %add3A_136 = arith.constant 0 : i32
      %add3A_137 = arith.addi %mul3A_135, %add3A_136 : i32
      %dma_wait3A_138 = arith.constant 0 : i32
      %dma_wait3A_139 = arith.constant 0 : i32
      %dma_wait3A_140 = tpu.memref_slice %arg2[%dma_wait3A_138, %dma_wait3A_139] : memref<10000x128xf32, #tpu.memory_space<hbm>> -> memref<128x128xf32, #tpu.memory_space<hbm>>
      %dma_wait3A_141 = arith.constant 0 : i32
      %dma_wait3A_142 = arith.constant 0 : i32
      %dma_wait3A_143 = tpu.memref_slice %arg2[%dma_wait3A_141, %dma_wait3A_142] : memref<10000x128xf32, #tpu.memory_space<hbm>> -> memref<128x128xf32, #tpu.memory_space<hbm>>
      tpu.wait_dma2 semaphore(%arg17 : memref<!tpu.dma_semaphore, #tpu.memory_space<semaphore_mem>>) src(%dma_wait3A_143 : memref<128x128xf32, #tpu.memory_space<hbm>>) dst(%arg8 : memref<128x128xf32, #tpu.memory_space<vmem>>)
      %add3A_144 = arith.constant 3 : i32
      %add3A_145 = arith.addi %add3A_137, %add3A_144 : i32
      %lt3A = arith.constant 79 : i32
      %lt3A_146 = arith.cmpi slt, %add3A_145, %lt3A : i32
      %convert_element_type3A_147 = arith.extui %lt3A_146 : i1 to i32
      %cond3A_148 = arith.constant 0 : i32
      %cond3A_149 = arith.cmpi ne, %convert_element_type3A_147, %cond3A_148 : i32
      scf.if %cond3A_149 {
        %mul3A_205 = arith.constant 10112 : i32
        %mul3A_206 = arith.muli %add3A, %mul3A_205 : i32
        %add3A_207 = arith.constant 3 : i32
        %add3A_208 = arith.addi %add3A_137, %add3A_207 : i32
        %mul3A_209 = arith.constant 128 : i32
        %mul3A_210 = arith.muli %add3A_208, %mul3A_209 : i32
        %add3A_211 = arith.addi %mul3A_206, %mul3A_210 : i32
        %dma_start3A_212 = tpu.memref_slice %arg3[%add3A_211] : memref<323584xi32, #tpu.memory_space<hbm>> -> memref<128xi32, #tpu.memory_space<hbm>>
        %dma_start3A_213 = tpu.memref_slice %arg3[%add3A_211] : memref<323584xi32, #tpu.memory_space<hbm>> -> memref<128xi32, #tpu.memory_space<hbm>>
        tpu.enqueue_dma source(%dma_start3A_213 : memref<128xi32, #tpu.memory_space<hbm>>) target(%arg11 : memref<128xi32, #tpu.memory_space<vmem>>) target_semaphore(%arg23 : memref<!tpu.dma_semaphore, #tpu.memory_space<semaphore_mem>>)
      } else {
      }
      %dma_wait3A_150 = arith.constant 0 : i32
      %dma_wait3A_151 = tpu.memref_slice %arg4[%dma_wait3A_150] : memref<323584xi32, #tpu.memory_space<hbm>> -> memref<128xi32, #tpu.memory_space<hbm>>
      %dma_wait3A_152 = arith.constant 0 : i32
      %dma_wait3A_153 = tpu.memref_slice %arg4[%dma_wait3A_152] : memref<323584xi32, #tpu.memory_space<hbm>> -> memref<128xi32, #tpu.memory_space<hbm>>
      tpu.wait_dma2 semaphore(%arg26 : memref<!tpu.dma_semaphore, #tpu.memory_space<semaphore_mem>>) src(%dma_wait3A_153 : memref<128xi32, #tpu.memory_space<hbm>>) dst(%arg14 : memref<128xi32, #tpu.memory_space<vmem>>)
      %dma_start3A_154 = arith.constant 0 : i32
      %dma_start3A_155 = arith.constant 0 : i32
      %dma_start3A_156 = tpu.memref_slice %arg7[%dma_start3A_154, %dma_start3A_155] : memref<10016x128xf32, #tpu.memory_space<vmem_shared>> -> memref<10016x128xf32, #tpu.memory_space<vmem_shared>>
      tpu.enqueue_indirect_dma source(%arg8 : memref<128x128xf32, #tpu.memory_space<vmem>>) target(%dma_start3A_156 : memref<10016x128xf32, #tpu.memory_space<vmem_shared>>) offsets(%arg14 : memref<128xi32, #tpu.memory_space<vmem>>) semaphore(%arg20 : memref<!tpu.dma_semaphore, #tpu.memory_space<semaphore_mem>>) {add = true}
      %mul3A_157 = arith.constant 3 : i32
      %mul3A_158 = arith.muli %scan3A_88, %mul3A_157 : i32
      %add3A_159 = arith.constant 1 : i32
      %add3A_160 = arith.addi %mul3A_158, %add3A_159 : i32
      %dma_wait3A_161 = arith.constant 0 : i32
      %dma_wait3A_162 = arith.constant 0 : i32
      %dma_wait3A_163 = tpu.memref_slice %arg2[%dma_wait3A_161, %dma_wait3A_162] : memref<10000x128xf32, #tpu.memory_space<hbm>> -> memref<128x128xf32, #tpu.memory_space<hbm>>
      %dma_wait3A_164 = arith.constant 0 : i32
      %dma_wait3A_165 = arith.constant 0 : i32
      %dma_wait3A_166 = tpu.memref_slice %arg2[%dma_wait3A_164, %dma_wait3A_165] : memref<10000x128xf32, #tpu.memory_space<hbm>> -> memref<128x128xf32, #tpu.memory_space<hbm>>
      tpu.wait_dma2 semaphore(%arg18 : memref<!tpu.dma_semaphore, #tpu.memory_space<semaphore_mem>>) src(%dma_wait3A_166 : memref<128x128xf32, #tpu.memory_space<hbm>>) dst(%arg9 : memref<128x128xf32, #tpu.memory_space<vmem>>)
      %add3A_167 = arith.constant 3 : i32
      %add3A_168 = arith.addi %add3A_160, %add3A_167 : i32
      %lt3A_169 = arith.constant 79 : i32
      %lt3A_170 = arith.cmpi slt, %add3A_168, %lt3A_169 : i32
      %convert_element_type3A_171 = arith.extui %lt3A_170 : i1 to i32
      %cond3A_172 = arith.constant 0 : i32
      %cond3A_173 = arith.cmpi ne, %convert_element_type3A_171, %cond3A_172 : i32
      scf.if %cond3A_173 {
        %mul3A_205 = arith.constant 10112 : i32
        %mul3A_206 = arith.muli %add3A, %mul3A_205 : i32
        %add3A_207 = arith.constant 3 : i32
        %add3A_208 = arith.addi %add3A_160, %add3A_207 : i32
        %mul3A_209 = arith.constant 128 : i32
        %mul3A_210 = arith.muli %add3A_208, %mul3A_209 : i32
        %add3A_211 = arith.addi %mul3A_206, %mul3A_210 : i32
        %dma_start3A_212 = tpu.memref_slice %arg3[%add3A_211] : memref<323584xi32, #tpu.memory_space<hbm>> -> memref<128xi32, #tpu.memory_space<hbm>>
        %dma_start3A_213 = tpu.memref_slice %arg3[%add3A_211] : memref<323584xi32, #tpu.memory_space<hbm>> -> memref<128xi32, #tpu.memory_space<hbm>>
        tpu.enqueue_dma source(%dma_start3A_213 : memref<128xi32, #tpu.memory_space<hbm>>) target(%arg12 : memref<128xi32, #tpu.memory_space<vmem>>) target_semaphore(%arg24 : memref<!tpu.dma_semaphore, #tpu.memory_space<semaphore_mem>>)
      } else {
      }
      %dma_wait3A_174 = arith.constant 0 : i32
      %dma_wait3A_175 = tpu.memref_slice %arg4[%dma_wait3A_174] : memref<323584xi32, #tpu.memory_space<hbm>> -> memref<128xi32, #tpu.memory_space<hbm>>
      %dma_wait3A_176 = arith.constant 0 : i32
      %dma_wait3A_177 = tpu.memref_slice %arg4[%dma_wait3A_176] : memref<323584xi32, #tpu.memory_space<hbm>> -> memref<128xi32, #tpu.memory_space<hbm>>
      tpu.wait_dma2 semaphore(%arg27 : memref<!tpu.dma_semaphore, #tpu.memory_space<semaphore_mem>>) src(%dma_wait3A_177 : memref<128xi32, #tpu.memory_space<hbm>>) dst(%arg15 : memref<128xi32, #tpu.memory_space<vmem>>)
      %dma_start3A_178 = arith.constant 0 : i32
      %dma_start3A_179 = arith.constant 0 : i32
      %dma_start3A_180 = tpu.memref_slice %arg7[%dma_start3A_178, %dma_start3A_179] : memref<10016x128xf32, #tpu.memory_space<vmem_shared>> -> memref<10016x128xf32, #tpu.memory_space<vmem_shared>>
      tpu.enqueue_indirect_dma source(%arg9 : memref<128x128xf32, #tpu.memory_space<vmem>>) target(%dma_start3A_180 : memref<10016x128xf32, #tpu.memory_space<vmem_shared>>) offsets(%arg15 : memref<128xi32, #tpu.memory_space<vmem>>) semaphore(%arg21 : memref<!tpu.dma_semaphore, #tpu.memory_space<semaphore_mem>>) {add = true}
      %mul3A_181 = arith.constant 3 : i32
      %mul3A_182 = arith.muli %scan3A_88, %mul3A_181 : i32
      %add3A_183 = arith.constant 2 : i32
      %add3A_184 = arith.addi %mul3A_182, %add3A_183 : i32
      %dma_wait3A_185 = arith.constant 0 : i32
      %dma_wait3A_186 = arith.constant 0 : i32
      %dma_wait3A_187 = tpu.memref_slice %arg2[%dma_wait3A_185, %dma_wait3A_186] : memref<10000x128xf32, #tpu.memory_space<hbm>> -> memref<128x128xf32, #tpu.memory_space<hbm>>
      %dma_wait3A_188 = arith.constant 0 : i32
      %dma_wait3A_189 = arith.constant 0 : i32
      %dma_wait3A_190 = tpu.memref_slice %arg2[%dma_wait3A_188, %dma_wait3A_189] : memref<10000x128xf32, #tpu.memory_space<hbm>> -> memref<128x128xf32, #tpu.memory_space<hbm>>
      tpu.wait_dma2 semaphore(%arg19 : memref<!tpu.dma_semaphore, #tpu.memory_space<semaphore_mem>>) src(%dma_wait3A_190 : memref<128x128xf32, #tpu.memory_space<hbm>>) dst(%arg10 : memref<128x128xf32, #tpu.memory_space<vmem>>)
      %add3A_191 = arith.constant 3 : i32
      %add3A_192 = arith.addi %add3A_184, %add3A_191 : i32
      %lt3A_193 = arith.constant 79 : i32
      %lt3A_194 = arith.cmpi slt, %add3A_192, %lt3A_193 : i32
      %convert_element_type3A_195 = arith.extui %lt3A_194 : i1 to i32
      %cond3A_196 = arith.constant 0 : i32
      %cond3A_197 = arith.cmpi ne, %convert_element_type3A_195, %cond3A_196 : i32
      scf.if %cond3A_197 {
        %mul3A_205 = arith.constant 10112 : i32
        %mul3A_206 = arith.muli %add3A, %mul3A_205 : i32
        %add3A_207 = arith.constant 3 : i32
        %add3A_208 = arith.addi %add3A_184, %add3A_207 : i32
        %mul3A_209 = arith.constant 128 : i32
        %mul3A_210 = arith.muli %add3A_208, %mul3A_209 : i32
        %add3A_211 = arith.addi %mul3A_206, %mul3A_210 : i32
        %dma_start3A_212 = tpu.memref_slice %arg3[%add3A_211] : memref<323584xi32, #tpu.memory_space<hbm>> -> memref<128xi32, #tpu.memory_space<hbm>>
        %dma_start3A_213 = tpu.memref_slice %arg3[%add3A_211] : memref<323584xi32, #tpu.memory_space<hbm>> -> memref<128xi32, #tpu.memory_space<hbm>>
        tpu.enqueue_dma source(%dma_start3A_213 : memref<128xi32, #tpu.memory_space<hbm>>) target(%arg13 : memref<128xi32, #tpu.memory_space<vmem>>) target_semaphore(%arg25 : memref<!tpu.dma_semaphore, #tpu.memory_space<semaphore_mem>>)
      } else {
      }
      %dma_wait3A_198 = arith.constant 0 : i32
      %dma_wait3A_199 = tpu.memref_slice %arg4[%dma_wait3A_198] : memref<323584xi32, #tpu.memory_space<hbm>> -> memref<128xi32, #tpu.memory_space<hbm>>
      %dma_wait3A_200 = arith.constant 0 : i32
      %dma_wait3A_201 = tpu.memref_slice %arg4[%dma_wait3A_200] : memref<323584xi32, #tpu.memory_space<hbm>> -> memref<128xi32, #tpu.memory_space<hbm>>
      tpu.wait_dma2 semaphore(%arg28 : memref<!tpu.dma_semaphore, #tpu.memory_space<semaphore_mem>>) src(%dma_wait3A_201 : memref<128xi32, #tpu.memory_space<hbm>>) dst(%arg16 : memref<128xi32, #tpu.memory_space<vmem>>)
      %dma_start3A_202 = arith.constant 0 : i32
      %dma_start3A_203 = arith.constant 0 : i32
      %dma_start3A_204 = tpu.memref_slice %arg7[%dma_start3A_202, %dma_start3A_203] : memref<10016x128xf32, #tpu.memory_space<vmem_shared>> -> memref<10016x128xf32, #tpu.memory_space<vmem_shared>>
      tpu.enqueue_indirect_dma source(%arg10 : memref<128x128xf32, #tpu.memory_space<vmem>>) target(%dma_start3A_204 : memref<10016x128xf32, #tpu.memory_space<vmem_shared>>) offsets(%arg16 : memref<128xi32, #tpu.memory_space<vmem>>) semaphore(%arg22 : memref<!tpu.dma_semaphore, #tpu.memory_space<semaphore_mem>>) {add = true}
    }
    %scan3A_46 = arith.constant 26 : i32
    %dma_wait3A = arith.constant 0 : i32
    %dma_wait3A_47 = arith.constant 0 : i32
    %dma_wait3A_48 = tpu.memref_slice %arg2[%dma_wait3A, %dma_wait3A_47] : memref<10000x128xf32, #tpu.memory_space<hbm>> -> memref<128x128xf32, #tpu.memory_space<hbm>>
    %dma_wait3A_49 = arith.constant 0 : i32
    %dma_wait3A_50 = arith.constant 0 : i32
    %dma_wait3A_51 = tpu.memref_slice %arg2[%dma_wait3A_49, %dma_wait3A_50] : memref<10000x128xf32, #tpu.memory_space<hbm>> -> memref<128x128xf32, #tpu.memory_space<hbm>>
    tpu.wait_dma2 semaphore(%arg20 : memref<!tpu.dma_semaphore, #tpu.memory_space<semaphore_mem>>) src(%dma_wait3A_51 : memref<128x128xf32, #tpu.memory_space<hbm>>) dst(%arg8 : memref<128x128xf32, #tpu.memory_space<vmem>>)
    %dma_wait3A_52 = arith.constant 0 : i32
    %dma_wait3A_53 = arith.constant 0 : i32
    %dma_wait3A_54 = tpu.memref_slice %arg2[%dma_wait3A_52, %dma_wait3A_53] : memref<10000x128xf32, #tpu.memory_space<hbm>> -> memref<128x128xf32, #tpu.memory_space<hbm>>
    %dma_wait3A_55 = arith.constant 0 : i32
    %dma_wait3A_56 = arith.constant 0 : i32
    %dma_wait3A_57 = tpu.memref_slice %arg2[%dma_wait3A_55, %dma_wait3A_56] : memref<10000x128xf32, #tpu.memory_space<hbm>> -> memref<128x128xf32, #tpu.memory_space<hbm>>
    tpu.wait_dma2 semaphore(%arg21 : memref<!tpu.dma_semaphore, #tpu.memory_space<semaphore_mem>>) src(%dma_wait3A_57 : memref<128x128xf32, #tpu.memory_space<hbm>>) dst(%arg9 : memref<128x128xf32, #tpu.memory_space<vmem>>)
    %dma_wait3A_58 = arith.constant 0 : i32
    %dma_wait3A_59 = arith.constant 0 : i32
    %dma_wait3A_60 = tpu.memref_slice %arg2[%dma_wait3A_58, %dma_wait3A_59] : memref<10000x128xf32, #tpu.memory_space<hbm>> -> memref<128x128xf32, #tpu.memory_space<hbm>>
    %dma_wait3A_61 = arith.constant 0 : i32
    %dma_wait3A_62 = arith.constant 0 : i32
    %dma_wait3A_63 = tpu.memref_slice %arg2[%dma_wait3A_61, %dma_wait3A_62] : memref<10000x128xf32, #tpu.memory_space<hbm>> -> memref<128x128xf32, #tpu.memory_space<hbm>>
    tpu.wait_dma2 semaphore(%arg22 : memref<!tpu.dma_semaphore, #tpu.memory_space<semaphore_mem>>) src(%dma_wait3A_63 : memref<128x128xf32, #tpu.memory_space<hbm>>) dst(%arg10 : memref<128x128xf32, #tpu.memory_space<vmem>>)
    %dma_wait3A_64 = arith.constant 0 : i32
    %dma_wait3A_65 = tpu.memref_slice %arg3[%dma_wait3A_64] : memref<323584xi32, #tpu.memory_space<hbm>> -> memref<128xi32, #tpu.memory_space<hbm>>
    %dma_wait3A_66 = arith.constant 0 : i32
    %dma_wait3A_67 = tpu.memref_slice %arg3[%dma_wait3A_66] : memref<323584xi32, #tpu.memory_space<hbm>> -> memref<128xi32, #tpu.memory_space<hbm>>
    tpu.wait_dma2 semaphore(%arg23 : memref<!tpu.dma_semaphore, #tpu.memory_space<semaphore_mem>>) src(%dma_wait3A_67 : memref<128xi32, #tpu.memory_space<hbm>>) dst(%arg11 : memref<128xi32, #tpu.memory_space<vmem>>)
    %mul3A_68 = arith.constant 10112 : i32
    %mul3A_69 = arith.muli %add3A, %mul3A_68 : i32
    %add3A_70 = arith.constant 9984 : i32
    %add3A_71 = arith.addi %mul3A_69, %add3A_70 : i32
    "tpu.region"() ({
      %run_scoped3A = tpu.sem_alloc : memref<!tpu.dma_semaphore, #tpu.memory_space<semaphore_mem>>
      %dma_start3A_88 = tpu.memref_slice %arg4[%add3A_71] : memref<323584xi32, #tpu.memory_space<hbm>> -> memref<128xi32, #tpu.memory_space<hbm>>
      %dma_start3A_89 = tpu.memref_slice %arg4[%add3A_71] : memref<323584xi32, #tpu.memory_space<hbm>> -> memref<128xi32, #tpu.memory_space<hbm>>
      tpu.enqueue_dma source(%dma_start3A_89 : memref<128xi32, #tpu.memory_space<hbm>>) target(%arg14 : memref<128xi32, #tpu.memory_space<vmem>>) target_semaphore(%run_scoped3A : memref<!tpu.dma_semaphore, #tpu.memory_space<semaphore_mem>>)
      %dma_wait3A_90 = tpu.memref_slice %arg4[%add3A_71] : memref<323584xi32, #tpu.memory_space<hbm>> -> memref<128xi32, #tpu.memory_space<hbm>>
      %dma_wait3A_91 = tpu.memref_slice %arg4[%add3A_71] : memref<323584xi32, #tpu.memory_space<hbm>> -> memref<128xi32, #tpu.memory_space<hbm>>
      tpu.wait_dma2 semaphore(%run_scoped3A : memref<!tpu.dma_semaphore, #tpu.memory_space<semaphore_mem>>) src(%dma_wait3A_91 : memref<128xi32, #tpu.memory_space<hbm>>) dst(%arg14 : memref<128xi32, #tpu.memory_space<vmem>>)
      tpu.yield
    }) : () -> ()
    %dma_start3A_72 = arith.constant 0 : i32
    %dma_start3A_73 = arith.constant 0 : i32
    %dma_start3A_74 = tpu.memref_slice %arg2[%dma_start3A_72, %dma_start3A_73] : memref<10000x128xf32, #tpu.memory_space<hbm>> -> memref<10000x128xf32, #tpu.memory_space<hbm>>
    tpu.enqueue_indirect_dma source(%dma_start3A_74 : memref<10000x128xf32, #tpu.memory_space<hbm>>) target(%arg8 : memref<128x128xf32, #tpu.memory_space<vmem>>) offsets(%arg11 : memref<128xi32, #tpu.memory_space<vmem>>) semaphore(%arg17 : memref<!tpu.dma_semaphore, #tpu.memory_space<semaphore_mem>>)
    %dma_wait3A_75 = arith.constant 0 : i32
    %dma_wait3A_76 = arith.constant 0 : i32
    %dma_wait3A_77 = tpu.memref_slice %arg2[%dma_wait3A_75, %dma_wait3A_76] : memref<10000x128xf32, #tpu.memory_space<hbm>> -> memref<128x128xf32, #tpu.memory_space<hbm>>
    %dma_wait3A_78 = arith.constant 0 : i32
    %dma_wait3A_79 = arith.constant 0 : i32
    %dma_wait3A_80 = tpu.memref_slice %arg2[%dma_wait3A_78, %dma_wait3A_79] : memref<10000x128xf32, #tpu.memory_space<hbm>> -> memref<128x128xf32, #tpu.memory_space<hbm>>
    tpu.wait_dma2 semaphore(%arg17 : memref<!tpu.dma_semaphore, #tpu.memory_space<semaphore_mem>>) src(%dma_wait3A_80 : memref<128x128xf32, #tpu.memory_space<hbm>>) dst(%arg8 : memref<128x128xf32, #tpu.memory_space<vmem>>)
    "tpu.region"() ({
      %run_scoped3A = tpu.sem_alloc : memref<!tpu.dma_semaphore, #tpu.memory_space<semaphore_mem>>
      %dma_start3A_88 = arith.constant 0 : i32
      %dma_start3A_89 = arith.constant 0 : i32
      %dma_start3A_90 = tpu.memref_slice %arg7[%dma_start3A_88, %dma_start3A_89] : memref<10016x128xf32, #tpu.memory_space<vmem_shared>> -> memref<10016x128xf32, #tpu.memory_space<vmem_shared>>
      tpu.enqueue_indirect_dma source(%arg8 : memref<128x128xf32, #tpu.memory_space<vmem>>) target(%dma_start3A_90 : memref<10016x128xf32, #tpu.memory_space<vmem_shared>>) offsets(%arg14 : memref<128xi32, #tpu.memory_space<vmem>>) semaphore(%run_scoped3A : memref<!tpu.dma_semaphore, #tpu.memory_space<semaphore_mem>>) {add = true}
      %dma_wait3A_91 = arith.constant 0 : i32
      %dma_wait3A_92 = arith.constant 0 : i32
      %dma_wait3A_93 = tpu.memref_slice %arg7[%dma_wait3A_91, %dma_wait3A_92] : memref<10016x128xf32, #tpu.memory_space<vmem_shared>> -> memref<10016x128xf32, #tpu.memory_space<vmem_shared>>
      tpu.wait_indirect_dma semaphore(%run_scoped3A : memref<!tpu.dma_semaphore, #tpu.memory_space<semaphore_mem>>) src(%arg8 : memref<128x128xf32, #tpu.memory_space<vmem>>) dst(%dma_wait3A_93 : memref<10016x128xf32, #tpu.memory_space<vmem_shared>>)
      tpu.yield
    }) : () -> ()
    %barrier3A_81 = arith.constant 0 : index
    tpu.barrier barrier_id(%barrier3A_81)
    %scan3A_82 = arith.constant 0 : i32
    %scan3A_83 = arith.constant 0 : i32
    %scan3A_84 = arith.constant 5 : i32
    %scan3A_85 = arith.addi %scan3A_83, %scan3A_84 : i32
    %scan3A_86 = arith.constant 1 : i32
    scf.for %scan3A_88 = %scan3A_83 to %scan3A_85 step %scan3A_86  : i32 {
      %mul3A_89 = arith.constant 16 : i32
      %mul3A_90 = arith.muli %scan3A_88, %mul3A_89 : i32
      %add3A_91 = arith.addi %mul3A_90, %arg1 : i32
      %lt3A = arith.constant 78 : i32
      %lt3A_92 = arith.cmpi slt, %add3A_91, %lt3A : i32
      %convert_element_type3A = arith.extui %lt3A_92 : i1 to i32
      %cond3A = arith.constant 0 : i32
      %cond3A_93 = arith.cmpi ne, %convert_element_type3A, %cond3A : i32
      scf.if %cond3A_93 {
        %mul3A_98 = arith.constant 128 : i32
        %mul3A_99 = arith.muli %add3A_91, %mul3A_98 : i32
        "tpu.region"() ({
          %run_scoped3A = tpu.sem_alloc : memref<!tpu.dma_semaphore, #tpu.memory_space<semaphore_mem>>
          %dma_start3A_105 = arith.constant 0 : i32
          %dma_start3A_106 = tpu.memref_slice %arg7[%mul3A_99, %dma_start3A_105] : memref<10016x128xf32, #tpu.memory_space<vmem_shared>> -> memref<128x128xf32, #tpu.memory_space<vmem_shared>>
          %dma_start3A_107 = arith.constant 0 : i32
          %dma_start3A_108 = tpu.memref_slice %arg7[%mul3A_99, %dma_start3A_107] : memref<10016x128xf32, #tpu.memory_space<vmem_shared>> -> memref<128x128xf32, #tpu.memory_space<vmem_shared>>
          tpu.enqueue_dma source(%dma_start3A_108 : memref<128x128xf32, #tpu.memory_space<vmem_shared>>) target(%arg8 : memref<128x128xf32, #tpu.memory_space<vmem>>) target_semaphore(%run_scoped3A : memref<!tpu.dma_semaphore, #tpu.memory_space<semaphore_mem>>)
          %dma_wait3A_109 = arith.constant 0 : i32
          %dma_wait3A_110 = tpu.memref_slice %arg7[%mul3A_99, %dma_wait3A_109] : memref<10016x128xf32, #tpu.memory_space<vmem_shared>> -> memref<128x128xf32, #tpu.memory_space<vmem_shared>>
          %dma_wait3A_111 = arith.constant 0 : i32
          %dma_wait3A_112 = tpu.memref_slice %arg7[%mul3A_99, %dma_wait3A_111] : memref<10016x128xf32, #tpu.memory_space<vmem_shared>> -> memref<128x128xf32, #tpu.memory_space<vmem_shared>>
          tpu.wait_dma2 semaphore(%run_scoped3A : memref<!tpu.dma_semaphore, #tpu.memory_space<semaphore_mem>>) src(%dma_wait3A_112 : memref<128x128xf32, #tpu.memory_space<vmem_shared>>) dst(%arg8 : memref<128x128xf32, #tpu.memory_space<vmem>>)
          tpu.yield
        }) : () -> ()
        %mul3A_100 = arith.constant 10000 : i32
        %mul3A_101 = arith.muli %arg0, %mul3A_100 : i32
        %mul3A_102 = arith.constant 128 : i32
        %mul3A_103 = arith.muli %add3A_91, %mul3A_102 : i32
        %add3A_104 = arith.addi %mul3A_101, %mul3A_103 : i32
        "tpu.region"() ({
          %run_scoped3A = tpu.sem_alloc : memref<!tpu.dma_semaphore, #tpu.memory_space<semaphore_mem>>
          %dma_start3A_105 = arith.constant 0 : i32
          %dma_start3A_106 = tpu.memref_slice %arg6[%add3A_104, %dma_start3A_105] : memref<20000x128xf32, #tpu.memory_space<hbm>> -> memref<128x128xf32, #tpu.memory_space<hbm>>
          %dma_start3A_107 = arith.constant 0 : i32
          %dma_start3A_108 = tpu.memref_slice %arg6[%add3A_104, %dma_start3A_107] : memref<20000x128xf32, #tpu.memory_space<hbm>> -> memref<128x128xf32, #tpu.memory_space<hbm>>
          tpu.enqueue_dma source(%arg8 : memref<128x128xf32, #tpu.memory_space<vmem>>) target(%dma_start3A_108 : memref<128x128xf32, #tpu.memory_space<hbm>>) target_semaphore(%run_scoped3A : memref<!tpu.dma_semaphore, #tpu.memory_space<semaphore_mem>>)
          %dma_wait3A_109 = arith.constant 0 : i32
          %dma_wait3A_110 = tpu.memref_slice %arg6[%add3A_104, %dma_wait3A_109] : memref<20000x128xf32, #tpu.memory_space<hbm>> -> memref<128x128xf32, #tpu.memory_space<hbm>>
          %dma_wait3A_111 = arith.constant 0 : i32
          %dma_wait3A_112 = tpu.memref_slice %arg6[%add3A_104, %dma_wait3A_111] : memref<20000x128xf32, #tpu.memory_space<hbm>> -> memref<128x128xf32, #tpu.memory_space<hbm>>
          tpu.wait_dma2 semaphore(%run_scoped3A : memref<!tpu.dma_semaphore, #tpu.memory_space<semaphore_mem>>) src(%arg8 : memref<128x128xf32, #tpu.memory_space<vmem>>) dst(%dma_wait3A_112 : memref<128x128xf32, #tpu.memory_space<hbm>>)
          tpu.yield
        }) : () -> ()
      } else {
      }
      %eq3A = arith.constant 78 : i32
      %eq3A_94 = arith.cmpi eq, %add3A_91, %eq3A : i32
      %convert_element_type3A_95 = arith.extui %eq3A_94 : i1 to i32
      %cond3A_96 = arith.constant 0 : i32
      %cond3A_97 = arith.cmpi ne, %convert_element_type3A_95, %cond3A_96 : i32
      scf.if %cond3A_97 {
        "tpu.region"() ({
          %run_scoped3A = tpu.sem_alloc : memref<!tpu.dma_semaphore, #tpu.memory_space<semaphore_mem>>
          %dma_start3A_102 = arith.constant 0 : i32
          %dma_start3A_103 = arith.constant 0 : i32
          %dma_start3A_104 = tpu.memref_slice %arg9[%dma_start3A_102, %dma_start3A_103] : memref<128x128xf32, #tpu.memory_space<vmem>> -> memref<16x128xf32, #tpu.memory_space<vmem>>
          %dma_start3A_105 = arith.constant 9984 : i32
          %dma_start3A_106 = arith.constant 0 : i32
          %dma_start3A_107 = tpu.memref_slice %arg7[%dma_start3A_105, %dma_start3A_106] : memref<10016x128xf32, #tpu.memory_space<vmem_shared>> -> memref<16x128xf32, #tpu.memory_space<vmem_shared>>
          %dma_start3A_108 = arith.constant 0 : i32
          %dma_start3A_109 = arith.constant 0 : i32
          %dma_start3A_110 = tpu.memref_slice %arg9[%dma_start3A_108, %dma_start3A_109] : memref<128x128xf32, #tpu.memory_space<vmem>> -> memref<16x128xf32, #tpu.memory_space<vmem>>
          %dma_start3A_111 = arith.constant 9984 : i32
          %dma_start3A_112 = arith.constant 0 : i32
          %dma_start3A_113 = tpu.memref_slice %arg7[%dma_start3A_111, %dma_start3A_112] : memref<10016x128xf32, #tpu.memory_space<vmem_shared>> -> memref<16x128xf32, #tpu.memory_space<vmem_shared>>
          tpu.enqueue_dma source(%dma_start3A_113 : memref<16x128xf32, #tpu.memory_space<vmem_shared>>) target(%dma_start3A_110 : memref<16x128xf32, #tpu.memory_space<vmem>>) target_semaphore(%run_scoped3A : memref<!tpu.dma_semaphore, #tpu.memory_space<semaphore_mem>>)
          %dma_wait3A_114 = arith.constant 0 : i32
          %dma_wait3A_115 = arith.constant 0 : i32
          %dma_wait3A_116 = tpu.memref_slice %arg9[%dma_wait3A_114, %dma_wait3A_115] : memref<128x128xf32, #tpu.memory_space<vmem>> -> memref<16x128xf32, #tpu.memory_space<vmem>>
          %dma_wait3A_117 = arith.constant 9984 : i32
          %dma_wait3A_118 = arith.constant 0 : i32
          %dma_wait3A_119 = tpu.memref_slice %arg7[%dma_wait3A_117, %dma_wait3A_118] : memref<10016x128xf32, #tpu.memory_space<vmem_shared>> -> memref<16x128xf32, #tpu.memory_space<vmem_shared>>
          %dma_wait3A_120 = arith.constant 0 : i32
          %dma_wait3A_121 = arith.constant 0 : i32
          %dma_wait3A_122 = tpu.memref_slice %arg9[%dma_wait3A_120, %dma_wait3A_121] : memref<128x128xf32, #tpu.memory_space<vmem>> -> memref<16x128xf32, #tpu.memory_space<vmem>>
          %dma_wait3A_123 = arith.constant 9984 : i32
          %dma_wait3A_124 = arith.constant 0 : i32
          %dma_wait3A_125 = tpu.memref_slice %arg7[%dma_wait3A_123, %dma_wait3A_124] : memref<10016x128xf32, #tpu.memory_space<vmem_shared>> -> memref<16x128xf32, #tpu.memory_space<vmem_shared>>
          tpu.wait_dma2 semaphore(%run_scoped3A : memref<!tpu.dma_semaphore, #tpu.memory_space<semaphore_mem>>) src(%dma_wait3A_125 : memref<16x128xf32, #tpu.memory_space<vmem_shared>>) dst(%dma_wait3A_122 : memref<16x128xf32, #tpu.memory_space<vmem>>)
          tpu.yield
        }) : () -> ()
        %mul3A_98 = arith.constant 10000 : i32
        %mul3A_99 = arith.muli %arg0, %mul3A_98 : i32
        %add3A_100 = arith.constant 9984 : i32
        %add3A_101 = arith.addi %mul3A_99, %add3A_100 : i32
        "tpu.region"() ({
          %run_scoped3A = tpu.sem_alloc : memref<!tpu.dma_semaphore, #tpu.memory_space<semaphore_mem>>
          %dma_start3A_102 = arith.constant 0 : i32
          %dma_start3A_103 = arith.constant 0 : i32
          %dma_start3A_104 = tpu.memref_slice %arg9[%dma_start3A_102, %dma_start3A_103] : memref<128x128xf32, #tpu.memory_space<vmem>> -> memref<16x128xf32, #tpu.memory_space<vmem>>
          %dma_start3A_105 = arith.constant 0 : i32
          %dma_start3A_106 = tpu.memref_slice %arg6[%add3A_101, %dma_start3A_105] : memref<20000x128xf32, #tpu.memory_space<hbm>> -> memref<16x128xf32, #tpu.memory_space<hbm>>
          %dma_start3A_107 = arith.constant 0 : i32
          %dma_start3A_108 = tpu.memref_slice %arg6[%add3A_101, %dma_start3A_107] : memref<20000x128xf32, #tpu.memory_space<hbm>> -> memref<16x128xf32, #tpu.memory_space<hbm>>
          %dma_start3A_109 = arith.constant 0 : i32
          %dma_start3A_110 = arith.constant 0 : i32
          %dma_start3A_111 = tpu.memref_slice %arg9[%dma_start3A_109, %dma_start3A_110] : memref<128x128xf32, #tpu.memory_space<vmem>> -> memref<16x128xf32, #tpu.memory_space<vmem>>
          tpu.enqueue_dma source(%dma_start3A_111 : memref<16x128xf32, #tpu.memory_space<vmem>>) target(%dma_start3A_108 : memref<16x128xf32, #tpu.memory_space<hbm>>) target_semaphore(%run_scoped3A : memref<!tpu.dma_semaphore, #tpu.memory_space<semaphore_mem>>)
          %dma_wait3A_112 = arith.constant 0 : i32
          %dma_wait3A_113 = arith.constant 0 : i32
          %dma_wait3A_114 = tpu.memref_slice %arg9[%dma_wait3A_112, %dma_wait3A_113] : memref<128x128xf32, #tpu.memory_space<vmem>> -> memref<16x128xf32, #tpu.memory_space<vmem>>
          %dma_wait3A_115 = arith.constant 0 : i32
          %dma_wait3A_116 = tpu.memref_slice %arg6[%add3A_101, %dma_wait3A_115] : memref<20000x128xf32, #tpu.memory_space<hbm>> -> memref<16x128xf32, #tpu.memory_space<hbm>>
          %dma_wait3A_117 = arith.constant 0 : i32
          %dma_wait3A_118 = tpu.memref_slice %arg6[%add3A_101, %dma_wait3A_117] : memref<20000x128xf32, #tpu.memory_space<hbm>> -> memref<16x128xf32, #tpu.memory_space<hbm>>
          %dma_wait3A_119 = arith.constant 0 : i32
          %dma_wait3A_120 = arith.constant 0 : i32
          %dma_wait3A_121 = tpu.memref_slice %arg9[%dma_wait3A_119, %dma_wait3A_120] : memref<128x128xf32, #tpu.memory_space<vmem>> -> memref<16x128xf32, #tpu.memory_space<vmem>>
          tpu.wait_dma2 semaphore(%run_scoped3A : memref<!tpu.dma_semaphore, #tpu.memory_space<semaphore_mem>>) src(%dma_wait3A_121 : memref<16x128xf32, #tpu.memory_space<vmem>>) dst(%dma_wait3A_118 : memref<16x128xf32, #tpu.memory_space<hbm>>)
          tpu.yield
        }) : () -> ()
      } else {
      }
    }
    %scan3A_87 = arith.constant 5 : i32
    return
  }
}

#map = affine_map<(d0, d1) -> (0)>
module attributes {stable_mosaic.version = 14 : i64} {
  func.func @_sc_deg(%arg0: i32, %arg1: i32, %arg2: memref<323584xi32, #tpu.memory_space<hbm>>, %arg3: memref<80xf32, #tpu.memory_space<hbm>>, %arg4: memref<128xf32, #tpu.memory_space<hbm>>, %arg5: memref<20000xf32, #tpu.memory_space<hbm>>, %arg6: memref<128xf32, #tpu.memory_space<vmem>>, %arg7: memref<80xf32, #tpu.memory_space<vmem>>, %arg8: memref<128xi32, #tpu.memory_space<vmem>>, %arg9: memref<128xi32, #tpu.memory_space<vmem>>, %arg10: memref<128xi32, #tpu.memory_space<vmem>>, %arg11: memref<128xi32, #tpu.memory_space<vmem>>, %arg12: memref<10240xf32, #tpu.memory_space<vmem_shared>>, %arg13: memref<!tpu.dma_semaphore, #tpu.memory_space<semaphore_mem>>, %arg14: memref<!tpu.dma_semaphore, #tpu.memory_space<semaphore_mem>>, %arg15: memref<!tpu.dma_semaphore, #tpu.memory_space<semaphore_mem>>, %arg16: memref<!tpu.dma_semaphore, #tpu.memory_space<semaphore_mem>>, %arg17: memref<!tpu.dma_semaphore, #tpu.memory_space<semaphore_mem>>, %arg18: memref<!tpu.dma_semaphore, #tpu.memory_space<semaphore_mem>>, %arg19: memref<!tpu.dma_semaphore, #tpu.memory_space<semaphore_mem>>, %arg20: memref<!tpu.dma_semaphore, #tpu.memory_space<semaphore_mem>>) attributes {dimension_semantics = [#tpu.dimension_semantics<core_parallel>, #tpu.dimension_semantics<subcore_parallel>], iteration_bounds = array<i64: 2, 16>, scalar_prefetch = 0 : i64, scratch_operands = 15 : i64, tpu.core_type = #tpu.core_type<sc_vector_subcore>, window_params = [{transform_indices = #map}, {transform_indices = #map}, {transform_indices = #map}, {transform_indices = #map}]} {
    %mul3A = arith.constant 2 : i32
    %mul3A_0 = arith.muli %arg1, %mul3A : i32
    %add3A = arith.addi %mul3A_0, %arg0 : i32
    "tpu.region"() ({
      %run_scoped3A = tpu.sem_alloc : memref<!tpu.dma_semaphore, #tpu.memory_space<semaphore_mem>>
      tpu.enqueue_dma source(%arg3 : memref<80xf32, #tpu.memory_space<hbm>>) target(%arg7 : memref<80xf32, #tpu.memory_space<vmem>>) target_semaphore(%run_scoped3A : memref<!tpu.dma_semaphore, #tpu.memory_space<semaphore_mem>>)
      tpu.wait_dma2 semaphore(%run_scoped3A : memref<!tpu.dma_semaphore, #tpu.memory_space<semaphore_mem>>) src(%arg3 : memref<80xf32, #tpu.memory_space<hbm>>) dst(%arg7 : memref<80xf32, #tpu.memory_space<vmem>>)
      tpu.yield
    }) : () -> ()
    %scan3A = arith.constant 0 : i32
    %scan3A_1 = arith.constant 0 : i32
    %scan3A_2 = arith.constant 8 : i32
    %scan3A_3 = arith.addi %scan3A_1, %scan3A_2 : i32
    %scan3A_4 = arith.constant 1 : i32
    scf.for %scan3A_54 = %scan3A_1 to %scan3A_3 step %scan3A_4  : i32 {
      %lt3A = arith.constant 15 : i32
      %lt3A_55 = arith.cmpi slt, %arg1, %lt3A : i32
      %lt3A_56 = arith.constant 5 : i32
      %lt3A_57 = arith.cmpi slt, %scan3A_54, %lt3A_56 : i32
      %or3A = arith.ori %lt3A_55, %lt3A_57 : i1
      %convert_element_type3A = arith.extui %or3A : i1 to i32
      %cond3A = arith.constant 0 : i32
      %cond3A_58 = arith.cmpi ne, %convert_element_type3A, %cond3A : i32
      scf.if %cond3A_58 {
        %mul3A_59 = arith.constant 640 : i32
        %mul3A_60 = arith.muli %arg1, %mul3A_59 : i32
        %mul3A_61 = arith.constant 80 : i32
        %mul3A_62 = arith.muli %scan3A_54, %mul3A_61 : i32
        %add3A_63 = arith.addi %mul3A_60, %mul3A_62 : i32
        "tpu.region"() ({
          %run_scoped3A = tpu.sem_alloc : memref<!tpu.dma_semaphore, #tpu.memory_space<semaphore_mem>>
          %dma_start3A_64 = tpu.memref_slice %arg12[%add3A_63] : memref<10240xf32, #tpu.memory_space<vmem_shared>> -> memref<80xf32, #tpu.memory_space<vmem_shared>>
          %dma_start3A_65 = tpu.memref_slice %arg12[%add3A_63] : memref<10240xf32, #tpu.memory_space<vmem_shared>> -> memref<80xf32, #tpu.memory_space<vmem_shared>>
          tpu.enqueue_dma source(%arg7 : memref<80xf32, #tpu.memory_space<vmem>>) target(%dma_start3A_65 : memref<80xf32, #tpu.memory_space<vmem_shared>>) target_semaphore(%run_scoped3A : memref<!tpu.dma_semaphore, #tpu.memory_space<semaphore_mem>>)
          %dma_wait3A = tpu.memref_slice %arg12[%add3A_63] : memref<10240xf32, #tpu.memory_space<vmem_shared>> -> memref<80xf32, #tpu.memory_space<vmem_shared>>
          %dma_wait3A_66 = tpu.memref_slice %arg12[%add3A_63] : memref<10240xf32, #tpu.memory_space<vmem_shared>> -> memref<80xf32, #tpu.memory_space<vmem_shared>>
          tpu.wait_dma2 semaphore(%run_scoped3A : memref<!tpu.dma_semaphore, #tpu.memory_space<semaphore_mem>>) src(%arg7 : memref<80xf32, #tpu.memory_space<vmem>>) dst(%dma_wait3A_66 : memref<80xf32, #tpu.memory_space<vmem_shared>>)
          tpu.yield
        }) : () -> ()
      } else {
      }
    }
    %scan3A_5 = arith.constant 8 : i32
    "tpu.region"() ({
      %run_scoped3A = tpu.sem_alloc : memref<!tpu.dma_semaphore, #tpu.memory_space<semaphore_mem>>
      tpu.enqueue_dma source(%arg4 : memref<128xf32, #tpu.memory_space<hbm>>) target(%arg6 : memref<128xf32, #tpu.memory_space<vmem>>) target_semaphore(%run_scoped3A : memref<!tpu.dma_semaphore, #tpu.memory_space<semaphore_mem>>)
      tpu.wait_dma2 semaphore(%run_scoped3A : memref<!tpu.dma_semaphore, #tpu.memory_space<semaphore_mem>>) src(%arg4 : memref<128xf32, #tpu.memory_space<hbm>>) dst(%arg6 : memref<128xf32, #tpu.memory_space<vmem>>)
      tpu.yield
    }) : () -> ()
    %mul3A_6 = arith.constant 10112 : i32
    %mul3A_7 = arith.muli %add3A, %mul3A_6 : i32
    %add3A_8 = arith.constant 0 : i32
    %add3A_9 = arith.addi %mul3A_7, %add3A_8 : i32
    %dma_start3A = tpu.memref_slice %arg2[%add3A_9] : memref<323584xi32, #tpu.memory_space<hbm>> -> memref<128xi32, #tpu.memory_space<hbm>>
    %dma_start3A_10 = tpu.memref_slice %arg2[%add3A_9] : memref<323584xi32, #tpu.memory_space<hbm>> -> memref<128xi32, #tpu.memory_space<hbm>>
    tpu.enqueue_dma source(%dma_start3A_10 : memref<128xi32, #tpu.memory_space<hbm>>) target(%arg8 : memref<128xi32, #tpu.memory_space<vmem>>) target_semaphore(%arg13 : memref<!tpu.dma_semaphore, #tpu.memory_space<semaphore_mem>>)
    %mul3A_11 = arith.constant 10112 : i32
    %mul3A_12 = arith.muli %add3A, %mul3A_11 : i32
    %add3A_13 = arith.constant 128 : i32
    %add3A_14 = arith.addi %mul3A_12, %add3A_13 : i32
    %dma_start3A_15 = tpu.memref_slice %arg2[%add3A_14] : memref<323584xi32, #tpu.memory_space<hbm>> -> memref<128xi32, #tpu.memory_space<hbm>>
    %dma_start3A_16 = tpu.memref_slice %arg2[%add3A_14] : memref<323584xi32, #tpu.memory_space<hbm>> -> memref<128xi32, #tpu.memory_space<hbm>>
    tpu.enqueue_dma source(%dma_start3A_16 : memref<128xi32, #tpu.memory_space<hbm>>) target(%arg9 : memref<128xi32, #tpu.memory_space<vmem>>) target_semaphore(%arg14 : memref<!tpu.dma_semaphore, #tpu.memory_space<semaphore_mem>>)
    %mul3A_17 = arith.constant 10112 : i32
    %mul3A_18 = arith.muli %add3A, %mul3A_17 : i32
    %add3A_19 = arith.constant 256 : i32
    %add3A_20 = arith.addi %mul3A_18, %add3A_19 : i32
    %dma_start3A_21 = tpu.memref_slice %arg2[%add3A_20] : memref<323584xi32, #tpu.memory_space<hbm>> -> memref<128xi32, #tpu.memory_space<hbm>>
    %dma_start3A_22 = tpu.memref_slice %arg2[%add3A_20] : memref<323584xi32, #tpu.memory_space<hbm>> -> memref<128xi32, #tpu.memory_space<hbm>>
    tpu.enqueue_dma source(%dma_start3A_22 : memref<128xi32, #tpu.memory_space<hbm>>) target(%arg10 : memref<128xi32, #tpu.memory_space<vmem>>) target_semaphore(%arg15 : memref<!tpu.dma_semaphore, #tpu.memory_space<semaphore_mem>>)
    %mul3A_23 = arith.constant 10112 : i32
    %mul3A_24 = arith.muli %add3A, %mul3A_23 : i32
    %add3A_25 = arith.constant 384 : i32
    %add3A_26 = arith.addi %mul3A_24, %add3A_25 : i32
    %dma_start3A_27 = tpu.memref_slice %arg2[%add3A_26] : memref<323584xi32, #tpu.memory_space<hbm>> -> memref<128xi32, #tpu.memory_space<hbm>>
    %dma_start3A_28 = tpu.memref_slice %arg2[%add3A_26] : memref<323584xi32, #tpu.memory_space<hbm>> -> memref<128xi32, #tpu.memory_space<hbm>>
    tpu.enqueue_dma source(%dma_start3A_28 : memref<128xi32, #tpu.memory_space<hbm>>) target(%arg11 : memref<128xi32, #tpu.memory_space<vmem>>) target_semaphore(%arg16 : memref<!tpu.dma_semaphore, #tpu.memory_space<semaphore_mem>>)
    %barrier3A = arith.constant 0 : index
    tpu.barrier barrier_id(%barrier3A)
    %scan3A_29 = arith.constant 0 : i32
    %scan3A_30 = arith.constant 0 : i32
    %scan3A_31 = arith.constant 19 : i32
    %scan3A_32 = arith.addi %scan3A_30, %scan3A_31 : i32
    %scan3A_33 = arith.constant 1 : i32
    scf.for %scan3A_54 = %scan3A_30 to %scan3A_32 step %scan3A_33  : i32 {
      %mul3A_55 = arith.constant 4 : i32
      %mul3A_56 = arith.muli %scan3A_54, %mul3A_55 : i32
      %add3A_57 = arith.constant 0 : i32
      %add3A_58 = arith.addi %mul3A_56, %add3A_57 : i32
      %gt3A = arith.constant 0 : i32
      %gt3A_59 = arith.cmpi sgt, %scan3A_54, %gt3A : i32
      %convert_element_type3A = arith.extui %gt3A_59 : i1 to i32
      %cond3A = arith.constant 0 : i32
      %cond3A_60 = arith.cmpi ne, %convert_element_type3A, %cond3A : i32
      scf.if %cond3A_60 {
        tpu.wait_dma2 semaphore(%arg17 : memref<!tpu.dma_semaphore, #tpu.memory_space<semaphore_mem>>) src(%arg4 : memref<128xf32, #tpu.memory_space<hbm>>) dst(%arg6 : memref<128xf32, #tpu.memory_space<vmem>>)
        %mul3A_111 = arith.constant 10112 : i32
        %mul3A_112 = arith.muli %add3A, %mul3A_111 : i32
        %mul3A_113 = arith.constant 128 : i32
        %mul3A_114 = arith.muli %add3A_58, %mul3A_113 : i32
        %add3A_115 = arith.addi %mul3A_112, %mul3A_114 : i32
        %dma_start3A_116 = tpu.memref_slice %arg2[%add3A_115] : memref<323584xi32, #tpu.memory_space<hbm>> -> memref<128xi32, #tpu.memory_space<hbm>>
        %dma_start3A_117 = tpu.memref_slice %arg2[%add3A_115] : memref<323584xi32, #tpu.memory_space<hbm>> -> memref<128xi32, #tpu.memory_space<hbm>>
        tpu.enqueue_dma source(%dma_start3A_117 : memref<128xi32, #tpu.memory_space<hbm>>) target(%arg8 : memref<128xi32, #tpu.memory_space<vmem>>) target_semaphore(%arg13 : memref<!tpu.dma_semaphore, #tpu.memory_space<semaphore_mem>>)
      } else {
      }
      %mul3A_61 = arith.constant 4 : i32
      %mul3A_62 = arith.muli %scan3A_54, %mul3A_61 : i32
      %add3A_63 = arith.constant 1 : i32
      %add3A_64 = arith.addi %mul3A_62, %add3A_63 : i32
      %gt3A_65 = arith.constant 0 : i32
      %gt3A_66 = arith.cmpi sgt, %scan3A_54, %gt3A_65 : i32
      %convert_element_type3A_67 = arith.extui %gt3A_66 : i1 to i32
      %cond3A_68 = arith.constant 0 : i32
      %cond3A_69 = arith.cmpi ne, %convert_element_type3A_67, %cond3A_68 : i32
      scf.if %cond3A_69 {
        tpu.wait_dma2 semaphore(%arg18 : memref<!tpu.dma_semaphore, #tpu.memory_space<semaphore_mem>>) src(%arg4 : memref<128xf32, #tpu.memory_space<hbm>>) dst(%arg6 : memref<128xf32, #tpu.memory_space<vmem>>)
        %mul3A_111 = arith.constant 10112 : i32
        %mul3A_112 = arith.muli %add3A, %mul3A_111 : i32
        %mul3A_113 = arith.constant 128 : i32
        %mul3A_114 = arith.muli %add3A_64, %mul3A_113 : i32
        %add3A_115 = arith.addi %mul3A_112, %mul3A_114 : i32
        %dma_start3A_116 = tpu.memref_slice %arg2[%add3A_115] : memref<323584xi32, #tpu.memory_space<hbm>> -> memref<128xi32, #tpu.memory_space<hbm>>
        %dma_start3A_117 = tpu.memref_slice %arg2[%add3A_115] : memref<323584xi32, #tpu.memory_space<hbm>> -> memref<128xi32, #tpu.memory_space<hbm>>
        tpu.enqueue_dma source(%dma_start3A_117 : memref<128xi32, #tpu.memory_space<hbm>>) target(%arg9 : memref<128xi32, #tpu.memory_space<vmem>>) target_semaphore(%arg14 : memref<!tpu.dma_semaphore, #tpu.memory_space<semaphore_mem>>)
      } else {
      }
      %mul3A_70 = arith.constant 4 : i32
      %mul3A_71 = arith.muli %scan3A_54, %mul3A_70 : i32
      %add3A_72 = arith.constant 2 : i32
      %add3A_73 = arith.addi %mul3A_71, %add3A_72 : i32
      %gt3A_74 = arith.constant 0 : i32
      %gt3A_75 = arith.cmpi sgt, %scan3A_54, %gt3A_74 : i32
      %convert_element_type3A_76 = arith.extui %gt3A_75 : i1 to i32
      %cond3A_77 = arith.constant 0 : i32
      %cond3A_78 = arith.cmpi ne, %convert_element_type3A_76, %cond3A_77 : i32
      scf.if %cond3A_78 {
        tpu.wait_dma2 semaphore(%arg19 : memref<!tpu.dma_semaphore, #tpu.memory_space<semaphore_mem>>) src(%arg4 : memref<128xf32, #tpu.memory_space<hbm>>) dst(%arg6 : memref<128xf32, #tpu.memory_space<vmem>>)
        %mul3A_111 = arith.constant 10112 : i32
        %mul3A_112 = arith.muli %add3A, %mul3A_111 : i32
        %mul3A_113 = arith.constant 128 : i32
        %mul3A_114 = arith.muli %add3A_73, %mul3A_113 : i32
        %add3A_115 = arith.addi %mul3A_112, %mul3A_114 : i32
        %dma_start3A_116 = tpu.memref_slice %arg2[%add3A_115] : memref<323584xi32, #tpu.memory_space<hbm>> -> memref<128xi32, #tpu.memory_space<hbm>>
        %dma_start3A_117 = tpu.memref_slice %arg2[%add3A_115] : memref<323584xi32, #tpu.memory_space<hbm>> -> memref<128xi32, #tpu.memory_space<hbm>>
        tpu.enqueue_dma source(%dma_start3A_117 : memref<128xi32, #tpu.memory_space<hbm>>) target(%arg10 : memref<128xi32, #tpu.memory_space<vmem>>) target_semaphore(%arg15 : memref<!tpu.dma_semaphore, #tpu.memory_space<semaphore_mem>>)
      } else {
      }
      %mul3A_79 = arith.constant 4 : i32
      %mul3A_80 = arith.muli %scan3A_54, %mul3A_79 : i32
      %add3A_81 = arith.constant 3 : i32
      %add3A_82 = arith.addi %mul3A_80, %add3A_81 : i32
      %gt3A_83 = arith.constant 0 : i32
      %gt3A_84 = arith.cmpi sgt, %scan3A_54, %gt3A_83 : i32
      %convert_element_type3A_85 = arith.extui %gt3A_84 : i1 to i32
      %cond3A_86 = arith.constant 0 : i32
      %cond3A_87 = arith.cmpi ne, %convert_element_type3A_85, %cond3A_86 : i32
      scf.if %cond3A_87 {
        tpu.wait_dma2 semaphore(%arg20 : memref<!tpu.dma_semaphore, #tpu.memory_space<semaphore_mem>>) src(%arg4 : memref<128xf32, #tpu.memory_space<hbm>>) dst(%arg6 : memref<128xf32, #tpu.memory_space<vmem>>)
        %mul3A_111 = arith.constant 10112 : i32
        %mul3A_112 = arith.muli %add3A, %mul3A_111 : i32
        %mul3A_113 = arith.constant 128 : i32
        %mul3A_114 = arith.muli %add3A_82, %mul3A_113 : i32
        %add3A_115 = arith.addi %mul3A_112, %mul3A_114 : i32
        %dma_start3A_116 = tpu.memref_slice %arg2[%add3A_115] : memref<323584xi32, #tpu.memory_space<hbm>> -> memref<128xi32, #tpu.memory_space<hbm>>
        %dma_start3A_117 = tpu.memref_slice %arg2[%add3A_115] : memref<323584xi32, #tpu.memory_space<hbm>> -> memref<128xi32, #tpu.memory_space<hbm>>
        tpu.enqueue_dma source(%dma_start3A_117 : memref<128xi32, #tpu.memory_space<hbm>>) target(%arg11 : memref<128xi32, #tpu.memory_space<vmem>>) target_semaphore(%arg16 : memref<!tpu.dma_semaphore, #tpu.memory_space<semaphore_mem>>)
      } else {
      }
      %dma_wait3A = arith.constant 0 : i32
      %dma_wait3A_88 = tpu.memref_slice %arg2[%dma_wait3A] : memref<323584xi32, #tpu.memory_space<hbm>> -> memref<128xi32, #tpu.memory_space<hbm>>
      %dma_wait3A_89 = arith.constant 0 : i32
      %dma_wait3A_90 = tpu.memref_slice %arg2[%dma_wait3A_89] : memref<323584xi32, #tpu.memory_space<hbm>> -> memref<128xi32, #tpu.memory_space<hbm>>
      tpu.wait_dma2 semaphore(%arg13 : memref<!tpu.dma_semaphore, #tpu.memory_space<semaphore_mem>>) src(%dma_wait3A_90 : memref<128xi32, #tpu.memory_space<hbm>>) dst(%arg8 : memref<128xi32, #tpu.memory_space<vmem>>)
      %dma_start3A_91 = arith.constant 0 : i32
      %dma_start3A_92 = tpu.memref_slice %arg12[%dma_start3A_91] : memref<10240xf32, #tpu.memory_space<vmem_shared>> -> memref<10240xf32, #tpu.memory_space<vmem_shared>>
      tpu.enqueue_indirect_dma source(%arg6 : memref<128xf32, #tpu.memory_space<vmem>>) target(%dma_start3A_92 : memref<10240xf32, #tpu.memory_space<vmem_shared>>) offsets(%arg8 : memref<128xi32, #tpu.memory_space<vmem>>) semaphore(%arg17 : memref<!tpu.dma_semaphore, #tpu.memory_space<semaphore_mem>>) {add = true}
      %dma_wait3A_93 = arith.constant 0 : i32
      %dma_wait3A_94 = tpu.memref_slice %arg2[%dma_wait3A_93] : memref<323584xi32, #tpu.memory_space<hbm>> -> memref<128xi32, #tpu.memory_space<hbm>>
      %dma_wait3A_95 = arith.constant 0 : i32
      %dma_wait3A_96 = tpu.memref_slice %arg2[%dma_wait3A_95] : memref<323584xi32, #tpu.memory_space<hbm>> -> memref<128xi32, #tpu.memory_space<hbm>>
      tpu.wait_dma2 semaphore(%arg14 : memref<!tpu.dma_semaphore, #tpu.memory_space<semaphore_mem>>) src(%dma_wait3A_96 : memref<128xi32, #tpu.memory_space<hbm>>) dst(%arg9 : memref<128xi32, #tpu.memory_space<vmem>>)
      %dma_start3A_97 = arith.constant 0 : i32
      %dma_start3A_98 = tpu.memref_slice %arg12[%dma_start3A_97] : memref<10240xf32, #tpu.memory_space<vmem_shared>> -> memref<10240xf32, #tpu.memory_space<vmem_shared>>
      tpu.enqueue_indirect_dma source(%arg6 : memref<128xf32, #tpu.memory_space<vmem>>) target(%dma_start3A_98 : memref<10240xf32, #tpu.memory_space<vmem_shared>>) offsets(%arg9 : memref<128xi32, #tpu.memory_space<vmem>>) semaphore(%arg18 : memref<!tpu.dma_semaphore, #tpu.memory_space<semaphore_mem>>) {add = true}
      %dma_wait3A_99 = arith.constant 0 : i32
      %dma_wait3A_100 = tpu.memref_slice %arg2[%dma_wait3A_99] : memref<323584xi32, #tpu.memory_space<hbm>> -> memref<128xi32, #tpu.memory_space<hbm>>
      %dma_wait3A_101 = arith.constant 0 : i32
      %dma_wait3A_102 = tpu.memref_slice %arg2[%dma_wait3A_101] : memref<323584xi32, #tpu.memory_space<hbm>> -> memref<128xi32, #tpu.memory_space<hbm>>
      tpu.wait_dma2 semaphore(%arg15 : memref<!tpu.dma_semaphore, #tpu.memory_space<semaphore_mem>>) src(%dma_wait3A_102 : memref<128xi32, #tpu.memory_space<hbm>>) dst(%arg10 : memref<128xi32, #tpu.memory_space<vmem>>)
      %dma_start3A_103 = arith.constant 0 : i32
      %dma_start3A_104 = tpu.memref_slice %arg12[%dma_start3A_103] : memref<10240xf32, #tpu.memory_space<vmem_shared>> -> memref<10240xf32, #tpu.memory_space<vmem_shared>>
      tpu.enqueue_indirect_dma source(%arg6 : memref<128xf32, #tpu.memory_space<vmem>>) target(%dma_start3A_104 : memref<10240xf32, #tpu.memory_space<vmem_shared>>) offsets(%arg10 : memref<128xi32, #tpu.memory_space<vmem>>) semaphore(%arg19 : memref<!tpu.dma_semaphore, #tpu.memory_space<semaphore_mem>>) {add = true}
      %dma_wait3A_105 = arith.constant 0 : i32
      %dma_wait3A_106 = tpu.memref_slice %arg2[%dma_wait3A_105] : memref<323584xi32, #tpu.memory_space<hbm>> -> memref<128xi32, #tpu.memory_space<hbm>>
      %dma_wait3A_107 = arith.constant 0 : i32
      %dma_wait3A_108 = tpu.memref_slice %arg2[%dma_wait3A_107] : memref<323584xi32, #tpu.memory_space<hbm>> -> memref<128xi32, #tpu.memory_space<hbm>>
      tpu.wait_dma2 semaphore(%arg16 : memref<!tpu.dma_semaphore, #tpu.memory_space<semaphore_mem>>) src(%dma_wait3A_108 : memref<128xi32, #tpu.memory_space<hbm>>) dst(%arg11 : memref<128xi32, #tpu.memory_space<vmem>>)
      %dma_start3A_109 = arith.constant 0 : i32
      %dma_start3A_110 = tpu.memref_slice %arg12[%dma_start3A_109] : memref<10240xf32, #tpu.memory_space<vmem_shared>> -> memref<10240xf32, #tpu.memory_space<vmem_shared>>
      tpu.enqueue_indirect_dma source(%arg6 : memref<128xf32, #tpu.memory_space<vmem>>) target(%dma_start3A_110 : memref<10240xf32, #tpu.memory_space<vmem_shared>>) offsets(%arg11 : memref<128xi32, #tpu.memory_space<vmem>>) semaphore(%arg20 : memref<!tpu.dma_semaphore, #tpu.memory_space<semaphore_mem>>) {add = true}
    }
    %scan3A_34 = arith.constant 19 : i32
    tpu.wait_dma2 semaphore(%arg17 : memref<!tpu.dma_semaphore, #tpu.memory_space<semaphore_mem>>) src(%arg4 : memref<128xf32, #tpu.memory_space<hbm>>) dst(%arg6 : memref<128xf32, #tpu.memory_space<vmem>>)
    tpu.wait_dma2 semaphore(%arg18 : memref<!tpu.dma_semaphore, #tpu.memory_space<semaphore_mem>>) src(%arg4 : memref<128xf32, #tpu.memory_space<hbm>>) dst(%arg6 : memref<128xf32, #tpu.memory_space<vmem>>)
    tpu.wait_dma2 semaphore(%arg19 : memref<!tpu.dma_semaphore, #tpu.memory_space<semaphore_mem>>) src(%arg4 : memref<128xf32, #tpu.memory_space<hbm>>) dst(%arg6 : memref<128xf32, #tpu.memory_space<vmem>>)
    tpu.wait_dma2 semaphore(%arg20 : memref<!tpu.dma_semaphore, #tpu.memory_space<semaphore_mem>>) src(%arg4 : memref<128xf32, #tpu.memory_space<hbm>>) dst(%arg6 : memref<128xf32, #tpu.memory_space<vmem>>)
    %mul3A_35 = arith.constant 10112 : i32
    %mul3A_36 = arith.muli %add3A, %mul3A_35 : i32
    %add3A_37 = arith.constant 9728 : i32
    %add3A_38 = arith.addi %mul3A_36, %add3A_37 : i32
    "tpu.region"() ({
      %run_scoped3A = tpu.sem_alloc : memref<!tpu.dma_semaphore, #tpu.memory_space<semaphore_mem>>
      %dma_start3A_54 = tpu.memref_slice %arg2[%add3A_38] : memref<323584xi32, #tpu.memory_space<hbm>> -> memref<128xi32, #tpu.memory_space<hbm>>
      %dma_start3A_55 = tpu.memref_slice %arg2[%add3A_38] : memref<323584xi32, #tpu.memory_space<hbm>> -> memref<128xi32, #tpu.memory_space<hbm>>
      tpu.enqueue_dma source(%dma_start3A_55 : memref<128xi32, #tpu.memory_space<hbm>>) target(%arg8 : memref<128xi32, #tpu.memory_space<vmem>>) target_semaphore(%run_scoped3A : memref<!tpu.dma_semaphore, #tpu.memory_space<semaphore_mem>>)
      %dma_wait3A = tpu.memref_slice %arg2[%add3A_38] : memref<323584xi32, #tpu.memory_space<hbm>> -> memref<128xi32, #tpu.memory_space<hbm>>
      %dma_wait3A_56 = tpu.memref_slice %arg2[%add3A_38] : memref<323584xi32, #tpu.memory_space<hbm>> -> memref<128xi32, #tpu.memory_space<hbm>>
      tpu.wait_dma2 semaphore(%run_scoped3A : memref<!tpu.dma_semaphore, #tpu.memory_space<semaphore_mem>>) src(%dma_wait3A_56 : memref<128xi32, #tpu.memory_space<hbm>>) dst(%arg8 : memref<128xi32, #tpu.memory_space<vmem>>)
      tpu.yield
    }) : () -> ()
    "tpu.region"() ({
      %run_scoped3A = tpu.sem_alloc : memref<!tpu.dma_semaphore, #tpu.memory_space<semaphore_mem>>
      %dma_start3A_54 = arith.constant 0 : i32
      %dma_start3A_55 = tpu.memref_slice %arg12[%dma_start3A_54] : memref<10240xf32, #tpu.memory_space<vmem_shared>> -> memref<10240xf32, #tpu.memory_space<vmem_shared>>
      tpu.enqueue_indirect_dma source(%arg6 : memref<128xf32, #tpu.memory_space<vmem>>) target(%dma_start3A_55 : memref<10240xf32, #tpu.memory_space<vmem_shared>>) offsets(%arg8 : memref<128xi32, #tpu.memory_space<vmem>>) semaphore(%run_scoped3A : memref<!tpu.dma_semaphore, #tpu.memory_space<semaphore_mem>>) {add = true}
      %dma_wait3A = arith.constant 0 : i32
      %dma_wait3A_56 = tpu.memref_slice %arg12[%dma_wait3A] : memref<10240xf32, #tpu.memory_space<vmem_shared>> -> memref<10240xf32, #tpu.memory_space<vmem_shared>>
      tpu.wait_indirect_dma semaphore(%run_scoped3A : memref<!tpu.dma_semaphore, #tpu.memory_space<semaphore_mem>>) src(%arg6 : memref<128xf32, #tpu.memory_space<vmem>>) dst(%dma_wait3A_56 : memref<10240xf32, #tpu.memory_space<vmem_shared>>)
      tpu.yield
    }) : () -> ()
    %mul3A_39 = arith.constant 10112 : i32
    %mul3A_40 = arith.muli %add3A, %mul3A_39 : i32
    %add3A_41 = arith.constant 9856 : i32
    %add3A_42 = arith.addi %mul3A_40, %add3A_41 : i32
    "tpu.region"() ({
      %run_scoped3A = tpu.sem_alloc : memref<!tpu.dma_semaphore, #tpu.memory_space<semaphore_mem>>
      %dma_start3A_54 = tpu.memref_slice %arg2[%add3A_42] : memref<323584xi32, #tpu.memory_space<hbm>> -> memref<128xi32, #tpu.memory_space<hbm>>
      %dma_start3A_55 = tpu.memref_slice %arg2[%add3A_42] : memref<323584xi32, #tpu.memory_space<hbm>> -> memref<128xi32, #tpu.memory_space<hbm>>
      tpu.enqueue_dma source(%dma_start3A_55 : memref<128xi32, #tpu.memory_space<hbm>>) target(%arg9 : memref<128xi32, #tpu.memory_space<vmem>>) target_semaphore(%run_scoped3A : memref<!tpu.dma_semaphore, #tpu.memory_space<semaphore_mem>>)
      %dma_wait3A = tpu.memref_slice %arg2[%add3A_42] : memref<323584xi32, #tpu.memory_space<hbm>> -> memref<128xi32, #tpu.memory_space<hbm>>
      %dma_wait3A_56 = tpu.memref_slice %arg2[%add3A_42] : memref<323584xi32, #tpu.memory_space<hbm>> -> memref<128xi32, #tpu.memory_space<hbm>>
      tpu.wait_dma2 semaphore(%run_scoped3A : memref<!tpu.dma_semaphore, #tpu.memory_space<semaphore_mem>>) src(%dma_wait3A_56 : memref<128xi32, #tpu.memory_space<hbm>>) dst(%arg9 : memref<128xi32, #tpu.memory_space<vmem>>)
      tpu.yield
    }) : () -> ()
    "tpu.region"() ({
      %run_scoped3A = tpu.sem_alloc : memref<!tpu.dma_semaphore, #tpu.memory_space<semaphore_mem>>
      %dma_start3A_54 = arith.constant 0 : i32
      %dma_start3A_55 = tpu.memref_slice %arg12[%dma_start3A_54] : memref<10240xf32, #tpu.memory_space<vmem_shared>> -> memref<10240xf32, #tpu.memory_space<vmem_shared>>
      tpu.enqueue_indirect_dma source(%arg6 : memref<128xf32, #tpu.memory_space<vmem>>) target(%dma_start3A_55 : memref<10240xf32, #tpu.memory_space<vmem_shared>>) offsets(%arg9 : memref<128xi32, #tpu.memory_space<vmem>>) semaphore(%run_scoped3A : memref<!tpu.dma_semaphore, #tpu.memory_space<semaphore_mem>>) {add = true}
      %dma_wait3A = arith.constant 0 : i32
      %dma_wait3A_56 = tpu.memref_slice %arg12[%dma_wait3A] : memref<10240xf32, #tpu.memory_space<vmem_shared>> -> memref<10240xf32, #tpu.memory_space<vmem_shared>>
      tpu.wait_indirect_dma semaphore(%run_scoped3A : memref<!tpu.dma_semaphore, #tpu.memory_space<semaphore_mem>>) src(%arg6 : memref<128xf32, #tpu.memory_space<vmem>>) dst(%dma_wait3A_56 : memref<10240xf32, #tpu.memory_space<vmem_shared>>)
      tpu.yield
    }) : () -> ()
    %mul3A_43 = arith.constant 10112 : i32
    %mul3A_44 = arith.muli %add3A, %mul3A_43 : i32
    %add3A_45 = arith.constant 9984 : i32
    %add3A_46 = arith.addi %mul3A_44, %add3A_45 : i32
    "tpu.region"() ({
      %run_scoped3A = tpu.sem_alloc : memref<!tpu.dma_semaphore, #tpu.memory_space<semaphore_mem>>
      %dma_start3A_54 = tpu.memref_slice %arg2[%add3A_46] : memref<323584xi32, #tpu.memory_space<hbm>> -> memref<128xi32, #tpu.memory_space<hbm>>
      %dma_start3A_55 = tpu.memref_slice %arg2[%add3A_46] : memref<323584xi32, #tpu.memory_space<hbm>> -> memref<128xi32, #tpu.memory_space<hbm>>
      tpu.enqueue_dma source(%dma_start3A_55 : memref<128xi32, #tpu.memory_space<hbm>>) target(%arg10 : memref<128xi32, #tpu.memory_space<vmem>>) target_semaphore(%run_scoped3A : memref<!tpu.dma_semaphore, #tpu.memory_space<semaphore_mem>>)
      %dma_wait3A = tpu.memref_slice %arg2[%add3A_46] : memref<323584xi32, #tpu.memory_space<hbm>> -> memref<128xi32, #tpu.memory_space<hbm>>
      %dma_wait3A_56 = tpu.memref_slice %arg2[%add3A_46] : memref<323584xi32, #tpu.memory_space<hbm>> -> memref<128xi32, #tpu.memory_space<hbm>>
      tpu.wait_dma2 semaphore(%run_scoped3A : memref<!tpu.dma_semaphore, #tpu.memory_space<semaphore_mem>>) src(%dma_wait3A_56 : memref<128xi32, #tpu.memory_space<hbm>>) dst(%arg10 : memref<128xi32, #tpu.memory_space<vmem>>)
      tpu.yield
    }) : () -> ()
    "tpu.region"() ({
      %run_scoped3A = tpu.sem_alloc : memref<!tpu.dma_semaphore, #tpu.memory_space<semaphore_mem>>
      %dma_start3A_54 = arith.constant 0 : i32
      %dma_start3A_55 = tpu.memref_slice %arg12[%dma_start3A_54] : memref<10240xf32, #tpu.memory_space<vmem_shared>> -> memref<10240xf32, #tpu.memory_space<vmem_shared>>
      tpu.enqueue_indirect_dma source(%arg6 : memref<128xf32, #tpu.memory_space<vmem>>) target(%dma_start3A_55 : memref<10240xf32, #tpu.memory_space<vmem_shared>>) offsets(%arg10 : memref<128xi32, #tpu.memory_space<vmem>>) semaphore(%run_scoped3A : memref<!tpu.dma_semaphore, #tpu.memory_space<semaphore_mem>>) {add = true}
      %dma_wait3A = arith.constant 0 : i32
      %dma_wait3A_56 = tpu.memref_slice %arg12[%dma_wait3A] : memref<10240xf32, #tpu.memory_space<vmem_shared>> -> memref<10240xf32, #tpu.memory_space<vmem_shared>>
      tpu.wait_indirect_dma semaphore(%run_scoped3A : memref<!tpu.dma_semaphore, #tpu.memory_space<semaphore_mem>>) src(%arg6 : memref<128xf32, #tpu.memory_space<vmem>>) dst(%dma_wait3A_56 : memref<10240xf32, #tpu.memory_space<vmem_shared>>)
      tpu.yield
    }) : () -> ()
    %barrier3A_47 = arith.constant 0 : index
    tpu.barrier barrier_id(%barrier3A_47)
    %scan3A_48 = arith.constant 0 : i32
    %scan3A_49 = arith.constant 0 : i32
    %scan3A_50 = arith.constant 8 : i32
    %scan3A_51 = arith.addi %scan3A_49, %scan3A_50 : i32
    %scan3A_52 = arith.constant 1 : i32
    scf.for %scan3A_54 = %scan3A_49 to %scan3A_51 step %scan3A_52  : i32 {
      %lt3A = arith.constant 15 : i32
      %lt3A_55 = arith.cmpi slt, %arg1, %lt3A : i32
      %lt3A_56 = arith.constant 5 : i32
      %lt3A_57 = arith.cmpi slt, %scan3A_54, %lt3A_56 : i32
      %or3A = arith.ori %lt3A_55, %lt3A_57 : i1
      %convert_element_type3A = arith.extui %or3A : i1 to i32
      %cond3A = arith.constant 0 : i32
      %cond3A_58 = arith.cmpi ne, %convert_element_type3A, %cond3A : i32
      scf.if %cond3A_58 {
        %mul3A_59 = arith.constant 640 : i32
        %mul3A_60 = arith.muli %arg1, %mul3A_59 : i32
        %mul3A_61 = arith.constant 80 : i32
        %mul3A_62 = arith.muli %scan3A_54, %mul3A_61 : i32
        %add3A_63 = arith.addi %mul3A_60, %mul3A_62 : i32
        "tpu.region"() ({
          %run_scoped3A = tpu.sem_alloc : memref<!tpu.dma_semaphore, #tpu.memory_space<semaphore_mem>>
          %dma_start3A_72 = tpu.memref_slice %arg12[%add3A_63] : memref<10240xf32, #tpu.memory_space<vmem_shared>> -> memref<80xf32, #tpu.memory_space<vmem_shared>>
          %dma_start3A_73 = tpu.memref_slice %arg12[%add3A_63] : memref<10240xf32, #tpu.memory_space<vmem_shared>> -> memref<80xf32, #tpu.memory_space<vmem_shared>>
          tpu.enqueue_dma source(%dma_start3A_73 : memref<80xf32, #tpu.memory_space<vmem_shared>>) target(%arg7 : memref<80xf32, #tpu.memory_space<vmem>>) target_semaphore(%run_scoped3A : memref<!tpu.dma_semaphore, #tpu.memory_space<semaphore_mem>>)
          %dma_wait3A = tpu.memref_slice %arg12[%add3A_63] : memref<10240xf32, #tpu.memory_space<vmem_shared>> -> memref<80xf32, #tpu.memory_space<vmem_shared>>
          %dma_wait3A_74 = tpu.memref_slice %arg12[%add3A_63] : memref<10240xf32, #tpu.memory_space<vmem_shared>> -> memref<80xf32, #tpu.memory_space<vmem_shared>>
          tpu.wait_dma2 semaphore(%run_scoped3A : memref<!tpu.dma_semaphore, #tpu.memory_space<semaphore_mem>>) src(%dma_wait3A_74 : memref<80xf32, #tpu.memory_space<vmem_shared>>) dst(%arg7 : memref<80xf32, #tpu.memory_space<vmem>>)
          tpu.yield
        }) : () -> ()
        %mul3A_64 = arith.constant 10000 : i32
        %mul3A_65 = arith.muli %arg0, %mul3A_64 : i32
        %mul3A_66 = arith.constant 640 : i32
        %mul3A_67 = arith.muli %arg1, %mul3A_66 : i32
        %add3A_68 = arith.addi %mul3A_65, %mul3A_67 : i32
        %mul3A_69 = arith.constant 80 : i32
        %mul3A_70 = arith.muli %scan3A_54, %mul3A_69 : i32
        %add3A_71 = arith.addi %add3A_68, %mul3A_70 : i32
        "tpu.region"() ({
          %run_scoped3A = tpu.sem_alloc : memref<!tpu.dma_semaphore, #tpu.memory_space<semaphore_mem>>
          %dma_start3A_72 = tpu.memref_slice %arg5[%add3A_71] : memref<20000xf32, #tpu.memory_space<hbm>> -> memref<80xf32, #tpu.memory_space<hbm>>
          %dma_start3A_73 = tpu.memref_slice %arg5[%add3A_71] : memref<20000xf32, #tpu.memory_space<hbm>> -> memref<80xf32, #tpu.memory_space<hbm>>
          tpu.enqueue_dma source(%arg7 : memref<80xf32, #tpu.memory_space<vmem>>) target(%dma_start3A_73 : memref<80xf32, #tpu.memory_space<hbm>>) target_semaphore(%run_scoped3A : memref<!tpu.dma_semaphore, #tpu.memory_space<semaphore_mem>>)
          %dma_wait3A = tpu.memref_slice %arg5[%add3A_71] : memref<20000xf32, #tpu.memory_space<hbm>> -> memref<80xf32, #tpu.memory_space<hbm>>
          %dma_wait3A_74 = tpu.memref_slice %arg5[%add3A_71] : memref<20000xf32, #tpu.memory_space<hbm>> -> memref<80xf32, #tpu.memory_space<hbm>>
          tpu.wait_dma2 semaphore(%run_scoped3A : memref<!tpu.dma_semaphore, #tpu.memory_space<semaphore_mem>>) src(%arg7 : memref<80xf32, #tpu.memory_space<vmem>>) dst(%dma_wait3A_74 : memref<80xf32, #tpu.memory_space<hbm>>)
          tpu.yield
        }) : () -> ()
      } else {
      }
    }
    %scan3A_53 = arith.constant 8 : i32
    return
  }
}

#map = affine_map<(d0, d1) -> (0, 0)>
#map1 = affine_map<(d0, d1) -> (0)>
module attributes {stable_mosaic.version = 14 : i64} {
  func.func @_sc_edge(%arg0: i32, %arg1: i32, %arg2: memref<10000x128xf32, #tpu.memory_space<hbm>>, %arg3: memref<323584xi32, #tpu.memory_space<hbm>>, %arg4: memref<323584xi32, #tpu.memory_space<hbm>>, %arg5: memref<128x128xf32, #tpu.memory_space<hbm>>, %arg6: memref<20000x128xf32, #tpu.memory_space<hbm>>, %arg7: memref<10016x128xf32, #tpu.memory_space<vmem_shared>>, %arg8: memref<128x128xf32, #tpu.memory_space<vmem>>, %arg9: memref<128x128xf32, #tpu.memory_space<vmem>>, %arg10: memref<128x128xf32, #tpu.memory_space<vmem>>, %arg11: memref<128xi32, #tpu.memory_space<vmem>>, %arg12: memref<128xi32, #tpu.memory_space<vmem>>, %arg13: memref<128xi32, #tpu.memory_space<vmem>>, %arg14: memref<128xi32, #tpu.memory_space<vmem>>, %arg15: memref<128xi32, #tpu.memory_space<vmem>>, %arg16: memref<128xi32, #tpu.memory_space<vmem>>, %arg17: memref<!tpu.dma_semaphore, #tpu.memory_space<semaphore_mem>>, %arg18: memref<!tpu.dma_semaphore, #tpu.memory_space<semaphore_mem>>, %arg19: memref<!tpu.dma_semaphore, #tpu.memory_space<semaphore_mem>>, %arg20: memref<!tpu.dma_semaphore, #tpu.memory_space<semaphore_mem>>, %arg21: memref<!tpu.dma_semaphore, #tpu.memory_space<semaphore_mem>>, %arg22: memref<!tpu.dma_semaphore, #tpu.memory_space<semaphore_mem>>, %arg23: memref<!tpu.dma_semaphore, #tpu.memory_space<semaphore_mem>>, %arg24: memref<!tpu.dma_semaphore, #tpu.memory_space<semaphore_mem>>, %arg25: memref<!tpu.dma_semaphore, #tpu.memory_space<semaphore_mem>>, %arg26: memref<!tpu.dma_semaphore, #tpu.memory_space<semaphore_mem>>, %arg27: memref<!tpu.dma_semaphore, #tpu.memory_space<semaphore_mem>>, %arg28: memref<!tpu.dma_semaphore, #tpu.memory_space<semaphore_mem>>) attributes {dimension_semantics = [#tpu.dimension_semantics<core_parallel>, #tpu.dimension_semantics<subcore_parallel>], iteration_bounds = array<i64: 2, 16>, scalar_prefetch = 0 : i64, scratch_operands = 22 : i64, tpu.core_type = #tpu.core_type<sc_vector_subcore>, window_params = [{transform_indices = #map}, {transform_indices = #map1}, {transform_indices = #map1}, {transform_indices = #map}, {transform_indices = #map}]} {
    %mul3A = arith.constant 2 : i32
    %mul3A_0 = arith.muli %arg1, %mul3A : i32
    %add3A = arith.addi %mul3A_0, %arg0 : i32
    "tpu.region"() ({
      %run_scoped3A = tpu.sem_alloc : memref<!tpu.dma_semaphore, #tpu.memory_space<semaphore_mem>>
      tpu.enqueue_dma source(%arg5 : memref<128x128xf32, #tpu.memory_space<hbm>>) target(%arg8 : memref<128x128xf32, #tpu.memory_space<vmem>>) target_semaphore(%run_scoped3A : memref<!tpu.dma_semaphore, #tpu.memory_space<semaphore_mem>>)
      tpu.wait_dma2 semaphore(%run_scoped3A : memref<!tpu.dma_semaphore, #tpu.memory_space<semaphore_mem>>) src(%arg5 : memref<128x128xf32, #tpu.memory_space<hbm>>) dst(%arg8 : memref<128x128xf32, #tpu.memory_space<vmem>>)
      tpu.yield
    }) : () -> ()
    %scan3A = arith.constant 0 : i32
    %scan3A_1 = arith.constant 0 : i32
    %scan3A_2 = arith.constant 5 : i32
    %scan3A_3 = arith.addi %scan3A_1, %scan3A_2 : i32
    %scan3A_4 = arith.constant 1 : i32
    scf.for %scan3A_88 = %scan3A_1 to %scan3A_3 step %scan3A_4  : i32 {
      %mul3A_89 = arith.constant 16 : i32
      %mul3A_90 = arith.muli %scan3A_88, %mul3A_89 : i32
      %add3A_91 = arith.addi %mul3A_90, %arg1 : i32
      %lt3A = arith.constant 78 : i32
      %lt3A_92 = arith.cmpi slt, %add3A_91, %lt3A : i32
      %convert_element_type3A = arith.extui %lt3A_92 : i1 to i32
      %cond3A = arith.constant 0 : i32
      %cond3A_93 = arith.cmpi ne, %convert_element_type3A, %cond3A : i32
      scf.if %cond3A_93 {
        %mul3A_98 = arith.constant 128 : i32
        %mul3A_99 = arith.muli %add3A_91, %mul3A_98 : i32
        "tpu.region"() ({
          %run_scoped3A = tpu.sem_alloc : memref<!tpu.dma_semaphore, #tpu.memory_space<semaphore_mem>>
          %dma_start3A_100 = arith.constant 0 : i32
          %dma_start3A_101 = tpu.memref_slice %arg7[%mul3A_99, %dma_start3A_100] : memref<10016x128xf32, #tpu.memory_space<vmem_shared>> -> memref<128x128xf32, #tpu.memory_space<vmem_shared>>
          %dma_start3A_102 = arith.constant 0 : i32
          %dma_start3A_103 = tpu.memref_slice %arg7[%mul3A_99, %dma_start3A_102] : memref<10016x128xf32, #tpu.memory_space<vmem_shared>> -> memref<128x128xf32, #tpu.memory_space<vmem_shared>>
          tpu.enqueue_dma source(%arg8 : memref<128x128xf32, #tpu.memory_space<vmem>>) target(%dma_start3A_103 : memref<128x128xf32, #tpu.memory_space<vmem_shared>>) target_semaphore(%run_scoped3A : memref<!tpu.dma_semaphore, #tpu.memory_space<semaphore_mem>>)
          %dma_wait3A_104 = arith.constant 0 : i32
          %dma_wait3A_105 = tpu.memref_slice %arg7[%mul3A_99, %dma_wait3A_104] : memref<10016x128xf32, #tpu.memory_space<vmem_shared>> -> memref<128x128xf32, #tpu.memory_space<vmem_shared>>
          %dma_wait3A_106 = arith.constant 0 : i32
          %dma_wait3A_107 = tpu.memref_slice %arg7[%mul3A_99, %dma_wait3A_106] : memref<10016x128xf32, #tpu.memory_space<vmem_shared>> -> memref<128x128xf32, #tpu.memory_space<vmem_shared>>
          tpu.wait_dma2 semaphore(%run_scoped3A : memref<!tpu.dma_semaphore, #tpu.memory_space<semaphore_mem>>) src(%arg8 : memref<128x128xf32, #tpu.memory_space<vmem>>) dst(%dma_wait3A_107 : memref<128x128xf32, #tpu.memory_space<vmem_shared>>)
          tpu.yield
        }) : () -> ()
      } else {
      }
      %eq3A = arith.constant 78 : i32
      %eq3A_94 = arith.cmpi eq, %add3A_91, %eq3A : i32
      %convert_element_type3A_95 = arith.extui %eq3A_94 : i1 to i32
      %cond3A_96 = arith.constant 0 : i32
      %cond3A_97 = arith.cmpi ne, %convert_element_type3A_95, %cond3A_96 : i32
      scf.if %cond3A_97 {
        "tpu.region"() ({
          %run_scoped3A = tpu.sem_alloc : memref<!tpu.dma_semaphore, #tpu.memory_space<semaphore_mem>>
          %dma_start3A_98 = arith.constant 0 : i32
          %dma_start3A_99 = arith.constant 0 : i32
          %dma_start3A_100 = tpu.memref_slice %arg8[%dma_start3A_98, %dma_start3A_99] : memref<128x128xf32, #tpu.memory_space<vmem>> -> memref<16x128xf32, #tpu.memory_space<vmem>>
          %dma_start3A_101 = arith.constant 9984 : i32
          %dma_start3A_102 = arith.constant 0 : i32
          %dma_start3A_103 = tpu.memref_slice %arg7[%dma_start3A_101, %dma_start3A_102] : memref<10016x128xf32, #tpu.memory_space<vmem_shared>> -> memref<16x128xf32, #tpu.memory_space<vmem_shared>>
          %dma_start3A_104 = arith.constant 9984 : i32
          %dma_start3A_105 = arith.constant 0 : i32
          %dma_start3A_106 = tpu.memref_slice %arg7[%dma_start3A_104, %dma_start3A_105] : memref<10016x128xf32, #tpu.memory_space<vmem_shared>> -> memref<16x128xf32, #tpu.memory_space<vmem_shared>>
          %dma_start3A_107 = arith.constant 0 : i32
          %dma_start3A_108 = arith.constant 0 : i32
          %dma_start3A_109 = tpu.memref_slice %arg8[%dma_start3A_107, %dma_start3A_108] : memref<128x128xf32, #tpu.memory_space<vmem>> -> memref<16x128xf32, #tpu.memory_space<vmem>>
          tpu.enqueue_dma source(%dma_start3A_109 : memref<16x128xf32, #tpu.memory_space<vmem>>) target(%dma_start3A_106 : memref<16x128xf32, #tpu.memory_space<vmem_shared>>) target_semaphore(%run_scoped3A : memref<!tpu.dma_semaphore, #tpu.memory_space<semaphore_mem>>)
          %dma_wait3A_110 = arith.constant 0 : i32
          %dma_wait3A_111 = arith.constant 0 : i32
          %dma_wait3A_112 = tpu.memref_slice %arg8[%dma_wait3A_110, %dma_wait3A_111] : memref<128x128xf32, #tpu.memory_space<vmem>> -> memref<16x128xf32, #tpu.memory_space<vmem>>
          %dma_wait3A_113 = arith.constant 9984 : i32
          %dma_wait3A_114 = arith.constant 0 : i32
          %dma_wait3A_115 = tpu.memref_slice %arg7[%dma_wait3A_113, %dma_wait3A_114] : memref<10016x128xf32, #tpu.memory_space<vmem_shared>> -> memref<16x128xf32, #tpu.memory_space<vmem_shared>>
          %dma_wait3A_116 = arith.constant 9984 : i32
          %dma_wait3A_117 = arith.constant 0 : i32
          %dma_wait3A_118 = tpu.memref_slice %arg7[%dma_wait3A_116, %dma_wait3A_117] : memref<10016x128xf32, #tpu.memory_space<vmem_shared>> -> memref<16x128xf32, #tpu.memory_space<vmem_shared>>
          %dma_wait3A_119 = arith.constant 0 : i32
          %dma_wait3A_120 = arith.constant 0 : i32
          %dma_wait3A_121 = tpu.memref_slice %arg8[%dma_wait3A_119, %dma_wait3A_120] : memref<128x128xf32, #tpu.memory_space<vmem>> -> memref<16x128xf32, #tpu.memory_space<vmem>>
          tpu.wait_dma2 semaphore(%run_scoped3A : memref<!tpu.dma_semaphore, #tpu.memory_space<semaphore_mem>>) src(%dma_wait3A_121 : memref<16x128xf32, #tpu.memory_space<vmem>>) dst(%dma_wait3A_118 : memref<16x128xf32, #tpu.memory_space<vmem_shared>>)
          tpu.yield
        }) : () -> ()
      } else {
      }
    }
    %scan3A_5 = arith.constant 5 : i32
    %mul3A_6 = arith.constant 10112 : i32
    %mul3A_7 = arith.muli %add3A, %mul3A_6 : i32
    %add3A_8 = arith.constant 0 : i32
    %add3A_9 = arith.addi %mul3A_7, %add3A_8 : i32
    %dma_start3A = tpu.memref_slice %arg3[%add3A_9] : memref<323584xi32, #tpu.memory_space<hbm>> -> memref<128xi32, #tpu.memory_space<hbm>>
    %dma_start3A_10 = tpu.memref_slice %arg3[%add3A_9] : memref<323584xi32, #tpu.memory_space<hbm>> -> memref<128xi32, #tpu.memory_space<hbm>>
    tpu.enqueue_dma source(%dma_start3A_10 : memref<128xi32, #tpu.memory_space<hbm>>) target(%arg11 : memref<128xi32, #tpu.memory_space<vmem>>) target_semaphore(%arg23 : memref<!tpu.dma_semaphore, #tpu.memory_space<semaphore_mem>>)
    %mul3A_11 = arith.constant 10112 : i32
    %mul3A_12 = arith.muli %add3A, %mul3A_11 : i32
    %add3A_13 = arith.constant 0 : i32
    %add3A_14 = arith.addi %mul3A_12, %add3A_13 : i32
    %dma_start3A_15 = tpu.memref_slice %arg4[%add3A_14] : memref<323584xi32, #tpu.memory_space<hbm>> -> memref<128xi32, #tpu.memory_space<hbm>>
    %dma_start3A_16 = tpu.memref_slice %arg4[%add3A_14] : memref<323584xi32, #tpu.memory_space<hbm>> -> memref<128xi32, #tpu.memory_space<hbm>>
    tpu.enqueue_dma source(%dma_start3A_16 : memref<128xi32, #tpu.memory_space<hbm>>) target(%arg14 : memref<128xi32, #tpu.memory_space<vmem>>) target_semaphore(%arg26 : memref<!tpu.dma_semaphore, #tpu.memory_space<semaphore_mem>>)
    %mul3A_17 = arith.constant 10112 : i32
    %mul3A_18 = arith.muli %add3A, %mul3A_17 : i32
    %add3A_19 = arith.constant 128 : i32
    %add3A_20 = arith.addi %mul3A_18, %add3A_19 : i32
    %dma_start3A_21 = tpu.memref_slice %arg3[%add3A_20] : memref<323584xi32, #tpu.memory_space<hbm>> -> memref<128xi32, #tpu.memory_space<hbm>>
    %dma_start3A_22 = tpu.memref_slice %arg3[%add3A_20] : memref<323584xi32, #tpu.memory_space<hbm>> -> memref<128xi32, #tpu.memory_space<hbm>>
    tpu.enqueue_dma source(%dma_start3A_22 : memref<128xi32, #tpu.memory_space<hbm>>) target(%arg12 : memref<128xi32, #tpu.memory_space<vmem>>) target_semaphore(%arg24 : memref<!tpu.dma_semaphore, #tpu.memory_space<semaphore_mem>>)
    %mul3A_23 = arith.constant 10112 : i32
    %mul3A_24 = arith.muli %add3A, %mul3A_23 : i32
    %add3A_25 = arith.constant 128 : i32
    %add3A_26 = arith.addi %mul3A_24, %add3A_25 : i32
    %dma_start3A_27 = tpu.memref_slice %arg4[%add3A_26] : memref<323584xi32, #tpu.memory_space<hbm>> -> memref<128xi32, #tpu.memory_space<hbm>>
    %dma_start3A_28 = tpu.memref_slice %arg4[%add3A_26] : memref<323584xi32, #tpu.memory_space<hbm>> -> memref<128xi32, #tpu.memory_space<hbm>>
    tpu.enqueue_dma source(%dma_start3A_28 : memref<128xi32, #tpu.memory_space<hbm>>) target(%arg15 : memref<128xi32, #tpu.memory_space<vmem>>) target_semaphore(%arg27 : memref<!tpu.dma_semaphore, #tpu.memory_space<semaphore_mem>>)
    %mul3A_29 = arith.constant 10112 : i32
    %mul3A_30 = arith.muli %add3A, %mul3A_29 : i32
    %add3A_31 = arith.constant 256 : i32
    %add3A_32 = arith.addi %mul3A_30, %add3A_31 : i32
    %dma_start3A_33 = tpu.memref_slice %arg3[%add3A_32] : memref<323584xi32, #tpu.memory_space<hbm>> -> memref<128xi32, #tpu.memory_space<hbm>>
    %dma_start3A_34 = tpu.memref_slice %arg3[%add3A_32] : memref<323584xi32, #tpu.memory_space<hbm>> -> memref<128xi32, #tpu.memory_space<hbm>>
    tpu.enqueue_dma source(%dma_start3A_34 : memref<128xi32, #tpu.memory_space<hbm>>) target(%arg13 : memref<128xi32, #tpu.memory_space<vmem>>) target_semaphore(%arg25 : memref<!tpu.dma_semaphore, #tpu.memory_space<semaphore_mem>>)
    %mul3A_35 = arith.constant 10112 : i32
    %mul3A_36 = arith.muli %add3A, %mul3A_35 : i32
    %add3A_37 = arith.constant 256 : i32
    %add3A_38 = arith.addi %mul3A_36, %add3A_37 : i32
    %dma_start3A_39 = tpu.memref_slice %arg4[%add3A_38] : memref<323584xi32, #tpu.memory_space<hbm>> -> memref<128xi32, #tpu.memory_space<hbm>>
    %dma_start3A_40 = tpu.memref_slice %arg4[%add3A_38] : memref<323584xi32, #tpu.memory_space<hbm>> -> memref<128xi32, #tpu.memory_space<hbm>>
    tpu.enqueue_dma source(%dma_start3A_40 : memref<128xi32, #tpu.memory_space<hbm>>) target(%arg16 : memref<128xi32, #tpu.memory_space<vmem>>) target_semaphore(%arg28 : memref<!tpu.dma_semaphore, #tpu.memory_space<semaphore_mem>>)
    %barrier3A = arith.constant 0 : index
    tpu.barrier barrier_id(%barrier3A)
    %scan3A_41 = arith.constant 0 : i32
    %scan3A_42 = arith.constant 0 : i32
    %scan3A_43 = arith.constant 26 : i32
    %scan3A_44 = arith.addi %scan3A_42, %scan3A_43 : i32
    %scan3A_45 = arith.constant 1 : i32
    scf.for %scan3A_88 = %scan3A_42 to %scan3A_44 step %scan3A_45  : i32 {
      %mul3A_89 = arith.constant 3 : i32
      %mul3A_90 = arith.muli %scan3A_88, %mul3A_89 : i32
      %add3A_91 = arith.constant 0 : i32
      %add3A_92 = arith.addi %mul3A_90, %add3A_91 : i32
      %gt3A = arith.constant 0 : i32
      %gt3A_93 = arith.cmpi sgt, %scan3A_88, %gt3A : i32
      %convert_element_type3A = arith.extui %gt3A_93 : i1 to i32
      %cond3A = arith.constant 0 : i32
      %cond3A_94 = arith.cmpi ne, %convert_element_type3A, %cond3A : i32
      scf.if %cond3A_94 {
        %dma_wait3A_205 = arith.constant 0 : i32
        %dma_wait3A_206 = arith.constant 0 : i32
        %dma_wait3A_207 = tpu.memref_slice %arg2[%dma_wait3A_205, %dma_wait3A_206] : memref<10000x128xf32, #tpu.memory_space<hbm>> -> memref<128x128xf32, #tpu.memory_space<hbm>>
        %dma_wait3A_208 = arith.constant 0 : i32
        %dma_wait3A_209 = arith.constant 0 : i32
        %dma_wait3A_210 = tpu.memref_slice %arg2[%dma_wait3A_208, %dma_wait3A_209] : memref<10000x128xf32, #tpu.memory_space<hbm>> -> memref<128x128xf32, #tpu.memory_space<hbm>>
        tpu.wait_dma2 semaphore(%arg20 : memref<!tpu.dma_semaphore, #tpu.memory_space<semaphore_mem>>) src(%dma_wait3A_210 : memref<128x128xf32, #tpu.memory_space<hbm>>) dst(%arg8 : memref<128x128xf32, #tpu.memory_space<vmem>>)
        %mul3A_211 = arith.constant 10112 : i32
        %mul3A_212 = arith.muli %add3A, %mul3A_211 : i32
        %mul3A_213 = arith.constant 128 : i32
        %mul3A_214 = arith.muli %add3A_92, %mul3A_213 : i32
        %add3A_215 = arith.addi %mul3A_212, %mul3A_214 : i32
        %dma_start3A_216 = tpu.memref_slice %arg4[%add3A_215] : memref<323584xi32, #tpu.memory_space<hbm>> -> memref<128xi32, #tpu.memory_space<hbm>>
        %dma_start3A_217 = tpu.memref_slice %arg4[%add3A_215] : memref<323584xi32, #tpu.memory_space<hbm>> -> memref<128xi32, #tpu.memory_space<hbm>>
        tpu.enqueue_dma source(%dma_start3A_217 : memref<128xi32, #tpu.memory_space<hbm>>) target(%arg14 : memref<128xi32, #tpu.memory_space<vmem>>) target_semaphore(%arg26 : memref<!tpu.dma_semaphore, #tpu.memory_space<semaphore_mem>>)
      } else {
      }
      %dma_wait3A_95 = arith.constant 0 : i32
      %dma_wait3A_96 = tpu.memref_slice %arg3[%dma_wait3A_95] : memref<323584xi32, #tpu.memory_space<hbm>> -> memref<128xi32, #tpu.memory_space<hbm>>
      %dma_wait3A_97 = arith.constant 0 : i32
      %dma_wait3A_98 = tpu.memref_slice %arg3[%dma_wait3A_97] : memref<323584xi32, #tpu.memory_space<hbm>> -> memref<128xi32, #tpu.memory_space<hbm>>
      tpu.wait_dma2 semaphore(%arg23 : memref<!tpu.dma_semaphore, #tpu.memory_space<semaphore_mem>>) src(%dma_wait3A_98 : memref<128xi32, #tpu.memory_space<hbm>>) dst(%arg11 : memref<128xi32, #tpu.memory_space<vmem>>)
      %dma_start3A_99 = arith.constant 0 : i32
      %dma_start3A_100 = arith.constant 0 : i32
      %dma_start3A_101 = tpu.memref_slice %arg2[%dma_start3A_99, %dma_start3A_100] : memref<10000x128xf32, #tpu.memory_space<hbm>> -> memref<10000x128xf32, #tpu.memory_space<hbm>>
      tpu.enqueue_indirect_dma source(%dma_start3A_101 : memref<10000x128xf32, #tpu.memory_space<hbm>>) target(%arg8 : memref<128x128xf32, #tpu.memory_space<vmem>>) offsets(%arg11 : memref<128xi32, #tpu.memory_space<vmem>>) semaphore(%arg17 : memref<!tpu.dma_semaphore, #tpu.memory_space<semaphore_mem>>)
      %mul3A_102 = arith.constant 3 : i32
      %mul3A_103 = arith.muli %scan3A_88, %mul3A_102 : i32
      %add3A_104 = arith.constant 1 : i32
      %add3A_105 = arith.addi %mul3A_103, %add3A_104 : i32
      %gt3A_106 = arith.constant 0 : i32
      %gt3A_107 = arith.cmpi sgt, %scan3A_88, %gt3A_106 : i32
      %convert_element_type3A_108 = arith.extui %gt3A_107 : i1 to i32
      %cond3A_109 = arith.constant 0 : i32
      %cond3A_110 = arith.cmpi ne, %convert_element_type3A_108, %cond3A_109 : i32
      scf.if %cond3A_110 {
        %dma_wait3A_205 = arith.constant 0 : i32
        %dma_wait3A_206 = arith.constant 0 : i32
        %dma_wait3A_207 = tpu.memref_slice %arg2[%dma_wait3A_205, %dma_wait3A_206] : memref<10000x128xf32, #tpu.memory_space<hbm>> -> memref<128x128xf32, #tpu.memory_space<hbm>>
        %dma_wait3A_208 = arith.constant 0 : i32
        %dma_wait3A_209 = arith.constant 0 : i32
        %dma_wait3A_210 = tpu.memref_slice %arg2[%dma_wait3A_208, %dma_wait3A_209] : memref<10000x128xf32, #tpu.memory_space<hbm>> -> memref<128x128xf32, #tpu.memory_space<hbm>>
        tpu.wait_dma2 semaphore(%arg21 : memref<!tpu.dma_semaphore, #tpu.memory_space<semaphore_mem>>) src(%dma_wait3A_210 : memref<128x128xf32, #tpu.memory_space<hbm>>) dst(%arg9 : memref<128x128xf32, #tpu.memory_space<vmem>>)
        %mul3A_211 = arith.constant 10112 : i32
        %mul3A_212 = arith.muli %add3A, %mul3A_211 : i32
        %mul3A_213 = arith.constant 128 : i32
        %mul3A_214 = arith.muli %add3A_105, %mul3A_213 : i32
        %add3A_215 = arith.addi %mul3A_212, %mul3A_214 : i32
        %dma_start3A_216 = tpu.memref_slice %arg4[%add3A_215] : memref<323584xi32, #tpu.memory_space<hbm>> -> memref<128xi32, #tpu.memory_space<hbm>>
        %dma_start3A_217 = tpu.memref_slice %arg4[%add3A_215] : memref<323584xi32, #tpu.memory_space<hbm>> -> memref<128xi32, #tpu.memory_space<hbm>>
        tpu.enqueue_dma source(%dma_start3A_217 : memref<128xi32, #tpu.memory_space<hbm>>) target(%arg15 : memref<128xi32, #tpu.memory_space<vmem>>) target_semaphore(%arg27 : memref<!tpu.dma_semaphore, #tpu.memory_space<semaphore_mem>>)
      } else {
      }
      %dma_wait3A_111 = arith.constant 0 : i32
      %dma_wait3A_112 = tpu.memref_slice %arg3[%dma_wait3A_111] : memref<323584xi32, #tpu.memory_space<hbm>> -> memref<128xi32, #tpu.memory_space<hbm>>
      %dma_wait3A_113 = arith.constant 0 : i32
      %dma_wait3A_114 = tpu.memref_slice %arg3[%dma_wait3A_113] : memref<323584xi32, #tpu.memory_space<hbm>> -> memref<128xi32, #tpu.memory_space<hbm>>
      tpu.wait_dma2 semaphore(%arg24 : memref<!tpu.dma_semaphore, #tpu.memory_space<semaphore_mem>>) src(%dma_wait3A_114 : memref<128xi32, #tpu.memory_space<hbm>>) dst(%arg12 : memref<128xi32, #tpu.memory_space<vmem>>)
      %dma_start3A_115 = arith.constant 0 : i32
      %dma_start3A_116 = arith.constant 0 : i32
      %dma_start3A_117 = tpu.memref_slice %arg2[%dma_start3A_115, %dma_start3A_116] : memref<10000x128xf32, #tpu.memory_space<hbm>> -> memref<10000x128xf32, #tpu.memory_space<hbm>>
      tpu.enqueue_indirect_dma source(%dma_start3A_117 : memref<10000x128xf32, #tpu.memory_space<hbm>>) target(%arg9 : memref<128x128xf32, #tpu.memory_space<vmem>>) offsets(%arg12 : memref<128xi32, #tpu.memory_space<vmem>>) semaphore(%arg18 : memref<!tpu.dma_semaphore, #tpu.memory_space<semaphore_mem>>)
      %mul3A_118 = arith.constant 3 : i32
      %mul3A_119 = arith.muli %scan3A_88, %mul3A_118 : i32
      %add3A_120 = arith.constant 2 : i32
      %add3A_121 = arith.addi %mul3A_119, %add3A_120 : i32
      %gt3A_122 = arith.constant 0 : i32
      %gt3A_123 = arith.cmpi sgt, %scan3A_88, %gt3A_122 : i32
      %convert_element_type3A_124 = arith.extui %gt3A_123 : i1 to i32
      %cond3A_125 = arith.constant 0 : i32
      %cond3A_126 = arith.cmpi ne, %convert_element_type3A_124, %cond3A_125 : i32
      scf.if %cond3A_126 {
        %dma_wait3A_205 = arith.constant 0 : i32
        %dma_wait3A_206 = arith.constant 0 : i32
        %dma_wait3A_207 = tpu.memref_slice %arg2[%dma_wait3A_205, %dma_wait3A_206] : memref<10000x128xf32, #tpu.memory_space<hbm>> -> memref<128x128xf32, #tpu.memory_space<hbm>>
        %dma_wait3A_208 = arith.constant 0 : i32
        %dma_wait3A_209 = arith.constant 0 : i32
        %dma_wait3A_210 = tpu.memref_slice %arg2[%dma_wait3A_208, %dma_wait3A_209] : memref<10000x128xf32, #tpu.memory_space<hbm>> -> memref<128x128xf32, #tpu.memory_space<hbm>>
        tpu.wait_dma2 semaphore(%arg22 : memref<!tpu.dma_semaphore, #tpu.memory_space<semaphore_mem>>) src(%dma_wait3A_210 : memref<128x128xf32, #tpu.memory_space<hbm>>) dst(%arg10 : memref<128x128xf32, #tpu.memory_space<vmem>>)
        %mul3A_211 = arith.constant 10112 : i32
        %mul3A_212 = arith.muli %add3A, %mul3A_211 : i32
        %mul3A_213 = arith.constant 128 : i32
        %mul3A_214 = arith.muli %add3A_121, %mul3A_213 : i32
        %add3A_215 = arith.addi %mul3A_212, %mul3A_214 : i32
        %dma_start3A_216 = tpu.memref_slice %arg4[%add3A_215] : memref<323584xi32, #tpu.memory_space<hbm>> -> memref<128xi32, #tpu.memory_space<hbm>>
        %dma_start3A_217 = tpu.memref_slice %arg4[%add3A_215] : memref<323584xi32, #tpu.memory_space<hbm>> -> memref<128xi32, #tpu.memory_space<hbm>>
        tpu.enqueue_dma source(%dma_start3A_217 : memref<128xi32, #tpu.memory_space<hbm>>) target(%arg16 : memref<128xi32, #tpu.memory_space<vmem>>) target_semaphore(%arg28 : memref<!tpu.dma_semaphore, #tpu.memory_space<semaphore_mem>>)
      } else {
      }
      %dma_wait3A_127 = arith.constant 0 : i32
      %dma_wait3A_128 = tpu.memref_slice %arg3[%dma_wait3A_127] : memref<323584xi32, #tpu.memory_space<hbm>> -> memref<128xi32, #tpu.memory_space<hbm>>
      %dma_wait3A_129 = arith.constant 0 : i32
      %dma_wait3A_130 = tpu.memref_slice %arg3[%dma_wait3A_129] : memref<323584xi32, #tpu.memory_space<hbm>> -> memref<128xi32, #tpu.memory_space<hbm>>
      tpu.wait_dma2 semaphore(%arg25 : memref<!tpu.dma_semaphore, #tpu.memory_space<semaphore_mem>>) src(%dma_wait3A_130 : memref<128xi32, #tpu.memory_space<hbm>>) dst(%arg13 : memref<128xi32, #tpu.memory_space<vmem>>)
      %dma_start3A_131 = arith.constant 0 : i32
      %dma_start3A_132 = arith.constant 0 : i32
      %dma_start3A_133 = tpu.memref_slice %arg2[%dma_start3A_131, %dma_start3A_132] : memref<10000x128xf32, #tpu.memory_space<hbm>> -> memref<10000x128xf32, #tpu.memory_space<hbm>>
      tpu.enqueue_indirect_dma source(%dma_start3A_133 : memref<10000x128xf32, #tpu.memory_space<hbm>>) target(%arg10 : memref<128x128xf32, #tpu.memory_space<vmem>>) offsets(%arg13 : memref<128xi32, #tpu.memory_space<vmem>>) semaphore(%arg19 : memref<!tpu.dma_semaphore, #tpu.memory_space<semaphore_mem>>)
      %mul3A_134 = arith.constant 3 : i32
      %mul3A_135 = arith.muli %scan3A_88, %mul3A_134 : i32
      %add3A_136 = arith.constant 0 : i32
      %add3A_137 = arith.addi %mul3A_135, %add3A_136 : i32
      %dma_wait3A_138 = arith.constant 0 : i32
      %dma_wait3A_139 = arith.constant 0 : i32
      %dma_wait3A_140 = tpu.memref_slice %arg2[%dma_wait3A_138, %dma_wait3A_139] : memref<10000x128xf32, #tpu.memory_space<hbm>> -> memref<128x128xf32, #tpu.memory_space<hbm>>
      %dma_wait3A_141 = arith.constant 0 : i32
      %dma_wait3A_142 = arith.constant 0 : i32
      %dma_wait3A_143 = tpu.memref_slice %arg2[%dma_wait3A_141, %dma_wait3A_142] : memref<10000x128xf32, #tpu.memory_space<hbm>> -> memref<128x128xf32, #tpu.memory_space<hbm>>
      tpu.wait_dma2 semaphore(%arg17 : memref<!tpu.dma_semaphore, #tpu.memory_space<semaphore_mem>>) src(%dma_wait3A_143 : memref<128x128xf32, #tpu.memory_space<hbm>>) dst(%arg8 : memref<128x128xf32, #tpu.memory_space<vmem>>)
      %add3A_144 = arith.constant 3 : i32
      %add3A_145 = arith.addi %add3A_137, %add3A_144 : i32
      %lt3A = arith.constant 79 : i32
      %lt3A_146 = arith.cmpi slt, %add3A_145, %lt3A : i32
      %convert_element_type3A_147 = arith.extui %lt3A_146 : i1 to i32
      %cond3A_148 = arith.constant 0 : i32
      %cond3A_149 = arith.cmpi ne, %convert_element_type3A_147, %cond3A_148 : i32
      scf.if %cond3A_149 {
        %mul3A_205 = arith.constant 10112 : i32
        %mul3A_206 = arith.muli %add3A, %mul3A_205 : i32
        %add3A_207 = arith.constant 3 : i32
        %add3A_208 = arith.addi %add3A_137, %add3A_207 : i32
        %mul3A_209 = arith.constant 128 : i32
        %mul3A_210 = arith.muli %add3A_208, %mul3A_209 : i32
        %add3A_211 = arith.addi %mul3A_206, %mul3A_210 : i32
        %dma_start3A_212 = tpu.memref_slice %arg3[%add3A_211] : memref<323584xi32, #tpu.memory_space<hbm>> -> memref<128xi32, #tpu.memory_space<hbm>>
        %dma_start3A_213 = tpu.memref_slice %arg3[%add3A_211] : memref<323584xi32, #tpu.memory_space<hbm>> -> memref<128xi32, #tpu.memory_space<hbm>>
        tpu.enqueue_dma source(%dma_start3A_213 : memref<128xi32, #tpu.memory_space<hbm>>) target(%arg11 : memref<128xi32, #tpu.memory_space<vmem>>) target_semaphore(%arg23 : memref<!tpu.dma_semaphore, #tpu.memory_space<semaphore_mem>>)
      } else {
      }
      %dma_wait3A_150 = arith.constant 0 : i32
      %dma_wait3A_151 = tpu.memref_slice %arg4[%dma_wait3A_150] : memref<323584xi32, #tpu.memory_space<hbm>> -> memref<128xi32, #tpu.memory_space<hbm>>
      %dma_wait3A_152 = arith.constant 0 : i32
      %dma_wait3A_153 = tpu.memref_slice %arg4[%dma_wait3A_152] : memref<323584xi32, #tpu.memory_space<hbm>> -> memref<128xi32, #tpu.memory_space<hbm>>
      tpu.wait_dma2 semaphore(%arg26 : memref<!tpu.dma_semaphore, #tpu.memory_space<semaphore_mem>>) src(%dma_wait3A_153 : memref<128xi32, #tpu.memory_space<hbm>>) dst(%arg14 : memref<128xi32, #tpu.memory_space<vmem>>)
      %dma_start3A_154 = arith.constant 0 : i32
      %dma_start3A_155 = arith.constant 0 : i32
      %dma_start3A_156 = tpu.memref_slice %arg7[%dma_start3A_154, %dma_start3A_155] : memref<10016x128xf32, #tpu.memory_space<vmem_shared>> -> memref<10016x128xf32, #tpu.memory_space<vmem_shared>>
      tpu.enqueue_indirect_dma source(%arg8 : memref<128x128xf32, #tpu.memory_space<vmem>>) target(%dma_start3A_156 : memref<10016x128xf32, #tpu.memory_space<vmem_shared>>) offsets(%arg14 : memref<128xi32, #tpu.memory_space<vmem>>) semaphore(%arg20 : memref<!tpu.dma_semaphore, #tpu.memory_space<semaphore_mem>>) {add = true}
      %mul3A_157 = arith.constant 3 : i32
      %mul3A_158 = arith.muli %scan3A_88, %mul3A_157 : i32
      %add3A_159 = arith.constant 1 : i32
      %add3A_160 = arith.addi %mul3A_158, %add3A_159 : i32
      %dma_wait3A_161 = arith.constant 0 : i32
      %dma_wait3A_162 = arith.constant 0 : i32
      %dma_wait3A_163 = tpu.memref_slice %arg2[%dma_wait3A_161, %dma_wait3A_162] : memref<10000x128xf32, #tpu.memory_space<hbm>> -> memref<128x128xf32, #tpu.memory_space<hbm>>
      %dma_wait3A_164 = arith.constant 0 : i32
      %dma_wait3A_165 = arith.constant 0 : i32
      %dma_wait3A_166 = tpu.memref_slice %arg2[%dma_wait3A_164, %dma_wait3A_165] : memref<10000x128xf32, #tpu.memory_space<hbm>> -> memref<128x128xf32, #tpu.memory_space<hbm>>
      tpu.wait_dma2 semaphore(%arg18 : memref<!tpu.dma_semaphore, #tpu.memory_space<semaphore_mem>>) src(%dma_wait3A_166 : memref<128x128xf32, #tpu.memory_space<hbm>>) dst(%arg9 : memref<128x128xf32, #tpu.memory_space<vmem>>)
      %add3A_167 = arith.constant 3 : i32
      %add3A_168 = arith.addi %add3A_160, %add3A_167 : i32
      %lt3A_169 = arith.constant 79 : i32
      %lt3A_170 = arith.cmpi slt, %add3A_168, %lt3A_169 : i32
      %convert_element_type3A_171 = arith.extui %lt3A_170 : i1 to i32
      %cond3A_172 = arith.constant 0 : i32
      %cond3A_173 = arith.cmpi ne, %convert_element_type3A_171, %cond3A_172 : i32
      scf.if %cond3A_173 {
        %mul3A_205 = arith.constant 10112 : i32
        %mul3A_206 = arith.muli %add3A, %mul3A_205 : i32
        %add3A_207 = arith.constant 3 : i32
        %add3A_208 = arith.addi %add3A_160, %add3A_207 : i32
        %mul3A_209 = arith.constant 128 : i32
        %mul3A_210 = arith.muli %add3A_208, %mul3A_209 : i32
        %add3A_211 = arith.addi %mul3A_206, %mul3A_210 : i32
        %dma_start3A_212 = tpu.memref_slice %arg3[%add3A_211] : memref<323584xi32, #tpu.memory_space<hbm>> -> memref<128xi32, #tpu.memory_space<hbm>>
        %dma_start3A_213 = tpu.memref_slice %arg3[%add3A_211] : memref<323584xi32, #tpu.memory_space<hbm>> -> memref<128xi32, #tpu.memory_space<hbm>>
        tpu.enqueue_dma source(%dma_start3A_213 : memref<128xi32, #tpu.memory_space<hbm>>) target(%arg12 : memref<128xi32, #tpu.memory_space<vmem>>) target_semaphore(%arg24 : memref<!tpu.dma_semaphore, #tpu.memory_space<semaphore_mem>>)
      } else {
      }
      %dma_wait3A_174 = arith.constant 0 : i32
      %dma_wait3A_175 = tpu.memref_slice %arg4[%dma_wait3A_174] : memref<323584xi32, #tpu.memory_space<hbm>> -> memref<128xi32, #tpu.memory_space<hbm>>
      %dma_wait3A_176 = arith.constant 0 : i32
      %dma_wait3A_177 = tpu.memref_slice %arg4[%dma_wait3A_176] : memref<323584xi32, #tpu.memory_space<hbm>> -> memref<128xi32, #tpu.memory_space<hbm>>
      tpu.wait_dma2 semaphore(%arg27 : memref<!tpu.dma_semaphore, #tpu.memory_space<semaphore_mem>>) src(%dma_wait3A_177 : memref<128xi32, #tpu.memory_space<hbm>>) dst(%arg15 : memref<128xi32, #tpu.memory_space<vmem>>)
      %dma_start3A_178 = arith.constant 0 : i32
      %dma_start3A_179 = arith.constant 0 : i32
      %dma_start3A_180 = tpu.memref_slice %arg7[%dma_start3A_178, %dma_start3A_179] : memref<10016x128xf32, #tpu.memory_space<vmem_shared>> -> memref<10016x128xf32, #tpu.memory_space<vmem_shared>>
      tpu.enqueue_indirect_dma source(%arg9 : memref<128x128xf32, #tpu.memory_space<vmem>>) target(%dma_start3A_180 : memref<10016x128xf32, #tpu.memory_space<vmem_shared>>) offsets(%arg15 : memref<128xi32, #tpu.memory_space<vmem>>) semaphore(%arg21 : memref<!tpu.dma_semaphore, #tpu.memory_space<semaphore_mem>>) {add = true}
      %mul3A_181 = arith.constant 3 : i32
      %mul3A_182 = arith.muli %scan3A_88, %mul3A_181 : i32
      %add3A_183 = arith.constant 2 : i32
      %add3A_184 = arith.addi %mul3A_182, %add3A_183 : i32
      %dma_wait3A_185 = arith.constant 0 : i32
      %dma_wait3A_186 = arith.constant 0 : i32
      %dma_wait3A_187 = tpu.memref_slice %arg2[%dma_wait3A_185, %dma_wait3A_186] : memref<10000x128xf32, #tpu.memory_space<hbm>> -> memref<128x128xf32, #tpu.memory_space<hbm>>
      %dma_wait3A_188 = arith.constant 0 : i32
      %dma_wait3A_189 = arith.constant 0 : i32
      %dma_wait3A_190 = tpu.memref_slice %arg2[%dma_wait3A_188, %dma_wait3A_189] : memref<10000x128xf32, #tpu.memory_space<hbm>> -> memref<128x128xf32, #tpu.memory_space<hbm>>
      tpu.wait_dma2 semaphore(%arg19 : memref<!tpu.dma_semaphore, #tpu.memory_space<semaphore_mem>>) src(%dma_wait3A_190 : memref<128x128xf32, #tpu.memory_space<hbm>>) dst(%arg10 : memref<128x128xf32, #tpu.memory_space<vmem>>)
      %add3A_191 = arith.constant 3 : i32
      %add3A_192 = arith.addi %add3A_184, %add3A_191 : i32
      %lt3A_193 = arith.constant 79 : i32
      %lt3A_194 = arith.cmpi slt, %add3A_192, %lt3A_193 : i32
      %convert_element_type3A_195 = arith.extui %lt3A_194 : i1 to i32
      %cond3A_196 = arith.constant 0 : i32
      %cond3A_197 = arith.cmpi ne, %convert_element_type3A_195, %cond3A_196 : i32
      scf.if %cond3A_197 {
        %mul3A_205 = arith.constant 10112 : i32
        %mul3A_206 = arith.muli %add3A, %mul3A_205 : i32
        %add3A_207 = arith.constant 3 : i32
        %add3A_208 = arith.addi %add3A_184, %add3A_207 : i32
        %mul3A_209 = arith.constant 128 : i32
        %mul3A_210 = arith.muli %add3A_208, %mul3A_209 : i32
        %add3A_211 = arith.addi %mul3A_206, %mul3A_210 : i32
        %dma_start3A_212 = tpu.memref_slice %arg3[%add3A_211] : memref<323584xi32, #tpu.memory_space<hbm>> -> memref<128xi32, #tpu.memory_space<hbm>>
        %dma_start3A_213 = tpu.memref_slice %arg3[%add3A_211] : memref<323584xi32, #tpu.memory_space<hbm>> -> memref<128xi32, #tpu.memory_space<hbm>>
        tpu.enqueue_dma source(%dma_start3A_213 : memref<128xi32, #tpu.memory_space<hbm>>) target(%arg13 : memref<128xi32, #tpu.memory_space<vmem>>) target_semaphore(%arg25 : memref<!tpu.dma_semaphore, #tpu.memory_space<semaphore_mem>>)
      } else {
      }
      %dma_wait3A_198 = arith.constant 0 : i32
      %dma_wait3A_199 = tpu.memref_slice %arg4[%dma_wait3A_198] : memref<323584xi32, #tpu.memory_space<hbm>> -> memref<128xi32, #tpu.memory_space<hbm>>
      %dma_wait3A_200 = arith.constant 0 : i32
      %dma_wait3A_201 = tpu.memref_slice %arg4[%dma_wait3A_200] : memref<323584xi32, #tpu.memory_space<hbm>> -> memref<128xi32, #tpu.memory_space<hbm>>
      tpu.wait_dma2 semaphore(%arg28 : memref<!tpu.dma_semaphore, #tpu.memory_space<semaphore_mem>>) src(%dma_wait3A_201 : memref<128xi32, #tpu.memory_space<hbm>>) dst(%arg16 : memref<128xi32, #tpu.memory_space<vmem>>)
      %dma_start3A_202 = arith.constant 0 : i32
      %dma_start3A_203 = arith.constant 0 : i32
      %dma_start3A_204 = tpu.memref_slice %arg7[%dma_start3A_202, %dma_start3A_203] : memref<10016x128xf32, #tpu.memory_space<vmem_shared>> -> memref<10016x128xf32, #tpu.memory_space<vmem_shared>>
      tpu.enqueue_indirect_dma source(%arg10 : memref<128x128xf32, #tpu.memory_space<vmem>>) target(%dma_start3A_204 : memref<10016x128xf32, #tpu.memory_space<vmem_shared>>) offsets(%arg16 : memref<128xi32, #tpu.memory_space<vmem>>) semaphore(%arg22 : memref<!tpu.dma_semaphore, #tpu.memory_space<semaphore_mem>>) {add = true}
    }
    %scan3A_46 = arith.constant 26 : i32
    %dma_wait3A = arith.constant 0 : i32
    %dma_wait3A_47 = arith.constant 0 : i32
    %dma_wait3A_48 = tpu.memref_slice %arg2[%dma_wait3A, %dma_wait3A_47] : memref<10000x128xf32, #tpu.memory_space<hbm>> -> memref<128x128xf32, #tpu.memory_space<hbm>>
    %dma_wait3A_49 = arith.constant 0 : i32
    %dma_wait3A_50 = arith.constant 0 : i32
    %dma_wait3A_51 = tpu.memref_slice %arg2[%dma_wait3A_49, %dma_wait3A_50] : memref<10000x128xf32, #tpu.memory_space<hbm>> -> memref<128x128xf32, #tpu.memory_space<hbm>>
    tpu.wait_dma2 semaphore(%arg20 : memref<!tpu.dma_semaphore, #tpu.memory_space<semaphore_mem>>) src(%dma_wait3A_51 : memref<128x128xf32, #tpu.memory_space<hbm>>) dst(%arg8 : memref<128x128xf32, #tpu.memory_space<vmem>>)
    %dma_wait3A_52 = arith.constant 0 : i32
    %dma_wait3A_53 = arith.constant 0 : i32
    %dma_wait3A_54 = tpu.memref_slice %arg2[%dma_wait3A_52, %dma_wait3A_53] : memref<10000x128xf32, #tpu.memory_space<hbm>> -> memref<128x128xf32, #tpu.memory_space<hbm>>
    %dma_wait3A_55 = arith.constant 0 : i32
    %dma_wait3A_56 = arith.constant 0 : i32
    %dma_wait3A_57 = tpu.memref_slice %arg2[%dma_wait3A_55, %dma_wait3A_56] : memref<10000x128xf32, #tpu.memory_space<hbm>> -> memref<128x128xf32, #tpu.memory_space<hbm>>
    tpu.wait_dma2 semaphore(%arg21 : memref<!tpu.dma_semaphore, #tpu.memory_space<semaphore_mem>>) src(%dma_wait3A_57 : memref<128x128xf32, #tpu.memory_space<hbm>>) dst(%arg9 : memref<128x128xf32, #tpu.memory_space<vmem>>)
    %dma_wait3A_58 = arith.constant 0 : i32
    %dma_wait3A_59 = arith.constant 0 : i32
    %dma_wait3A_60 = tpu.memref_slice %arg2[%dma_wait3A_58, %dma_wait3A_59] : memref<10000x128xf32, #tpu.memory_space<hbm>> -> memref<128x128xf32, #tpu.memory_space<hbm>>
    %dma_wait3A_61 = arith.constant 0 : i32
    %dma_wait3A_62 = arith.constant 0 : i32
    %dma_wait3A_63 = tpu.memref_slice %arg2[%dma_wait3A_61, %dma_wait3A_62] : memref<10000x128xf32, #tpu.memory_space<hbm>> -> memref<128x128xf32, #tpu.memory_space<hbm>>
    tpu.wait_dma2 semaphore(%arg22 : memref<!tpu.dma_semaphore, #tpu.memory_space<semaphore_mem>>) src(%dma_wait3A_63 : memref<128x128xf32, #tpu.memory_space<hbm>>) dst(%arg10 : memref<128x128xf32, #tpu.memory_space<vmem>>)
    %dma_wait3A_64 = arith.constant 0 : i32
    %dma_wait3A_65 = tpu.memref_slice %arg3[%dma_wait3A_64] : memref<323584xi32, #tpu.memory_space<hbm>> -> memref<128xi32, #tpu.memory_space<hbm>>
    %dma_wait3A_66 = arith.constant 0 : i32
    %dma_wait3A_67 = tpu.memref_slice %arg3[%dma_wait3A_66] : memref<323584xi32, #tpu.memory_space<hbm>> -> memref<128xi32, #tpu.memory_space<hbm>>
    tpu.wait_dma2 semaphore(%arg23 : memref<!tpu.dma_semaphore, #tpu.memory_space<semaphore_mem>>) src(%dma_wait3A_67 : memref<128xi32, #tpu.memory_space<hbm>>) dst(%arg11 : memref<128xi32, #tpu.memory_space<vmem>>)
    %mul3A_68 = arith.constant 10112 : i32
    %mul3A_69 = arith.muli %add3A, %mul3A_68 : i32
    %add3A_70 = arith.constant 9984 : i32
    %add3A_71 = arith.addi %mul3A_69, %add3A_70 : i32
    "tpu.region"() ({
      %run_scoped3A = tpu.sem_alloc : memref<!tpu.dma_semaphore, #tpu.memory_space<semaphore_mem>>
      %dma_start3A_88 = tpu.memref_slice %arg4[%add3A_71] : memref<323584xi32, #tpu.memory_space<hbm>> -> memref<128xi32, #tpu.memory_space<hbm>>
      %dma_start3A_89 = tpu.memref_slice %arg4[%add3A_71] : memref<323584xi32, #tpu.memory_space<hbm>> -> memref<128xi32, #tpu.memory_space<hbm>>
      tpu.enqueue_dma source(%dma_start3A_89 : memref<128xi32, #tpu.memory_space<hbm>>) target(%arg14 : memref<128xi32, #tpu.memory_space<vmem>>) target_semaphore(%run_scoped3A : memref<!tpu.dma_semaphore, #tpu.memory_space<semaphore_mem>>)
      %dma_wait3A_90 = tpu.memref_slice %arg4[%add3A_71] : memref<323584xi32, #tpu.memory_space<hbm>> -> memref<128xi32, #tpu.memory_space<hbm>>
      %dma_wait3A_91 = tpu.memref_slice %arg4[%add3A_71] : memref<323584xi32, #tpu.memory_space<hbm>> -> memref<128xi32, #tpu.memory_space<hbm>>
      tpu.wait_dma2 semaphore(%run_scoped3A : memref<!tpu.dma_semaphore, #tpu.memory_space<semaphore_mem>>) src(%dma_wait3A_91 : memref<128xi32, #tpu.memory_space<hbm>>) dst(%arg14 : memref<128xi32, #tpu.memory_space<vmem>>)
      tpu.yield
    }) : () -> ()
    %dma_start3A_72 = arith.constant 0 : i32
    %dma_start3A_73 = arith.constant 0 : i32
    %dma_start3A_74 = tpu.memref_slice %arg2[%dma_start3A_72, %dma_start3A_73] : memref<10000x128xf32, #tpu.memory_space<hbm>> -> memref<10000x128xf32, #tpu.memory_space<hbm>>
    tpu.enqueue_indirect_dma source(%dma_start3A_74 : memref<10000x128xf32, #tpu.memory_space<hbm>>) target(%arg8 : memref<128x128xf32, #tpu.memory_space<vmem>>) offsets(%arg11 : memref<128xi32, #tpu.memory_space<vmem>>) semaphore(%arg17 : memref<!tpu.dma_semaphore, #tpu.memory_space<semaphore_mem>>)
    %dma_wait3A_75 = arith.constant 0 : i32
    %dma_wait3A_76 = arith.constant 0 : i32
    %dma_wait3A_77 = tpu.memref_slice %arg2[%dma_wait3A_75, %dma_wait3A_76] : memref<10000x128xf32, #tpu.memory_space<hbm>> -> memref<128x128xf32, #tpu.memory_space<hbm>>
    %dma_wait3A_78 = arith.constant 0 : i32
    %dma_wait3A_79 = arith.constant 0 : i32
    %dma_wait3A_80 = tpu.memref_slice %arg2[%dma_wait3A_78, %dma_wait3A_79] : memref<10000x128xf32, #tpu.memory_space<hbm>> -> memref<128x128xf32, #tpu.memory_space<hbm>>
    tpu.wait_dma2 semaphore(%arg17 : memref<!tpu.dma_semaphore, #tpu.memory_space<semaphore_mem>>) src(%dma_wait3A_80 : memref<128x128xf32, #tpu.memory_space<hbm>>) dst(%arg8 : memref<128x128xf32, #tpu.memory_space<vmem>>)
    "tpu.region"() ({
      %run_scoped3A = tpu.sem_alloc : memref<!tpu.dma_semaphore, #tpu.memory_space<semaphore_mem>>
      %dma_start3A_88 = arith.constant 0 : i32
      %dma_start3A_89 = arith.constant 0 : i32
      %dma_start3A_90 = tpu.memref_slice %arg7[%dma_start3A_88, %dma_start3A_89] : memref<10016x128xf32, #tpu.memory_space<vmem_shared>> -> memref<10016x128xf32, #tpu.memory_space<vmem_shared>>
      tpu.enqueue_indirect_dma source(%arg8 : memref<128x128xf32, #tpu.memory_space<vmem>>) target(%dma_start3A_90 : memref<10016x128xf32, #tpu.memory_space<vmem_shared>>) offsets(%arg14 : memref<128xi32, #tpu.memory_space<vmem>>) semaphore(%run_scoped3A : memref<!tpu.dma_semaphore, #tpu.memory_space<semaphore_mem>>) {add = true}
      %dma_wait3A_91 = arith.constant 0 : i32
      %dma_wait3A_92 = arith.constant 0 : i32
      %dma_wait3A_93 = tpu.memref_slice %arg7[%dma_wait3A_91, %dma_wait3A_92] : memref<10016x128xf32, #tpu.memory_space<vmem_shared>> -> memref<10016x128xf32, #tpu.memory_space<vmem_shared>>
      tpu.wait_indirect_dma semaphore(%run_scoped3A : memref<!tpu.dma_semaphore, #tpu.memory_space<semaphore_mem>>) src(%arg8 : memref<128x128xf32, #tpu.memory_space<vmem>>) dst(%dma_wait3A_93 : memref<10016x128xf32, #tpu.memory_space<vmem_shared>>)
      tpu.yield
    }) : () -> ()
    %barrier3A_81 = arith.constant 0 : index
    tpu.barrier barrier_id(%barrier3A_81)
    %scan3A_82 = arith.constant 0 : i32
    %scan3A_83 = arith.constant 0 : i32
    %scan3A_84 = arith.constant 5 : i32
    %scan3A_85 = arith.addi %scan3A_83, %scan3A_84 : i32
    %scan3A_86 = arith.constant 1 : i32
    scf.for %scan3A_88 = %scan3A_83 to %scan3A_85 step %scan3A_86  : i32 {
      %mul3A_89 = arith.constant 16 : i32
      %mul3A_90 = arith.muli %scan3A_88, %mul3A_89 : i32
      %add3A_91 = arith.addi %mul3A_90, %arg1 : i32
      %lt3A = arith.constant 78 : i32
      %lt3A_92 = arith.cmpi slt, %add3A_91, %lt3A : i32
      %convert_element_type3A = arith.extui %lt3A_92 : i1 to i32
      %cond3A = arith.constant 0 : i32
      %cond3A_93 = arith.cmpi ne, %convert_element_type3A, %cond3A : i32
      scf.if %cond3A_93 {
        %mul3A_98 = arith.constant 128 : i32
        %mul3A_99 = arith.muli %add3A_91, %mul3A_98 : i32
        "tpu.region"() ({
          %run_scoped3A = tpu.sem_alloc : memref<!tpu.dma_semaphore, #tpu.memory_space<semaphore_mem>>
          %dma_start3A_105 = arith.constant 0 : i32
          %dma_start3A_106 = tpu.memref_slice %arg7[%mul3A_99, %dma_start3A_105] : memref<10016x128xf32, #tpu.memory_space<vmem_shared>> -> memref<128x128xf32, #tpu.memory_space<vmem_shared>>
          %dma_start3A_107 = arith.constant 0 : i32
          %dma_start3A_108 = tpu.memref_slice %arg7[%mul3A_99, %dma_start3A_107] : memref<10016x128xf32, #tpu.memory_space<vmem_shared>> -> memref<128x128xf32, #tpu.memory_space<vmem_shared>>
          tpu.enqueue_dma source(%dma_start3A_108 : memref<128x128xf32, #tpu.memory_space<vmem_shared>>) target(%arg8 : memref<128x128xf32, #tpu.memory_space<vmem>>) target_semaphore(%run_scoped3A : memref<!tpu.dma_semaphore, #tpu.memory_space<semaphore_mem>>)
          %dma_wait3A_109 = arith.constant 0 : i32
          %dma_wait3A_110 = tpu.memref_slice %arg7[%mul3A_99, %dma_wait3A_109] : memref<10016x128xf32, #tpu.memory_space<vmem_shared>> -> memref<128x128xf32, #tpu.memory_space<vmem_shared>>
          %dma_wait3A_111 = arith.constant 0 : i32
          %dma_wait3A_112 = tpu.memref_slice %arg7[%mul3A_99, %dma_wait3A_111] : memref<10016x128xf32, #tpu.memory_space<vmem_shared>> -> memref<128x128xf32, #tpu.memory_space<vmem_shared>>
          tpu.wait_dma2 semaphore(%run_scoped3A : memref<!tpu.dma_semaphore, #tpu.memory_space<semaphore_mem>>) src(%dma_wait3A_112 : memref<128x128xf32, #tpu.memory_space<vmem_shared>>) dst(%arg8 : memref<128x128xf32, #tpu.memory_space<vmem>>)
          tpu.yield
        }) : () -> ()
        %mul3A_100 = arith.constant 10000 : i32
        %mul3A_101 = arith.muli %arg0, %mul3A_100 : i32
        %mul3A_102 = arith.constant 128 : i32
        %mul3A_103 = arith.muli %add3A_91, %mul3A_102 : i32
        %add3A_104 = arith.addi %mul3A_101, %mul3A_103 : i32
        "tpu.region"() ({
          %run_scoped3A = tpu.sem_alloc : memref<!tpu.dma_semaphore, #tpu.memory_space<semaphore_mem>>
          %dma_start3A_105 = arith.constant 0 : i32
          %dma_start3A_106 = tpu.memref_slice %arg6[%add3A_104, %dma_start3A_105] : memref<20000x128xf32, #tpu.memory_space<hbm>> -> memref<128x128xf32, #tpu.memory_space<hbm>>
          %dma_start3A_107 = arith.constant 0 : i32
          %dma_start3A_108 = tpu.memref_slice %arg6[%add3A_104, %dma_start3A_107] : memref<20000x128xf32, #tpu.memory_space<hbm>> -> memref<128x128xf32, #tpu.memory_space<hbm>>
          tpu.enqueue_dma source(%arg8 : memref<128x128xf32, #tpu.memory_space<vmem>>) target(%dma_start3A_108 : memref<128x128xf32, #tpu.memory_space<hbm>>) target_semaphore(%run_scoped3A : memref<!tpu.dma_semaphore, #tpu.memory_space<semaphore_mem>>)
          %dma_wait3A_109 = arith.constant 0 : i32
          %dma_wait3A_110 = tpu.memref_slice %arg6[%add3A_104, %dma_wait3A_109] : memref<20000x128xf32, #tpu.memory_space<hbm>> -> memref<128x128xf32, #tpu.memory_space<hbm>>
          %dma_wait3A_111 = arith.constant 0 : i32
          %dma_wait3A_112 = tpu.memref_slice %arg6[%add3A_104, %dma_wait3A_111] : memref<20000x128xf32, #tpu.memory_space<hbm>> -> memref<128x128xf32, #tpu.memory_space<hbm>>
          tpu.wait_dma2 semaphore(%run_scoped3A : memref<!tpu.dma_semaphore, #tpu.memory_space<semaphore_mem>>) src(%arg8 : memref<128x128xf32, #tpu.memory_space<vmem>>) dst(%dma_wait3A_112 : memref<128x128xf32, #tpu.memory_space<hbm>>)
          tpu.yield
        }) : () -> ()
      } else {
      }
      %eq3A = arith.constant 78 : i32
      %eq3A_94 = arith.cmpi eq, %add3A_91, %eq3A : i32
      %convert_element_type3A_95 = arith.extui %eq3A_94 : i1 to i32
      %cond3A_96 = arith.constant 0 : i32
      %cond3A_97 = arith.cmpi ne, %convert_element_type3A_95, %cond3A_96 : i32
      scf.if %cond3A_97 {
        "tpu.region"() ({
          %run_scoped3A = tpu.sem_alloc : memref<!tpu.dma_semaphore, #tpu.memory_space<semaphore_mem>>
          %dma_start3A_102 = arith.constant 0 : i32
          %dma_start3A_103 = arith.constant 0 : i32
          %dma_start3A_104 = tpu.memref_slice %arg9[%dma_start3A_102, %dma_start3A_103] : memref<128x128xf32, #tpu.memory_space<vmem>> -> memref<16x128xf32, #tpu.memory_space<vmem>>
          %dma_start3A_105 = arith.constant 9984 : i32
          %dma_start3A_106 = arith.constant 0 : i32
          %dma_start3A_107 = tpu.memref_slice %arg7[%dma_start3A_105, %dma_start3A_106] : memref<10016x128xf32, #tpu.memory_space<vmem_shared>> -> memref<16x128xf32, #tpu.memory_space<vmem_shared>>
          %dma_start3A_108 = arith.constant 0 : i32
          %dma_start3A_109 = arith.constant 0 : i32
          %dma_start3A_110 = tpu.memref_slice %arg9[%dma_start3A_108, %dma_start3A_109] : memref<128x128xf32, #tpu.memory_space<vmem>> -> memref<16x128xf32, #tpu.memory_space<vmem>>
          %dma_start3A_111 = arith.constant 9984 : i32
          %dma_start3A_112 = arith.constant 0 : i32
          %dma_start3A_113 = tpu.memref_slice %arg7[%dma_start3A_111, %dma_start3A_112] : memref<10016x128xf32, #tpu.memory_space<vmem_shared>> -> memref<16x128xf32, #tpu.memory_space<vmem_shared>>
          tpu.enqueue_dma source(%dma_start3A_113 : memref<16x128xf32, #tpu.memory_space<vmem_shared>>) target(%dma_start3A_110 : memref<16x128xf32, #tpu.memory_space<vmem>>) target_semaphore(%run_scoped3A : memref<!tpu.dma_semaphore, #tpu.memory_space<semaphore_mem>>)
          %dma_wait3A_114 = arith.constant 0 : i32
          %dma_wait3A_115 = arith.constant 0 : i32
          %dma_wait3A_116 = tpu.memref_slice %arg9[%dma_wait3A_114, %dma_wait3A_115] : memref<128x128xf32, #tpu.memory_space<vmem>> -> memref<16x128xf32, #tpu.memory_space<vmem>>
          %dma_wait3A_117 = arith.constant 9984 : i32
          %dma_wait3A_118 = arith.constant 0 : i32
          %dma_wait3A_119 = tpu.memref_slice %arg7[%dma_wait3A_117, %dma_wait3A_118] : memref<10016x128xf32, #tpu.memory_space<vmem_shared>> -> memref<16x128xf32, #tpu.memory_space<vmem_shared>>
          %dma_wait3A_120 = arith.constant 0 : i32
          %dma_wait3A_121 = arith.constant 0 : i32
          %dma_wait3A_122 = tpu.memref_slice %arg9[%dma_wait3A_120, %dma_wait3A_121] : memref<128x128xf32, #tpu.memory_space<vmem>> -> memref<16x128xf32, #tpu.memory_space<vmem>>
          %dma_wait3A_123 = arith.constant 9984 : i32
          %dma_wait3A_124 = arith.constant 0 : i32
          %dma_wait3A_125 = tpu.memref_slice %arg7[%dma_wait3A_123, %dma_wait3A_124] : memref<10016x128xf32, #tpu.memory_space<vmem_shared>> -> memref<16x128xf32, #tpu.memory_space<vmem_shared>>
          tpu.wait_dma2 semaphore(%run_scoped3A : memref<!tpu.dma_semaphore, #tpu.memory_space<semaphore_mem>>) src(%dma_wait3A_125 : memref<16x128xf32, #tpu.memory_space<vmem_shared>>) dst(%dma_wait3A_122 : memref<16x128xf32, #tpu.memory_space<vmem>>)
          tpu.yield
        }) : () -> ()
        %mul3A_98 = arith.constant 10000 : i32
        %mul3A_99 = arith.muli %arg0, %mul3A_98 : i32
        %add3A_100 = arith.constant 9984 : i32
        %add3A_101 = arith.addi %mul3A_99, %add3A_100 : i32
        "tpu.region"() ({
          %run_scoped3A = tpu.sem_alloc : memref<!tpu.dma_semaphore, #tpu.memory_space<semaphore_mem>>
          %dma_start3A_102 = arith.constant 0 : i32
          %dma_start3A_103 = arith.constant 0 : i32
          %dma_start3A_104 = tpu.memref_slice %arg9[%dma_start3A_102, %dma_start3A_103] : memref<128x128xf32, #tpu.memory_space<vmem>> -> memref<16x128xf32, #tpu.memory_space<vmem>>
          %dma_start3A_105 = arith.constant 0 : i32
          %dma_start3A_106 = tpu.memref_slice %arg6[%add3A_101, %dma_start3A_105] : memref<20000x128xf32, #tpu.memory_space<hbm>> -> memref<16x128xf32, #tpu.memory_space<hbm>>
          %dma_start3A_107 = arith.constant 0 : i32
          %dma_start3A_108 = tpu.memref_slice %arg6[%add3A_101, %dma_start3A_107] : memref<20000x128xf32, #tpu.memory_space<hbm>> -> memref<16x128xf32, #tpu.memory_space<hbm>>
          %dma_start3A_109 = arith.constant 0 : i32
          %dma_start3A_110 = arith.constant 0 : i32
          %dma_start3A_111 = tpu.memref_slice %arg9[%dma_start3A_109, %dma_start3A_110] : memref<128x128xf32, #tpu.memory_space<vmem>> -> memref<16x128xf32, #tpu.memory_space<vmem>>
          tpu.enqueue_dma source(%dma_start3A_111 : memref<16x128xf32, #tpu.memory_space<vmem>>) target(%dma_start3A_108 : memref<16x128xf32, #tpu.memory_space<hbm>>) target_semaphore(%run_scoped3A : memref<!tpu.dma_semaphore, #tpu.memory_space<semaphore_mem>>)
          %dma_wait3A_112 = arith.constant 0 : i32
          %dma_wait3A_113 = arith.constant 0 : i32
          %dma_wait3A_114 = tpu.memref_slice %arg9[%dma_wait3A_112, %dma_wait3A_113] : memref<128x128xf32, #tpu.memory_space<vmem>> -> memref<16x128xf32, #tpu.memory_space<vmem>>
          %dma_wait3A_115 = arith.constant 0 : i32
          %dma_wait3A_116 = tpu.memref_slice %arg6[%add3A_101, %dma_wait3A_115] : memref<20000x128xf32, #tpu.memory_space<hbm>> -> memref<16x128xf32, #tpu.memory_space<hbm>>
          %dma_wait3A_117 = arith.constant 0 : i32
          %dma_wait3A_118 = tpu.memref_slice %arg6[%add3A_101, %dma_wait3A_117] : memref<20000x128xf32, #tpu.memory_space<hbm>> -> memref<16x128xf32, #tpu.memory_space<hbm>>
          %dma_wait3A_119 = arith.constant 0 : i32
          %dma_wait3A_120 = arith.constant 0 : i32
          %dma_wait3A_121 = tpu.memref_slice %arg9[%dma_wait3A_119, %dma_wait3A_120] : memref<128x128xf32, #tpu.memory_space<vmem>> -> memref<16x128xf32, #tpu.memory_space<vmem>>
          tpu.wait_dma2 semaphore(%run_scoped3A : memref<!tpu.dma_semaphore, #tpu.memory_space<semaphore_mem>>) src(%dma_wait3A_121 : memref<16x128xf32, #tpu.memory_space<vmem>>) dst(%dma_wait3A_118 : memref<16x128xf32, #tpu.memory_space<hbm>>)
          tpu.yield
        }) : () -> ()
      } else {
      }
    }
    %scan3A_87 = arith.constant 5 : i32
    return
  }
}

module attributes {stable_mosaic.version = 14 : i64} {
  func.func @_tc_mm_body(%arg0: i32, %arg1: memref<1000x128xf32, #tpu.memory_space<vmem>>, %arg2: memref<128x128xf32, #tpu.memory_space<vmem>>, %arg3: memref<1000x128xf32, #tpu.memory_space<vmem>>) attributes {dimension_semantics = [#tpu.dimension_semantics<arbitrary>], iteration_bounds = array<i64: 10>, scalar_prefetch = 0 : i64, scratch_operands = 0 : i64, tpu.core_type = #tpu.core_type<tc>, window_params = [{transform_indices = @transform_0, window_bounds = array<i64: 1000, 128>}, {pipeline_mode = #tpu.pipeline_mode<synchronous>, transform_indices = @transform_1, window_bounds = array<i64: 128, 128>}, {transform_indices = @transform_2, window_bounds = array<i64: 1000, 128>}]} {
    %get3A = arith.constant 0 : index
    %get3A_0 = arith.constant 0 : index
    %get3A_1 = vector.load %arg1[%get3A, %get3A_0] : memref<1000x128xf32, #tpu.memory_space<vmem>>, vector<1000x128xf32>
    %get3A_2 = arith.constant 0 : index
    %get3A_3 = arith.constant 0 : index
    %get3A_4 = vector.load %arg2[%get3A_2, %get3A_3] : memref<128x128xf32, #tpu.memory_space<vmem>>, vector<128x128xf32>
    %dot_general3A = arith.constant dense<0.000000e+00> : vector<1000x128xf32>
    %dot_general3A_5 = tpu.matmul %get3A_1, %get3A_4, %dot_general3A {dimension_numbers = #tpu.dot_dimension_numbers<[1], [0], [0], [1], [0, 0, 1, 1], [], []>, transpose_lhs_hint = false} : vector<1000x128xf32>, vector<128x128xf32>, vector<1000x128xf32> -> vector<1000x128xf32>
    %swap3A = arith.constant 0 : index
    %swap3A_6 = arith.constant 0 : index
    %swap3A_7 = vector.load %arg3[%swap3A, %swap3A_6] : memref<1000x128xf32, #tpu.memory_space<vmem>>, vector<1000x128xf32>
    tpu.vector_store %arg3[%swap3A, %swap3A_6], %dot_general3A_5 {strides = array<i32>} : memref<1000x128xf32, #tpu.memory_space<vmem>>, vector<1000x128xf32>,
    return
  }
  func.func @transform_0(%arg0: i32) -> (i32, i32) {
    %c0_i32 = arith.constant 0 : i32
    %c0_i32_0 = arith.constant 0 : i32
    return %arg0, %c0_i32 : i32, i32
  }
  func.func @transform_1(%arg0: i32) -> (i32, i32) {
    %c0_i32 = arith.constant 0 : i32
    %c0_i32_0 = arith.constant 0 : i32
    %c0_i32_1 = arith.constant 0 : i32
    return %c0_i32, %c0_i32_0 : i32, i32
  }
  func.func @transform_2(%arg0: i32) -> (i32, i32) {
    %c0_i32 = arith.constant 0 : i32
    %c0_i32_0 = arith.constant 0 : i32
    return %arg0, %c0_i32 : i32, i32
  }
}

module attributes {stable_mosaic.version = 14 : i64} {
  func.func @_tc_scale_body(%arg0: i32, %arg1: memref<1000x2xf32, #tpu.memory_space<vmem>>, %arg2: memref<1000x128xf32, #tpu.memory_space<vmem>>, %arg3: memref<1000x128xf32, #tpu.memory_space<vmem>>) attributes {dimension_semantics = [#tpu.dimension_semantics<arbitrary>], iteration_bounds = array<i64: 10>, scalar_prefetch = 0 : i64, scratch_operands = 0 : i64, tpu.core_type = #tpu.core_type<tc>, window_params = [{transform_indices = @transform_0, window_bounds = array<i64: 1000, 2>}, {transform_indices = @transform_1, window_bounds = array<i64: 1000, 128>}, {transform_indices = @transform_2, window_bounds = array<i64: 1000, 128>}]} {
    %get3A = arith.constant 0 : index
    %get3A_0 = arith.constant 0 : index
    %get3A_1 = vector.load %arg1[%get3A, %get3A_0] : memref<1000x2xf32, #tpu.memory_space<vmem>>, vector<1000x2xf32>
    %slice3A = vector.extract_strided_slice %get3A_1 {offsets = [0, 0], sizes = [1000, 1], strides = [1, 1]} : vector<1000x2xf32> to vector<1000x1xf32>
    %squeeze3A = vector.shape_cast %slice3A : vector<1000x1xf32> to vector<1000xf32>
    %slice3A_2 = vector.extract_strided_slice %get3A_1 {offsets = [0, 1], sizes = [1000, 1], strides = [1, 1]} : vector<1000x2xf32> to vector<1000x1xf32>
    %squeeze3A_3 = vector.shape_cast %slice3A_2 : vector<1000x1xf32> to vector<1000xf32>
    %add3A = arith.addf %squeeze3A, %squeeze3A_3 : vector<1000xf32>
    %add3A_4 = arith.constant 1.000000e+00 : f32
    %add3A_5 = vector.broadcast %add3A_4 : f32 to vector<1000xf32>
    %add3A_6 = arith.addf %add3A, %add3A_5 : vector<1000xf32>
    %rsqrt3A = math.rsqrt %add3A_6 : vector<1000xf32>
    %get3A_7 = arith.constant 0 : index
    %get3A_8 = arith.constant 0 : index
    %get3A_9 = vector.load %arg2[%get3A_7, %get3A_8] : memref<1000x128xf32, #tpu.memory_space<vmem>>, vector<1000x128xf32>
    %broadcast_in_dim3A = vector.shape_cast %rsqrt3A : vector<1000xf32> to vector<1000x1xf32>
    %mul3A = vector.broadcast %broadcast_in_dim3A : vector<1000x1xf32> to vector<1000x128xf32>
    %mul3A_10 = arith.mulf %get3A_9, %mul3A : vector<1000x128xf32>
    %swap3A = arith.constant 0 : index
    %swap3A_11 = arith.constant 0 : index
    %swap3A_12 = vector.load %arg3[%swap3A, %swap3A_11] : memref<1000x128xf32, #tpu.memory_space<vmem>>, vector<1000x128xf32>
    tpu.vector_store %arg3[%swap3A, %swap3A_11], %mul3A_10 {strides = array<i32>} : memref<1000x128xf32, #tpu.memory_space<vmem>>, vector<1000x128xf32>,
    return
  }
  func.func @transform_0(%arg0: i32) -> (i32, i32) {
    %c0_i32 = arith.constant 0 : i32
    %c0_i32_0 = arith.constant 0 : i32
    return %arg0, %c0_i32 : i32, i32
  }
  func.func @transform_1(%arg0: i32) -> (i32, i32) {
    %c0_i32 = arith.constant 0 : i32
    %c0_i32_0 = arith.constant 0 : i32
    return %arg0, %c0_i32 : i32, i32
  }
  func.func @transform_2(%arg0: i32) -> (i32, i32) {
    %c0_i32 = arith.constant 0 : i32
    %c0_i32_0 = arith.constant 0 : i32
    return %arg0, %c0_i32 : i32, i32
  }
}

module attributes {stable_mosaic.version = 14 : i64} {
  func.func @_tc_mid_body(%arg0: i32, %arg1: memref<1000x2xf32, #tpu.memory_space<vmem>>, %arg2: memref<2x1000x128xf32, #tpu.memory_space<vmem>>, %arg3: memref<1000x128xf32, #tpu.memory_space<vmem>>, %arg4: memref<1x128xf32, #tpu.memory_space<vmem>>, %arg5: memref<128x128xf32, #tpu.memory_space<vmem>>, %arg6: memref<1000x128xf32, #tpu.memory_space<vmem>>, %arg7: memref<1000x128xf32, #tpu.memory_space<vmem>>) attributes {dimension_semantics = [#tpu.dimension_semantics<arbitrary>], iteration_bounds = array<i64: 10>, scalar_prefetch = 0 : i64, scratch_operands = 0 : i64, tpu.core_type = #tpu.core_type<tc>, window_params = [{transform_indices = @transform_0, window_bounds = array<i64: 1000, 2>}, {transform_indices = @transform_1, window_bounds = array<i64: 2, 1000, 128>}, {transform_indices = @transform_2, window_bounds = array<i64: 1000, 128>}, {pipeline_mode = #tpu.pipeline_mode<synchronous>, transform_indices = @transform_3, window_bounds = array<i64: 1, 128>}, {pipeline_mode = #tpu.pipeline_mode<synchronous>, transform_indices = @transform_4, window_bounds = array<i64: 128, 128>}, {transform_indices = @transform_5, window_bounds = array<i64: 1000, 128>}, {transform_indices = @transform_6, window_bounds = array<i64: 1000, 128>}]} {
    %get3A = arith.constant 0 : index
    %get3A_0 = arith.constant 0 : index
    %get3A_1 = vector.load %arg1[%get3A, %get3A_0] : memref<1000x2xf32, #tpu.memory_space<vmem>>, vector<1000x2xf32>
    %slice3A = vector.extract_strided_slice %get3A_1 {offsets = [0, 0], sizes = [1000, 1], strides = [1, 1]} : vector<1000x2xf32> to vector<1000x1xf32>
    %squeeze3A = vector.shape_cast %slice3A : vector<1000x1xf32> to vector<1000xf32>
    %slice3A_2 = vector.extract_strided_slice %get3A_1 {offsets = [0, 1], sizes = [1000, 1], strides = [1, 1]} : vector<1000x2xf32> to vector<1000x1xf32>
    %squeeze3A_3 = vector.shape_cast %slice3A_2 : vector<1000x1xf32> to vector<1000xf32>
    %add3A = arith.addf %squeeze3A, %squeeze3A_3 : vector<1000xf32>
    %add3A_4 = arith.constant 1.000000e+00 : f32
    %add3A_5 = vector.broadcast %add3A_4 : f32 to vector<1000xf32>
    %add3A_6 = arith.addf %add3A, %add3A_5 : vector<1000xf32>
    %rsqrt3A = math.rsqrt %add3A_6 : vector<1000xf32>
    %get3A_7 = arith.constant 0 : index
    %get3A_8 = arith.constant 0 : index
    %get3A_9 = arith.constant 0 : index
    %get3A_10 = vector.load %arg2[%get3A_7, %get3A_8, %get3A_9] : memref<2x1000x128xf32, #tpu.memory_space<vmem>>, vector<1x1000x128xf32>
    %get3A_11 = vector.shape_cast %get3A_10 : vector<1x1000x128xf32> to vector<1000x128xf32>
    %get3A_12 = arith.constant 1 : index
    %get3A_13 = arith.constant 0 : index
    %get3A_14 = arith.constant 0 : index
    %get3A_15 = vector.load %arg2[%get3A_12, %get3A_13, %get3A_14] : memref<2x1000x128xf32, #tpu.memory_space<vmem>>, vector<1x1000x128xf32>
    %get3A_16 = vector.shape_cast %get3A_15 : vector<1x1000x128xf32> to vector<1000x128xf32>
    %add3A_17 = arith.addf %get3A_11, %get3A_16 : vector<1000x128xf32>
    %get3A_18 = arith.constant 0 : index
    %get3A_19 = arith.constant 0 : index
    %get3A_20 = vector.load %arg3[%get3A_18, %get3A_19] : memref<1000x128xf32, #tpu.memory_space<vmem>>, vector<1000x128xf32>
    %add3A_21 = arith.addf %add3A_17, %get3A_20 : vector<1000x128xf32>
    %broadcast_in_dim3A = vector.shape_cast %rsqrt3A : vector<1000xf32> to vector<1000x1xf32>
    %mul3A = vector.broadcast %broadcast_in_dim3A : vector<1000x1xf32> to vector<1000x128xf32>
    %mul3A_22 = arith.mulf %mul3A, %add3A_21 : vector<1000x128xf32>
    %get3A_23 = arith.constant 0 : index
    %get3A_24 = arith.constant 0 : index
    %get3A_25 = vector.load %arg4[%get3A_23, %get3A_24] : memref<1x128xf32, #tpu.memory_space<vmem>>, vector<1x128xf32>
    %add3A_26 = vector.broadcast %get3A_25 : vector<1x128xf32> to vector<1000x128xf32>
    %add3A_27 = arith.addf %mul3A_22, %add3A_26 : vector<1000x128xf32>
    %max3A = arith.constant 0.000000e+00 : f32
    %max3A_28 = vector.broadcast %max3A : f32 to vector<1000x128xf32>
    %max3A_29 = arith.maximumf %add3A_27, %max3A_28 : vector<1000x128xf32>
    %swap3A = arith.constant 0 : index
    %swap3A_30 = arith.constant 0 : index
    %swap3A_31 = vector.load %arg6[%swap3A, %swap3A_30] : memref<1000x128xf32, #tpu.memory_space<vmem>>, vector<1000x128xf32>
    tpu.vector_store %arg6[%swap3A, %swap3A_30], %max3A_29 {strides = array<i32>} : memref<1000x128xf32, #tpu.memory_space<vmem>>, vector<1000x128xf32>,
    %get3A_32 = arith.constant 0 : index
    %get3A_33 = arith.constant 0 : index
    %get3A_34 = vector.load %arg5[%get3A_32, %get3A_33] : memref<128x128xf32, #tpu.memory_space<vmem>>, vector<128x128xf32>
    %dot_general3A = arith.constant dense<0.000000e+00> : vector<1000x128xf32>
    %dot_general3A_35 = tpu.matmul %max3A_29, %get3A_34, %dot_general3A {dimension_numbers = #tpu.dot_dimension_numbers<[1], [0], [0], [1], [0, 0, 1, 1], [], []>, transpose_lhs_hint = false} : vector<1000x128xf32>, vector<128x128xf32>, vector<1000x128xf32> -> vector<1000x128xf32>
    %broadcast_in_dim3A_36 = vector.shape_cast %rsqrt3A : vector<1000xf32> to vector<1000x1xf32>
    %mul3A_37 = vector.broadcast %broadcast_in_dim3A_36 : vector<1000x1xf32> to vector<1000x128xf32>
    %mul3A_38 = arith.mulf %dot_general3A_35, %mul3A_37 : vector<1000x128xf32>
    %swap3A_39 = arith.constant 0 : index
    %swap3A_40 = arith.constant 0 : index
    %swap3A_41 = vector.load %arg7[%swap3A_39, %swap3A_40] : memref<1000x128xf32, #tpu.memory_space<vmem>>, vector<1000x128xf32>
    tpu.vector_store %arg7[%swap3A_39, %swap3A_40], %mul3A_38 {strides = array<i32>} : memref<1000x128xf32, #tpu.memory_space<vmem>>, vector<1000x128xf32>,
    return
  }
  func.func @transform_0(%arg0: i32) -> (i32, i32) {
    %c0_i32 = arith.constant 0 : i32
    %c0_i32_0 = arith.constant 0 : i32
    return %arg0, %c0_i32 : i32, i32
  }
  func.func @transform_1(%arg0: i32) -> (i32, i32, i32) {
    %c0_i32 = arith.constant 0 : i32
    %c0_i32_0 = arith.constant 0 : i32
    %c0_i32_1 = arith.constant 0 : i32
    return %c0_i32, %arg0, %c0_i32_0 : i32, i32, i32
  }
  func.func @transform_2(%arg0: i32) -> (i32, i32) {
    %c0_i32 = arith.constant 0 : i32
    %c0_i32_0 = arith.constant 0 : i32
    return %arg0, %c0_i32 : i32, i32
  }
  func.func @transform_3(%arg0: i32) -> (i32, i32) {
    %c0_i32 = arith.constant 0 : i32
    %c0_i32_0 = arith.constant 0 : i32
    %c0_i32_1 = arith.constant 0 : i32
    return %c0_i32, %c0_i32_0 : i32, i32
  }
  func.func @transform_4(%arg0: i32) -> (i32, i32) {
    %c0_i32 = arith.constant 0 : i32
    %c0_i32_0 = arith.constant 0 : i32
    %c0_i32_1 = arith.constant 0 : i32
    return %c0_i32, %c0_i32_0 : i32, i32
  }
  func.func @transform_5(%arg0: i32) -> (i32, i32) {
    %c0_i32 = arith.constant 0 : i32
    %c0_i32_0 = arith.constant 0 : i32
    return %arg0, %c0_i32 : i32, i32
  }
  func.func @transform_6(%arg0: i32) -> (i32, i32) {
    %c0_i32 = arith.constant 0 : i32
    %c0_i32_0 = arith.constant 0 : i32
    return %arg0, %c0_i32 : i32, i32
  }
}

module attributes {stable_mosaic.version = 14 : i64} {
  func.func @_tc_fin_body(%arg0: i32, %arg1: memref<1000x2xf32, #tpu.memory_space<vmem>>, %arg2: memref<2x1000x128xf32, #tpu.memory_space<vmem>>, %arg3: memref<1000x128xf32, #tpu.memory_space<vmem>>, %arg4: memref<1x128xf32, #tpu.memory_space<vmem>>, %arg5: memref<1000x128xf32, #tpu.memory_space<vmem>>, %arg6: memref<1000x256xf32, #tpu.memory_space<vmem>>) attributes {dimension_semantics = [#tpu.dimension_semantics<arbitrary>], iteration_bounds = array<i64: 10>, scalar_prefetch = 0 : i64, scratch_operands = 0 : i64, tpu.core_type = #tpu.core_type<tc>, window_params = [{transform_indices = @transform_0, window_bounds = array<i64: 1000, 2>}, {transform_indices = @transform_1, window_bounds = array<i64: 2, 1000, 128>}, {transform_indices = @transform_2, window_bounds = array<i64: 1000, 128>}, {pipeline_mode = #tpu.pipeline_mode<synchronous>, transform_indices = @transform_3, window_bounds = array<i64: 1, 128>}, {transform_indices = @transform_4, window_bounds = array<i64: 1000, 128>}, {transform_indices = @transform_5, window_bounds = array<i64: 1000, 256>}]} {
    %get3A = arith.constant 0 : index
    %get3A_0 = arith.constant 0 : index
    %get3A_1 = vector.load %arg1[%get3A, %get3A_0] : memref<1000x2xf32, #tpu.memory_space<vmem>>, vector<1000x2xf32>
    %slice3A = vector.extract_strided_slice %get3A_1 {offsets = [0, 0], sizes = [1000, 1], strides = [1, 1]} : vector<1000x2xf32> to vector<1000x1xf32>
    %squeeze3A = vector.shape_cast %slice3A : vector<1000x1xf32> to vector<1000xf32>
    %slice3A_2 = vector.extract_strided_slice %get3A_1 {offsets = [0, 1], sizes = [1000, 1], strides = [1, 1]} : vector<1000x2xf32> to vector<1000x1xf32>
    %squeeze3A_3 = vector.shape_cast %slice3A_2 : vector<1000x1xf32> to vector<1000xf32>
    %add3A = arith.addf %squeeze3A, %squeeze3A_3 : vector<1000xf32>
    %add3A_4 = arith.constant 1.000000e+00 : f32
    %add3A_5 = vector.broadcast %add3A_4 : f32 to vector<1000xf32>
    %add3A_6 = arith.addf %add3A, %add3A_5 : vector<1000xf32>
    %rsqrt3A = math.rsqrt %add3A_6 : vector<1000xf32>
    %get3A_7 = arith.constant 0 : index
    %get3A_8 = arith.constant 0 : index
    %get3A_9 = arith.constant 0 : index
    %get3A_10 = vector.load %arg2[%get3A_7, %get3A_8, %get3A_9] : memref<2x1000x128xf32, #tpu.memory_space<vmem>>, vector<1x1000x128xf32>
    %get3A_11 = vector.shape_cast %get3A_10 : vector<1x1000x128xf32> to vector<1000x128xf32>
    %get3A_12 = arith.constant 1 : index
    %get3A_13 = arith.constant 0 : index
    %get3A_14 = arith.constant 0 : index
    %get3A_15 = vector.load %arg2[%get3A_12, %get3A_13, %get3A_14] : memref<2x1000x128xf32, #tpu.memory_space<vmem>>, vector<1x1000x128xf32>
    %get3A_16 = vector.shape_cast %get3A_15 : vector<1x1000x128xf32> to vector<1000x128xf32>
    %add3A_17 = arith.addf %get3A_11, %get3A_16 : vector<1000x128xf32>
    %get3A_18 = arith.constant 0 : index
    %get3A_19 = arith.constant 0 : index
    %get3A_20 = vector.load %arg3[%get3A_18, %get3A_19] : memref<1000x128xf32, #tpu.memory_space<vmem>>, vector<1000x128xf32>
    %add3A_21 = arith.addf %add3A_17, %get3A_20 : vector<1000x128xf32>
    %broadcast_in_dim3A = vector.shape_cast %rsqrt3A : vector<1000xf32> to vector<1000x1xf32>
    %mul3A = vector.broadcast %broadcast_in_dim3A : vector<1000x1xf32> to vector<1000x128xf32>
    %mul3A_22 = arith.mulf %mul3A, %add3A_21 : vector<1000x128xf32>
    %get3A_23 = arith.constant 0 : index
    %get3A_24 = arith.constant 0 : index
    %get3A_25 = vector.load %arg4[%get3A_23, %get3A_24] : memref<1x128xf32, #tpu.memory_space<vmem>>, vector<1x128xf32>
    %add3A_26 = vector.broadcast %get3A_25 : vector<1x128xf32> to vector<1000x128xf32>
    %add3A_27 = arith.addf %mul3A_22, %add3A_26 : vector<1000x128xf32>
    %max3A = arith.constant 0.000000e+00 : f32
    %max3A_28 = vector.broadcast %max3A : f32 to vector<1000x128xf32>
    %max3A_29 = arith.maximumf %add3A_27, %max3A_28 : vector<1000x128xf32>
    %get3A_30 = arith.constant 0 : index
    %get3A_31 = arith.constant 0 : index
    %get3A_32 = vector.load %arg5[%get3A_30, %get3A_31] : memref<1000x128xf32, #tpu.memory_space<vmem>>, vector<1000x128xf32>
    %swap3A = arith.constant 0 : index
    %swap3A_33 = arith.constant 0 : index
    %swap3A_34 = vector.load %arg6[%swap3A, %swap3A_33] : memref<1000x256xf32, #tpu.memory_space<vmem>>, vector<1000x128xf32>
    tpu.vector_store %arg6[%swap3A, %swap3A_33], %get3A_32 {strides = array<i32>} : memref<1000x256xf32, #tpu.memory_space<vmem>>, vector<1000x128xf32>,
    %swap3A_35 = arith.constant 0 : index
    %swap3A_36 = arith.constant 128 : index
    %swap3A_37 = vector.load %arg6[%swap3A_35, %swap3A_36] : memref<1000x256xf32, #tpu.memory_space<vmem>>, vector<1000x128xf32>
    tpu.vector_store %arg6[%swap3A_35, %swap3A_36], %max3A_29 {strides = array<i32>} : memref<1000x256xf32, #tpu.memory_space<vmem>>, vector<1000x128xf32>,
    return
  }
  func.func @transform_0(%arg0: i32) -> (i32, i32) {
    %c0_i32 = arith.constant 0 : i32
    %c0_i32_0 = arith.constant 0 : i32
    return %arg0, %c0_i32 : i32, i32
  }
  func.func @transform_1(%arg0: i32) -> (i32, i32, i32) {
    %c0_i32 = arith.constant 0 : i32
    %c0_i32_0 = arith.constant 0 : i32
    %c0_i32_1 = arith.constant 0 : i32
    return %c0_i32, %arg0, %c0_i32_0 : i32, i32, i32
  }
  func.func @transform_2(%arg0: i32) -> (i32, i32) {
    %c0_i32 = arith.constant 0 : i32
    %c0_i32_0 = arith.constant 0 : i32
    return %arg0, %c0_i32 : i32, i32
  }
  func.func @transform_3(%arg0: i32) -> (i32, i32) {
    %c0_i32 = arith.constant 0 : i32
    %c0_i32_0 = arith.constant 0 : i32
    %c0_i32_1 = arith.constant 0 : i32
    return %c0_i32, %c0_i32_0 : i32, i32
  }
  func.func @transform_4(%arg0: i32) -> (i32, i32) {
    %c0_i32 = arith.constant 0 : i32
    %c0_i32_0 = arith.constant 0 : i32
    return %arg0, %c0_i32 : i32, i32
  }
  func.func @transform_5(%arg0: i32) -> (i32, i32) {
    %c0_i32 = arith.constant 0 : i32
    %c0_i32_0 = arith.constant 0 : i32
    return %arg0, %c0_i32 : i32, i32
  }
}

</mosaic_0001>

<sc_bundles>
// kernel: kernel.12.cloned.1.call-start
scs
__scs_entry_jumppad:
0x0: {  	(pc) =	sbr.rel $0x88, $3  }
0x1: {  	(tag) =	ssettag $0x0;
	lr =	simm.s32 $0x1  }
0x2: {  	[smem:$0x3F9B] =	sst lr;
	_ =	strace $0xD0000000  }
0x3: {  	_ = 	snop  }
0x4: {  	_ = 	snop  }
0x5: {  	_ = 	snop  }
0x6: {  	_ = 	snop  }
0x7: {  	_ = 	snop  }
__scs_overlays_trampoline_lowered:
0x8: {  	[smem:$0x3FAA] =	sst s0  }
0x9: {  	[smem:$0x3FAB] =	sst s1  }
0xa: {  	[smem:$0x3FAC] =	sst s2  }
0xb: {  	[smem:$0x3FAD] =	sst s3  }
0xc: {  	[smem:$0x3FAE] =	sst s4  }
0xd: {  	[smem:$0x3FAF] =	sst s5  }
0xe: {  	[smem:$0x3FB0] =	sst s6  }
0xf: {  	[smem:$0x3FB1] =	sst s7  }
0x10: {  	[smem:$0x3FB2] =	sst s8  }
0x11: {  	[smem:$0x3FB3] =	sst s9;
	s0 =	simm.s32 @!p0 $0x0  }
0x12: {  	s1 =	sld [smem:$0x3F99];
	s0 =	simm.s32 @p0 $0x1  }
0x13: {  	[smem:$0x3FB4] =	sst s0;
	s0 =	simm.s32 @!p1 $0x0  }
0x14: {  	s2 =	sld [smem:$0x3F98];
	s0 =	simm.s32 @p1 $0x1  }
0x15: {  	[smem:$0x3FB5] =	sst s0;
	s0 =	simm.s32 @!p2 $0x0  }
0x16: {  	s3 =	sld [smem:$0x3FDB];
	s0 =	simm.s32 @p2 $0x1  }
0x17: {  	s4 =	simm.s32 $0x1BF5;
	[smem:$0x3FB7] =	sst s0  }
0x18: {  	s0 =	sld [smem:$0x3F9A];
	_ =	swait.ge [sflag:s4], $0x0  }
0x19: {  	s7 =	sld [smem:$0x3F9B]  }
0x1a: {  	s8 =	sadd.s32 $0xFFFFE003, lr  }
0x1b: {  	s9 =	sadd.s32 $0xFFFFFEF7, lr;
	s5 =	simm.s32 $0xFFFFFFFF;
	p2 =	slt.u32 s8, $0xFFFFF086  }
0x1c: {  	p1 =	slt.u32 s9, $0xF7A;
	s5 =	simm.s32 @!p2 $0x0  }
0x1d: {  	s5 =	simm.s32 @p1 $0x1;
	p0 =	seq.s32 s7, s2  }
0x1e: {  	s7 =	smul.u32 @!p0 $0xF7A, s2;
	p2 =	seq.s32 @!p0 s5, $0x0  }
0x1f: {  	s9 =	smul.u32 $0xF7A, s1;
	s8 =	simm.s32 @!p0 $0x1BF5;
	p2 =	por !p2, p0  }
0x20: {  	[sflag:s8] =	ssyncset.s32 @!p0 $0xFFFFF086;
	s6 =	sadd.s32 @!p0 s3, s7;
	s7 =	simm.s32 @!p0 $0x108  }
0x21: {  	s3 =	sadd.s32 s3, s9;
	s6 =	sadd.s32 @!p0 $0x88, s6;
	s7 =	simm.s32 @p2 $0x1082  }
0x22: {  	[simem:s7], [sflag:s8] =	dma.local @!p0 [hbm:s6], $0xF7A  }
0x23: {  	s9 =	sor.u32 $0xD0000000, s2;
	s6 =	simm.s32 $0x108;
	_ =	swait.ge @!p0 [sflag:s8], $0x0  }
0x24: {  	s3 =	sadd.s32 $0x88, s3;
	s6 =	simm.s32 @!p1 $0x1082;
	[sflag:s4] =	ssyncset.s32 $0xFFFFF086  }
0x25: {  	[simem:s6], [sflag:s4] =	dma.local [hbm:s3], $0xF7A  }
0x26: {  	[smem:$0x3F9B] =	sst s1;
	(tag) =	ssettag s2;
	_ =	strace s9  }
0x27: {  	s1 =	sld [smem:$0x3FAB]  }
0x28: {  	s2 =	sld [smem:$0x3FAC]  }
0x29: {  	s4 =	sld [smem:$0x3FAE]  }
0x2a: {  	p0 =	seq.s32 s5, $0x0;
	s5 =	sld [smem:$0x3FAF]  }
0x2b: {  	s6 =	sld [smem:$0x3FB0]  }
0x2c: {  	s7 =	sld [smem:$0x3FB1]  }
0x2d: {  	s3 =	simm.s32 $0x108;
	s8 =	sld [smem:$0x3FB2]  }
0x2e: {  	s3 =	simm.s32 @!p0 $0x1082;
	s9 =	sld [smem:$0x3FB3]  }
0x2f: {  	lr =	sadd.s32 s0, s3;
	s0 =	sld [smem:$0x3FAA]  }
0x30: {  	s3 =	sld [smem:$0x3FAD]  }
0x31: {  	[smem:$0x3FB6] =	sst s10  }
0x32: {  	s10 =	sld [smem:$0x3FB4];
	_ =	sdelay $0x3  }
0x33: {  	p0 =	seq.s32 s10, $0x1;
	s10 =	sld [smem:$0x3FB6];
	_ =	sdelay $0x3  }
0x34: {  	[smem:$0x3FB6] =	sst s10  }
0x35: {  	s10 =	sld [smem:$0x3FB5];
	_ =	sdelay $0x3  }
0x36: {  	p1 =	seq.s32 s10, $0x1;
	s10 =	sld [smem:$0x3FB6];
	_ =	sdelay $0x3  }
0x37: {  	[smem:$0x3FB6] =	sst s10  }
0x38: {  	s10 =	sld [smem:$0x3FB7]  }
0x39: {  	_ = 	snop;
	(pc) =	sbr.ind lr, $3  }
0x3a: {  	_ = 	snop  }
0x3b: {  	_ = 	snop  }
0x3c: {  	p2 =	seq.s32 s10, $0x1;
	s10 =	sld [smem:$0x3FB6]  }
0x3d: {  	_ =	shalt  }
0x3e: {  	_ =	shalt  }
0x3f: {  	_ =	shalt  }
0x40: {  	_ =	shalt  }
0x41: {  	_ =	shalt  }
0x42: {  	_ =	shalt  }
0x43: {  	_ =	shalt  }
0x44: {  	_ =	shalt  }
0x45: {  	_ =	shalt  }
0x46: {  	_ =	shalt  }
0x47: {  	_ =	shalt  }
0x48: {  	_ =	shalt  }
0x49: {  	_ =	shalt  }
0x4a: {  	_ =	shalt  }
0x4b: {  	_ =	shalt  }
0x4c: {  	_ =	shalt  }
0x4d: {  	_ =	shalt  }
0x4e: {  	_ =	shalt  }
0x4f: {  	_ =	shalt  }
0x50: {  	_ =	shalt  }
0x51: {  	_ =	shalt  }
0x52: {  	_ =	shalt  }
0x53: {  	_ =	shalt  }
0x54: {  	_ =	shalt  }
0x55: {  	_ =	shalt  }
0x56: {  	_ =	shalt  }
0x57: {  	_ =	shalt  }
0x58: {  	_ =	shalt  }
0x59: {  	_ =	shalt  }
0x5a: {  	_ =	shalt  }
0x5b: {  	_ =	shalt  }
0x5c: {  	_ =	shalt  }
0x5d: {  	_ =	shalt  }
0x5e: {  	_ =	shalt  }
0x5f: {  	_ =	shalt  }
0x60: {  	_ =	shalt  }
0x61: {  	_ =	shalt  }
0x62: {  	_ =	shalt  }
0x63: {  	_ =	shalt  }
0x64: {  	_ =	shalt  }
0x65: {  	_ =	shalt  }
0x66: {  	_ =	shalt  }
0x67: {  	_ =	shalt  }
0x68: {  	_ =	shalt  }
0x69: {  	_ =	shalt  }
0x6a: {  	_ =	shalt  }
0x6b: {  	_ =	shalt  }
0x6c: {  	_ =	shalt  }
0x6d: {  	_ =	shalt  }
0x6e: {  	_ =	shalt  }
0x6f: {  	_ =	shalt  }
0x70: {  	_ =	shalt  }
0x71: {  	_ =	shalt  }
0x72: {  	_ =	shalt  }
0x73: {  	_ =	shalt  }
0x74: {  	_ =	shalt  }
0x75: {  	_ =	shalt  }
0x76: {  	_ =	shalt  }
0x77: {  	_ =	shalt  }
0x78: {  	_ =	shalt  }
0x79: {  	_ =	shalt  }
0x7a: {  	_ =	shalt  }
0x7b: {  	_ =	shalt  }
0x7c: {  	_ =	shalt  }
0x7d: {  	_ =	shalt  }
0x7e: {  	_ =	shalt  }
0x7f: {  	_ =	shalt  }
0x80: {  	_ =	shalt  }
0x81: {  	_ =	shalt  }
0x82: {  	_ =	shalt  }
0x83: {  	_ =	shalt  }
0x84: {  	_ =	shalt  }
0x85: {  	_ =	shalt  }
0x86: {  	_ =	shalt  }
0x87: {  	_ =	shalt  }
.Lfunc_end0:
.L_simem_size_0:
called_computation.1_lowered:
.L_overlay_start_0:
0x88: {  	s2 =	sld [smem:$0x3FD9]  }
0x89: {  	s3 =	sld [smem:$0x3FFE];
	_ =	sdelay $0x1  }
0x8a: {  	s1 =	srdreg.scid  }
0x8b: {  	s0 =	sand.u32 $0x1, s1  }
0x8c: {  	s17 =	sshll.u32 s0, $0xA;
	s2 =	sadd.s32 s3, s2  }
0x8d: {  	s2 =	sadd.s32 s2, s17  }
0x8e: {  	[smem:$0x3FC2] =	sst s2  }
0x8f: {  	_ = 	snop  }
0x90: {  	s2 =	sld [smem:$0x3FD0];
	(tm) =	ssettm $0x1  }
0x91: {  	s18 =	sld [smem:$0x3FFB];
	_ =	sdelay $0x3  }
0x92: {  	_ =	strace s18  }
0x93: {  	s3 =	sld [smem:$0x3FFC];
	_ =	sdelay $0x3  }
0x94: {  	_ =	strace s3  }
0x95: {  	s3 =	sld [smem:$0x3FFD];
	_ =	sdelay $0x3  }
0x96: {  	_ =	strace s3  }
0x97: {  	_ =	strace $0x8FFFFFFF  }
0x98: {  	s19 =	sld [smem:$0x3FDB];
	_ =	sdelay $0x1  }
0x99: {  	s4 =	simm.s32 $_scs_section_size  }
0x9a: {  	s5 =	simm.s32 $_size__tile_overlayer_lowered;
	s6 =	simm.s32 $_tile_overlayer_lowered  }
0x9b: {  	s22 =	simm.s32 $0x1BFF;
	s21 =	sshll.u32 s6, $0x1;
	s3 =	sadd.s32 s4, s19  }
0x9c: {  	s7 =	simm.s32 $0x0;
	s20 =	sshll.u32 s5, $0x1;
	s5 =	sadd.s32 s21, s3  }
0x9d: {  	[timem:s7], [sflag:s22] =	dma.local [hbm:s5], s20  }
0x9e: {  	_ =	swait.ge [sflag:s22], s20  }
0x9f: {  	s4 =	ssub.s32 $0x0, s20;
	[sflag:s22] =	ssyncset.done $0x0  }
0xa0: {  	[sflag:s22] =	ssyncadd.s32 s4;
	_ =	sdelay $0x1  }
0xa1: {  	s23 =	simm.s32 $0x1B8B  }
0xa2: {  	_ =	swait.ge [sflag:s23], $0x1  }
0xa3: {  	[sflag:s23] =	ssyncset.done $0x0  }
0xa4: {  	s25 =	simm.s32 $0x1B8E;
	s24 =	sld [smem:$0x3FFE];
	[sflag:s23] =	ssyncadd.s32 $0xFFFFFFFF  }
0xa5: {  	s26 =	simm.s32 $execute0_lowered;
	[smem:$0x3FD2] =	sst s25  }
0xa6: {  	s5 =	sshll.u32 s26, $0x1;
	_ =	strace $0x80000049;
	[dreg:$0x1] =	wrdreg $0xFFFFFFFF  }
0xa7: {  	s28 =	simm.s32 $_size_execute0_lowered;
	s3 =	sadd.s32 s3, s5;
	[dreg:$0x0] =	wrdreg $0x0  }
0xa8: {  	s5 =	sshll.u32 s28, $0x1;
	[dreg:$0x2] =	wrdreg s3  }
0xa9: {  	[dreg:$0x3] =	wrdreg s5  }
0xaa: {  	[dreg:$0x4] =	wrdreg $0xC0  }
0xab: {  	_ =	task [dreg:s7], $0x5FFFF  }
0xac: {  	[dreg:$0x1] =	wrdreg $0xFFFFFFFF  }
0xad: {  	[dreg:$0x0] =	wrdreg $0x60  }
0xae: {  	[dreg:$0x2] =	wrdreg s24  }
0xaf: {  	[dreg:$0x3] =	wrdreg s2  }
0xb0: {  	[dreg:$0x4] =	wrdreg $0x0  }
0xb1: {  	[dreg:$0x5] =	wrdreg $0x9  }
0xb2: {  	_ =	task.clear_ibuf [dreg:s7], $0x6FFFF;
	_ =	strace $0x90000049  }
0xb3: {  	s29 =	simm.s32 $0x9;
	_ =	strace $0x8000004B  }
0xb4: {  	_ =	swait.ge [sflag:s29], $0x1  }
0xb5: {  	[sflag:s29] =	ssyncadd.s32 $0xFFFFFFFF  }
0xb6: {  	_ =	strace $0x9000004B  }
0xb7: {  	_ =	sfence  }
0xb8: {  	s30 =	sld [smem:$0x0];
	_ =	sdelay $0x2  }
0xb9: {  	s31 =	sshll.u32 s1, $0xD;
	s1 =	sshrl.u32 s1, $0x2  }
0xba: {  	s3 =	sand.u32 $0x4000, s31;
	s1 =	sadd.s32 s1, s30  }
0xbb: {  	s0 =	sor.u32 s3, s0;
	s1 =	sshll.u32 s1, $0x11  }
0xbc: {  	s0 =	sor.u32 s1, s0  }
0xbd: {  	s0 =	sadd.s32 $0x8F2B, s0  }
0xbe: {  	[sflag:s0] =	ssyncadd.remote.s32 $0x1  }
0xbf: {  	_ =	sfence.sel $0xFFFF  }
0xc0: {  	[dreg:$0x0] =	wrdreg $0xFFFFFFFF;
	(pc) =	sbr.abs _section_cstart, $3  }
0xc1: {  	[dreg:$0x1] =	wrdreg $0xFFFFFFFF  }
0xc2: {  	_ =	task.clear_ibuf [dreg:s7], $0x2FFFF;
	_ =	strace $0x9FFFFFFF  }
0xc3: {  	(tm) =	ssettm $0x7FFFFFFF  }
tec
execute0_lowered:
.L_overlay_start_1:
0x0: {  	(tag) =	ssettag $0x1  }
0x1: {  	s0 =	rddreg [dreg:$0x0]  }
0x2: {  	s1 =	rddreg [dreg:$0x1]  }
0x3: {  	s2 =	rddreg [dreg:$0x2];
	s3 =	simm.s32 $0x0  }
0x4: {  	s4 =	srdreg.scid;
	s21 =	stileid.u32;
	s28 =	simm.s32 $0x13900  }
0x5: {  	s29 =	simm.s32 $0xD;
	s30 =	simm.s32 $0xE;
	s31 =	simm.s32 $0x1F900  }
0x6: {  	[smem:$0x7FF] =	sst s3;
	s6 =	sand.u32 $0x1, s4;
	s5 =	sshll.u32 s21, $0x1  }
0x7: {  	s4 =	sadd.s32 $0x16A00, s0;
	s9 =	sadd.s32 $0x2A00, s0;
	s22 =	sadd.s32 $0x138000, s2  }
0x8: {  	s14 =	sor.u32 $0x40, s21;
	_ =	strace $0x8000004A;
	s7 =	sor.u32 s6, s5  }
0x9: {  	s5 =	sadd.s32 $0xCC00, s0;
	s8 =	ssub.s32 $0x2, s6;
	s10 =	smul.u32 $0x138800, s6  }
0xa: {  	s0 =	sadd.s32 $0x3DC00, s0;
	s16 =	sshll.u32 s14, $0xE;
	s6 =	smul.u32 $0x2780, s6  }
0xb: {  	p0 =	slt.u32 s14, $0x4E;
	s14 =	simm.s32 $0x17900;
	[dreg:$0x19] =	wrdreg s22  }
0xc: {  	s7 =	smul.u32 $0x2780, s7;
	[dreg:$0xb] =	wrdreg s0;
	s17 =	sshrl.u32 s8, $0x1  }
0xd: {  	[dreg:$0xa] =	wrdreg s14;
	s14 =	sadd.s32 s16, s2;
	p1 =	sne.s32 @!p0 s21, $0xE  }
0xe: {  	s0 =	ssub.s32 s8, s17;
	s11 =	sshrl.u32 s10, $0x3;
	p1 =	por p1, p0  }
0xf: {  	[dreg:$0x1d] =	wrdreg s14;
	s18 =	sadd.s32 $0x180, s7;
	s19 =	sadd.s32 $0x200, s7  }
0x10: {  	s20 =	sadd.s32 $0x280, s7;
	s8 =	sadd.s32 s1, s11;
	[dreg:$0x4] =	wrdreg s18  }
0x11: {  	s11 =	sshll.u32 s21, $0xE;
	s7 =	sshrl.u32 s7, $0x3;
	[dreg:$0x5] =	wrdreg s19  }
0x12: {  	s0 =	smax.u32 s0, $0x1;
	[dreg:$0x6] =	wrdreg s20;
	s12 =	sor.u32 $0x40000, s11  }
0x13: {  	s13 =	sor.u32 $0x80000, s11;
	s15 =	sor.u32 $0xC0000, s11;
	s17 =	sadd.s32 s10, s11  }
0x14: {  	s19 =	smul.u32 $0x4F00, s21;
	[dreg:$0x18] =	wrdreg s0;
	s0 =	simm.s32 $0x1FA80  }
0x15: {  	s17 =	sshrl.u32 s17, $0x3;
	s18 =	sadd.s32 s10, s12;
	s20 =	sadd.s32 s10, s13  }
0x16: {  	s25 =	sadd.s32 s10, s15;
	s10 =	sadd.s32 s10, s16;
	s16 =	simm.s32 $0x2  }
0x17: {  	s18 =	sshrl.u32 s18, $0x3;
	s17 =	sadd.s32 s1, s17;
	s24 =	sshrl.u32 s20, $0x3  }
0x18: {  	s6 =	sadd.s32 s6, s19;
	[dreg:$0xc] =	wrdreg s17;
	s23 =	sadd.s32 s1, s18  }
0x19: {  	s10 =	sshrl.u32 s10, $0x3;
	s17 =	sadd.s32 s1, s24;
	[dreg:$0xd] =	wrdreg s23  }
0x1a: {  	s26 =	sadd.s32 $0x100, s6;
	[dreg:$0xe] =	wrdreg s17;
	s17 =	sshrl.u32 s25, $0x3  }
0x1b: {  	s19 =	sshrl.u32 s26, $0x3;
	s23 =	sadd.s32 $0x80, s6;
	s25 =	sadd.s32 s5, s7  }
0x1c: {  	s6 =	sshrl.u32 s6, $0x3;
	s26 =	sadd.s32 s9, s7;
	[dreg:$0x11] =	wrdreg s25  }
0x1d: {  	s17 =	sadd.s32 s1, s17;
	s1 =	sadd.s32 s1, s10;
	[dreg:$0x12] =	wrdreg s26  }
0x1e: {  	s20 =	sadd.s32 s19, s9;
	s24 =	sshrl.u32 s23, $0x3;
	[dreg:$0xf] =	wrdreg s17  }
0x1f: {  	s6 =	sadd.s32 s6, s9;
	s25 =	sadd.s32 s15, s2;
	[dreg:$0x10] =	wrdreg s1  }
0x20: {  	s26 =	sadd.s32 $0x4E0, s26;
	s10 =	simm.s32 $0x80;
	[dreg:$0x7] =	wrdreg s20  }
0x21: {  	s15 =	simm.s32 $0xA;
	s1 =	sadd.s32 s24, s9;
	[dreg:$0x9] =	wrdreg s6  }
0x22: {  	s17 =	sadd.s32 $0x10, s7;
	s7 =	sadd.s32 $0x20, s7;
	[dreg:$0x1e] =	wrdreg s26  }
0x23: {  	s24 =	sadd.s32 $0x27000, s8;
	s21 =	smov.u32 s25;
	[dreg:$0x8] =	wrdreg s1  }
0x24: {  	s6 =	simm.s32 $0x1FA00;
	s8 =	simm.s32 $0x1FB80;
	[dreg:$0x17] =	wrdreg s24  }
0x25: {  	s26 =	simm.s32 $0x0;
	s18 =	sadd.s32 s5, s17;
	[dreg:$0x1c] =	wrdreg s21  }
0x26: {  	s19 =	sadd.s32 s9, s17;
	s20 =	sadd.s32 s9, s7;
	[dreg:$0x13] =	wrdreg s18  }
0x27: {  	s23 =	sadd.s32 s5, s7;
	s24 =	sadd.s32 s13, s2;
	[dreg:$0x14] =	wrdreg s19  }
0x28: {  	s1 =	simm.s32 $0x1F980;
	s9 =	simm.s32 $0x8;
	[dreg:$0x15] =	wrdreg s20  }
0x29: {  	s13 =	simm.s32 $0x1;
	s17 =	simm.s32 $0xC;
	[dreg:$0x16] =	wrdreg s23  }
0x2a: {  	s20 =	sadd.s32 s11, s2;
	s23 =	sadd.s32 s12, s2;
	[dreg:$0x1b] =	wrdreg s24  }
0x2b: {  	s11 =	simm.s32 $0x9;
	s12 =	simm.s32 $0x1B900;
	[dreg:$0x1a] =	wrdreg s23  }
.LBB2_1:
0x2c: {  	s7 =	rddreg [dreg:$0xb]  }
0x2d: {  	[tilespmem:s28], [sflag:$0xD] =	stream.linear.gather [hbm4b:s7+s3], $0x4000, $0x38;
	[tilespmem:$0x1FC00] =	vst v63  }
0x2e: {  	_ =	swait.ge [sflag:s29], $0x4000  }
0x2f: {  	[sflag:s29] =	ssyncset.done $0x0  }
0x30: {  	[sflag:s29] =	ssyncadd.s32 $0xFFFFC000  }
0x31: {  	[spmem:s20] =	stream.linear.scatter [tilespmem:s28], [sflag:$0xE], $0x4000, $0x38;
	[tilespmem:$0x1FC00] =	vst v63  }
0x32: {  	_ =	swait.ge [sflag:s30], $0x4000  }
0x33: {  	[sflag:s30] =	ssyncset.done $0x0  }
0x34: {  	[sflag:s30] =	ssyncadd.s32 $0xFFFFC000  }
0x35: {  	[spmem:s23] =	stream.linear.scatter [tilespmem:s28], [sflag:$0xE], $0x4000, $0x38;
	[tilespmem:$0x1FC00] =	vst v63  }
0x36: {  	_ =	swait.ge [sflag:s30], $0x4000  }
0x37: {  	[sflag:s30] =	ssyncset.done $0x0  }
0x38: {  	[sflag:s30] =	ssyncadd.s32 $0xFFFFC000  }
0x39: {  	[spmem:s24] =	stream.linear.scatter [tilespmem:s28], [sflag:$0xE], $0x4000, $0x38;
	[tilespmem:$0x1FC00] =	vst v63  }
0x3a: {  	_ =	swait.ge [sflag:s30], $0x4000  }
0x3b: {  	[sflag:s30] =	ssyncset.done $0x0  }
0x3c: {  	[sflag:s30] =	ssyncadd.s32 $0xFFFFC000  }
0x3d: {  	[spmem:s21] =	stream.linear.scatter [tilespmem:s28], [sflag:$0xE], $0x4000, $0x38;
	[tilespmem:$0x1FC00] =	vst v63  }
0x3e: {  	_ =	swait.ge [sflag:s30], $0x4000  }
0x3f: {  	[sflag:s30] =	ssyncset.done $0x0  }
0x40: {  	s7 =	simm.s32 @p0 $0x13900;
	[sflag:s30] =	ssyncadd.s32 $0xFFFFC000  }
0x41: {  	[spmem:s14] =	stream.linear.scatter @p0 [tilespmem:s7], [sflag:$0xE], $0x4000, $0x38;
	[tilespmem:$0x1FC00] =	vst v63  }
0x42: {  	s7 =	simm.s32 @p0 $0xE  }
0x43: {  	_ =	swait.ge @p0 [sflag:s7], $0x4000  }
0x44: {  	[sflag:s7] =	ssyncset.done @p0 $0x0  }
0x45: {  	[sflag:s7] =	ssyncadd.s32 @p0 $0xFFFFC000;
	s7 =	simm.s32 @!p1 $0x13900  }
0x46: {  	[spmem:s22] =	stream.linear.scatter @!p1 [tilespmem:s7], [sflag:$0xD], $0x800, $0x38;
	[tilespmem:$0x1FC00] =	vst v63  }
0x47: {  	s7 =	simm.s32 @!p1 $0xD  }
0x48: {  	_ =	swait.ge @!p1 [sflag:s7], $0x800  }
0x49: {  	[sflag:s7] =	ssyncset.done @!p1 $0x0  }
0x4a: {  	s24 =	rddreg [dreg:$0x11];
	[sflag:s7] =	ssyncadd.s32 @!p1 $0xFFFFF800  }
0x4b: {  	[tilespmem:s31], [sflag:$0x7] =	stream.linear.gather [hbm4b:s24+s3], $0x80, $0x38;
	[tilespmem:$0x1FC00] =	vst v63  }
0x4c: {  	s14 =	rddreg [dreg:$0x12]  }
0x4d: {  	[tilespmem:s0], [sflag:$0xA] =	stream.linear.gather [hbm4b:s14+s3], $0x80, $0x38;
	[tilespmem:$0x1FC00] =	vst v63  }
0x4e: {  	s18 =	rddreg [dreg:$0x13]  }
0x4f: {  	[tilespmem:s1], [sflag:$0x8] =	stream.linear.gather [hbm4b:s18+s3], $0x80, $0x38;
	[tilespmem:$0x1FC00] =	vst v63  }
0x50: {  	s25 =	smov.u32 s20;
	s20 =	simm.s32 $0x1FB00;
	s19 =	rddreg [dreg:$0x14]  }
0x51: {  	[tilespmem:s20], [sflag:$0xB] =	stream.linear.gather [hbm4b:s19+s3], $0x80, $0x38;
	[tilespmem:$0x1FC00] =	vst v63  }
0x52: {  	s21 =	rddreg [dreg:$0x16]  }
0x53: {  	[tilespmem:s6], [sflag:$0x9] =	stream.linear.gather [hbm4b:s21+s3], $0x80, $0x38;
	[tilespmem:$0x1FC00] =	vst v63  }
0x54: {  	p2 =	por $0x1, $0x1;
	s22 =	rddreg [dreg:$0x15]  }
0x55: {  	[tilespmem:s8], [sflag:$0xC] =	stream.linear.gather [hbm4b:s22+s3], $0x80, $0x38;
	[tilespmem:$0x1FC00] =	vst v63  }
0x56: {  	s7 =	simm.s32 @p2 $0x7;
	[bflag:$0x0] =	sbarrier.arrive $0xFFFF  }
0x57: {  	_ =	swait.ge @p2 [sflag:s7], $0x80  }
0x58: {  	s14 =	simm.s32 @p2 $0x13900;
	s18 =	simm.s32 @!p2 $0x4;
	[sflag:s7] =	ssyncset.done @p2 $0x0  }
0x59: {  	s19 =	simm.s32 @p2 $0x1F900;
	[sflag:s7] =	ssyncadd.s32 @p2 $0xFFFFFF80;
	s7 =	simm.s32 @p2 $0x80  }
0x5a: {  	[tilespmem:s14], [sflag:$0x1] =	stream.indirect.gather @p2 [hbm4b:s4+s7], $0x80, s19, s7, $0xb8;
	[tilespmem:$0x1FC00] =	vst v63  }
0x5b: {  	s14 =	simm.s32 @!p2 $0x7;
	_ =	swait.ge @!p2 [sflag:s18], $0x4000  }
0x5c: {  	s19 =	simm.s32 @!p2 $0x1FA80;
	s7 =	rddreg [dreg:$0x9];
	[sflag:s18] =	ssyncset.done @!p2 $0x0  }
0x5d: {  	[sflag:s18] =	ssyncadd.s32 @!p2 $0xFFFFC000;
	s7 =	sadd.s32 @!p2 $0x0, s7;
	s18 =	simm.s32 @!p2 $0x0  }
0x5e: {  	[tilespmem:s19], [sflag:$0xA] =	stream.linear.gather @!p2 [hbm4b:s7+s18], $0x80, $0x38;
	[tilespmem:$0x1FC00] =	vst v63  }
0x5f: {  	_ =	swait.ge @!p2 [sflag:s14], $0x80  }
0x60: {  	s20 =	simm.s32 @!p2 $0x1F900;
	s7 =	simm.s32 @!p2 $0x13900;
	[sflag:s14] =	ssyncset.done @!p2 $0x0  }
0x61: {  	s19 =	simm.s32 @!p2 $0x5;
	[sflag:s14] =	ssyncadd.s32 @!p2 $0xFFFFFF80;
	s14 =	simm.s32 @!p2 $0x80  }
0x62: {  	[tilespmem:s7], [sflag:$0x1] =	stream.indirect.gather @!p2 [hbm4b:s4+s14], $0x80, s20, s14, $0xb8;
	[tilespmem:$0x1FC00] =	vst v63  }
0x63: {  	_ =	swait.ge @!p2 [sflag:s19], $0x4000  }
0x64: {  	s7 =	rddreg [dreg:$0x8];
	[sflag:s19] =	ssyncset.done @!p2 $0x0  }
0x65: {  	s14 =	simm.s32 @!p2 $0x1FB00;
	[sflag:s19] =	ssyncadd.s32 @!p2 $0xFFFFC000;
	s7 =	sadd.s32 @!p2 $0x0, s7  }
0x66: {  	[tilespmem:s14], [sflag:$0xB] =	stream.linear.gather @!p2 [hbm4b:s7+s18], $0x80, $0x38;
	[tilespmem:$0x1FC00] =	vst v63  }
0x67: {  	_ =	swait.ge [sflag:s9], $0x80  }
0x68: {  	[sflag:s9] =	ssyncset.done $0x0  }
0x69: {  	s14 =	simm.s32 @!p2 $0x6;
	s23 =	rddreg [dreg:$0xa];
	[sflag:s9] =	ssyncadd.s32 $0xFFFFFF80  }
0x6a: {  	[tilespmem:s23], [sflag:$0x2] =	stream.indirect.gather [hbm4b:s4+s10], $0x80, s1, s10, $0xb8;
	[tilespmem:$0x1FC00] =	vst v63  }
0x6b: {  	_ =	swait.ge @!p2 [sflag:s14], $0x4000  }
0x6c: {  	s7 =	rddreg [dreg:$0x7];
	[sflag:s14] =	ssyncset.done @!p2 $0x0  }
0x6d: {  	[sflag:s14] =	ssyncadd.s32 @!p2 $0xFFFFC000;
	s7 =	sadd.s32 @!p2 $0x0, s7;
	s14 =	simm.s32 @!p2 $0x1FB80  }
0x6e: {  	[tilespmem:s14], [sflag:$0xC] =	stream.linear.gather @!p2 [hbm4b:s7+s18], $0x80, $0x38;
	[tilespmem:$0x1FC00] =	vst v63  }
0x6f: {  	_ =	swait.ge [sflag:s11], $0x80  }
0x70: {  	[sflag:s11] =	ssyncset.done $0x0  }
0x71: {  	[sflag:s11] =	ssyncadd.s32 $0xFFFFFF80  }
0x72: {  	[tilespmem:s12], [sflag:$0x3] =	stream.indirect.gather [hbm4b:s4+s10], $0x80, s6, s10, $0xb8;
	[tilespmem:$0x1FC00] =	vst v63  }
0x73: {  	s14 =	simm.s32 $0x0;
	_ =	swait.ge [sflag:s13], $0x4000  }
0x74: {  	s14 =	simm.s32 @p2 $0x0;
	s24 =	rddreg [dreg:$0x4]  }
0x75: {  	s7 =	sadd.s32 s14, s24  }
0x76: {  	[sflag:s13] =	ssyncset.done $0x0;
	s7 =	sshrl.u32 s7, $0x3  }
0x77: {  	[sflag:s13] =	ssyncadd.s32 $0xFFFFC000;
	s7 =	sadd.s32 s5, s7  }
0x78: {  	[tilespmem:s31], [sflag:$0x7] =	stream.linear.gather [hbm4b:s7+s3], $0x80, $0x38;
	[tilespmem:$0x1FC00] =	vst v63  }
0x79: {  	_ =	swait.ge [sflag:s15], $0x80  }
0x7a: {  	[sflag:s15] =	ssyncset.done $0x0  }
0x7b: {  	[sflag:s15] =	ssyncadd.s32 $0xFFFFFF80  }
0x7c: {  	[spmem:s2] =	stream.indirect.scatter.add.f32 [tilespmem:s28], [sflag:$0x4], $0x80, s0, s10, $0xb8;
	[tilespmem:$0x1FC00] =	vst v63  }
0x7d: {  	_ =	swait.ge [sflag:s16], $0x4000  }
0x7e: {  	p2 =	por $0x0, $0x0;
	[sflag:s16] =	ssyncset.done $0x0  }
0x7f: {  	s7 =	simm.s32 @p2 $0xB;
	[sflag:s16] =	ssyncadd.s32 $0xFFFFC000  }
0x80: {  	_ =	swait.ge @p2 [sflag:s7], $0x80  }
0x81: {  	s18 =	simm.s32 @p2 $0x17900;
	s19 =	simm.s32 @p2 $0x3;
	[sflag:s7] =	ssyncset.done @p2 $0x0  }
0x82: {  	s20 =	simm.s32 @p2 $0x1FB00;
	[sflag:s7] =	ssyncadd.s32 @p2 $0xFFFFFF80;
	s7 =	simm.s32 @p2 $0x80  }
0x83: {  	[spmem:s2] =	stream.indirect.scatter.add.f32 @p2 [tilespmem:s18], [sflag:$0x5], $0x80, s20, s7, $0xb8;
	[tilespmem:$0x1FC00] =	vst v63  }
0x84: {  	_ =	swait.ge @p2 [sflag:s19], $0x4000  }
0x85: {  	s7 =	rddreg [dreg:$0x5]  }
0x86: {  	s18 =	simm.s32 @!p2 $0xB;
	s7 =	sadd.s32 @!p2 s14, s7  }
0x87: {  	s20 =	simm.s32 @!p2 $0x1F980;
	[sflag:s19] =	ssyncset.done @p2 $0x0;
	s7 =	sshrl.u32 @!p2 s7, $0x3  }
0x88: {  	[sflag:s19] =	ssyncadd.s32 @p2 $0xFFFFC000;
	s19 =	simm.s32 @!p2 $0x0;
	s7 =	sadd.s32 @!p2 s5, s7  }
0x89: {  	[tilespmem:s20], [sflag:$0x8] =	stream.linear.gather @!p2 [hbm4b:s7+s19], $0x80, $0x38;
	[tilespmem:$0x1FC00] =	vst v63  }
0x8a: {  	_ =	swait.ge @!p2 [sflag:s18], $0x80  }
0x8b: {  	s7 =	simm.s32 @!p2 $0x17900;
	[sflag:s18] =	ssyncset.done @!p2 $0x0  }
0x8c: {  	s20 =	simm.s32 @!p2 $0x1FB00;
	[sflag:s18] =	ssyncadd.s32 @!p2 $0xFFFFFF80;
	s18 =	simm.s32 @!p2 $0x80  }
0x8d: {  	[spmem:s2] =	stream.indirect.scatter.add.f32 @!p2 [tilespmem:s7], [sflag:$0x5], $0x80, s20, s18, $0xb8;
	[tilespmem:$0x1FC00] =	vst v63  }
0x8e: {  	s7 =	simm.s32 @!p2 $0x3  }
0x8f: {  	_ =	swait.ge @!p2 [sflag:s7], $0x4000  }
0x90: {  	s18 =	rddreg [dreg:$0x6]  }
0x91: {  	s14 =	sadd.s32 @!p2 s14, s18  }
0x92: {  	[sflag:s7] =	ssyncset.done @!p2 $0x0;
	s14 =	sshrl.u32 @!p2 s14, $0x3  }
0x93: {  	[sflag:s7] =	ssyncadd.s32 @!p2 $0xFFFFC000;
	s7 =	sadd.s32 @!p2 s5, s14;
	s14 =	simm.s32 @!p2 $0x1FA00  }
0x94: {  	[tilespmem:s14], [sflag:$0x9] =	stream.linear.gather @!p2 [hbm4b:s7+s19], $0x80, $0x38;
	[tilespmem:$0x1FC00] =	vst v63  }
0x95: {  	p3 =	por $0x0, $0x0;
	s20 =	simm.s32 $0x60;
	_ =	swait.ge [sflag:s17], $0x80  }
0x96: {  	s19 =	simm.s32 $0x30;
	s7 =	simm.s32 $0x180;
	[sflag:s17] =	ssyncset.done $0x0  }
.LBB2_2:
0x97: {  	s18 =	simm.s32 @p3 $0x7;
	[sflag:s17] =	ssyncadd.s32 $0xFFFFFF80  }
0x98: {  	[spmem:s2] =	stream.indirect.scatter.add.f32 [tilespmem:s12], [sflag:$0x6], $0x80, s8, s10, $0xb8;
	[tilespmem:$0x1FC00] =	vst v63  }
0x99: {  	_ =	swait.ge @p3 [sflag:s18], $0x80  }
0x9a: {  	s21 =	simm.s32 @p3 $0x13900;
	s22 =	simm.s32 @!p3 $0x4;
	[sflag:s18] =	ssyncset.done @p3 $0x0  }
0x9b: {  	s23 =	simm.s32 @p3 $0x1F900;
	[sflag:s18] =	ssyncadd.s32 @p3 $0xFFFFFF80;
	s18 =	simm.s32 @p3 $0x80  }
0x9c: {  	[tilespmem:s21], [sflag:$0x1] =	stream.indirect.gather @p3 [hbm4b:s4+s18], $0x80, s23, s18, $0xb8;
	[tilespmem:$0x1FC00] =	vst v63  }
0x9d: {  	s21 =	simm.s32 @!p3 $0x7;
	_ =	swait.ge @!p3 [sflag:s22], $0x4000  }
0x9e: {  	s23 =	simm.s32 @!p3 $0x1FA80;
	[sflag:s22] =	ssyncset.done @!p3 $0x0;
	s18 =	rddreg [dreg:$0x9]  }
0x9f: {  	[sflag:s22] =	ssyncadd.s32 @!p3 $0xFFFFC000;
	s18 =	sadd.s32 @!p3 s19, s18;
	s22 =	simm.s32 @!p3 $0x0  }
0xa0: {  	[tilespmem:s23], [sflag:$0xA] =	stream.linear.gather @!p3 [hbm4b:s18+s22], $0x80, $0x38;
	[tilespmem:$0x1FC00] =	vst v63  }
0xa1: {  	_ =	swait.ge @!p3 [sflag:s21], $0x80  }
0xa2: {  	s24 =	simm.s32 @!p3 $0x1F900;
	s18 =	simm.s32 @!p3 $0x13900;
	[sflag:s21] =	ssyncset.done @!p3 $0x0  }
0xa3: {  	s23 =	simm.s32 @!p3 $0x5;
	[sflag:s21] =	ssyncadd.s32 @!p3 $0xFFFFFF80;
	s21 =	simm.s32 @!p3 $0x80  }
0xa4: {  	[tilespmem:s18], [sflag:$0x1] =	stream.indirect.gather @!p3 [hbm4b:s4+s21], $0x80, s24, s21, $0xb8;
	[tilespmem:$0x1FC00] =	vst v63  }
0xa5: {  	_ =	swait.ge @!p3 [sflag:s23], $0x4000  }
0xa6: {  	[sflag:s23] =	ssyncset.done @!p3 $0x0;
	s18 =	rddreg [dreg:$0x8]  }
0xa7: {  	s21 =	simm.s32 @!p3 $0x1FB00;
	[sflag:s23] =	ssyncadd.s32 @!p3 $0xFFFFC000;
	s18 =	sadd.s32 @!p3 s19, s18  }
0xa8: {  	[tilespmem:s21], [sflag:$0xB] =	stream.linear.gather @!p3 [hbm4b:s18+s22], $0x80, $0x38;
	[tilespmem:$0x1FC00] =	vst v63  }
0xa9: {  	_ =	swait.ge [sflag:s9], $0x80  }
0xaa: {  	[sflag:s9] =	ssyncset.done $0x0  }
0xab: {  	s21 =	simm.s32 @!p3 $0x6;
	s23 =	rddreg [dreg:$0xa];
	[sflag:s9] =	ssyncadd.s32 $0xFFFFFF80  }
0xac: {  	[tilespmem:s23], [sflag:$0x2] =	stream.indirect.gather [hbm4b:s4+s10], $0x80, s1, s10, $0xb8;
	[tilespmem:$0x1FC00] =	vst v63  }
0xad: {  	_ =	swait.ge @!p3 [sflag:s21], $0x4000  }
0xae: {  	[sflag:s21] =	ssyncset.done @!p3 $0x0;
	s18 =	rddreg [dreg:$0x7]  }
0xaf: {  	[sflag:s21] =	ssyncadd.s32 @!p3 $0xFFFFC000;
	s18 =	sadd.s32 @!p3 s19, s18;
	s21 =	simm.s32 @!p3 $0x1FB80  }
0xb0: {  	[tilespmem:s21], [sflag:$0xC] =	stream.linear.gather @!p3 [hbm4b:s18+s22], $0x80, $0x38;
	[tilespmem:$0x1FC00] =	vst v63  }
0xb1: {  	_ =	swait.ge [sflag:s11], $0x80  }
0xb2: {  	[sflag:s11] =	ssyncset.done $0x0  }
0xb3: {  	[sflag:s11] =	ssyncadd.s32 $0xFFFFFF80  }
0xb4: {  	[tilespmem:s12], [sflag:$0x3] =	stream.indirect.gather [hbm4b:s4+s10], $0x80, s6, s10, $0xb8;
	[tilespmem:$0x1FC00] =	vst v63  }
0xb5: {  	s18 =	smov.u32 s7;
	_ =	swait.ge [sflag:s13], $0x4000  }
0xb6: {  	s18 =	simm.s32 @p3 $0x0;
	s24 =	rddreg [dreg:$0x4]  }
0xb7: {  	s21 =	sadd.s32 s18, s24  }
0xb8: {  	[sflag:s13] =	ssyncset.done $0x0;
	s21 =	sshrl.u32 s21, $0x3  }
0xb9: {  	[sflag:s13] =	ssyncadd.s32 $0xFFFFC000;
	s21 =	sadd.s32 s5, s21  }
0xba: {  	[tilespmem:s31], [sflag:$0x7] =	stream.linear.gather [hbm4b:s21+s3], $0x80, $0x38;
	[tilespmem:$0x1FC00] =	vst v63  }
0xbb: {  	_ =	swait.ge [sflag:s15], $0x80  }
0xbc: {  	[sflag:s15] =	ssyncset.done $0x0  }
0xbd: {  	[sflag:s15] =	ssyncadd.s32 $0xFFFFFF80  }
0xbe: {  	[spmem:s2] =	stream.indirect.scatter.add.f32 [tilespmem:s28], [sflag:$0x4], $0x80, s0, s10, $0xb8;
	[tilespmem:$0x1FC00] =	vst v63  }
0xbf: {  	_ =	swait.ge [sflag:s16], $0x4000  }
0xc0: {  	s14 =	smov.u32 s20;
	p3 =	seq.s32 s19, $0x4B0;
	[sflag:s16] =	ssyncset.done $0x0  }
0xc1: {  	s19 =	smov.u32 s14;
	s14 =	simm.s32 @p3 $0xB;
	[sflag:s16] =	ssyncadd.s32 $0xFFFFC000  }
0xc2: {  	_ =	swait.ge @p3 [sflag:s14], $0x80  }
0xc3: {  	s22 =	simm.s32 @p3 $0x3;
	s23 =	simm.s32 @p3 $0x1FB00;
	[sflag:s14] =	ssyncset.done @p3 $0x0  }
0xc4: {  	s21 =	simm.s32 @p3 $0x17900;
	[sflag:s14] =	ssyncadd.s32 @p3 $0xFFFFFF80;
	s14 =	simm.s32 @p3 $0x80  }
0xc5: {  	[spmem:s2] =	stream.indirect.scatter.add.f32 @p3 [tilespmem:s21], [sflag:$0x5], $0x80, s23, s14, $0xb8;
	[tilespmem:$0x1FC00] =	vst v63  }
0xc6: {  	_ =	swait.ge @p3 [sflag:s22], $0x4000  }
0xc7: {  	s14 =	rddreg [dreg:$0x5]  }
0xc8: {  	s21 =	simm.s32 @!p3 $0xB;
	s14 =	sadd.s32 @!p3 s18, s14  }
0xc9: {  	s23 =	simm.s32 @!p3 $0x1F980;
	[sflag:s22] =	ssyncset.done @p3 $0x0;
	s14 =	sshrl.u32 @!p3 s14, $0x3  }
0xca: {  	[sflag:s22] =	ssyncadd.s32 @p3 $0xFFFFC000;
	s22 =	simm.s32 @!p3 $0x0;
	s14 =	sadd.s32 @!p3 s5, s14  }
0xcb: {  	[tilespmem:s23], [sflag:$0x8] =	stream.linear.gather @!p3 [hbm4b:s14+s22], $0x80, $0x38;
	[tilespmem:$0x1FC00] =	vst v63  }
0xcc: {  	_ =	swait.ge @!p3 [sflag:s21], $0x80  }
0xcd: {  	s24 =	simm.s32 @!p3 $0x1FB00;
	s14 =	simm.s32 @!p3 $0x17900;
	[sflag:s21] =	ssyncset.done @!p3 $0x0  }
0xce: {  	s23 =	simm.s32 @!p3 $0x3;
	[sflag:s21] =	ssyncadd.s32 @!p3 $0xFFFFFF80;
	s21 =	simm.s32 @!p3 $0x80  }
0xcf: {  	[spmem:s2] =	stream.indirect.scatter.add.f32 @!p3 [tilespmem:s14], [sflag:$0x5], $0x80, s24, s21, $0xb8;
	[tilespmem:$0x1FC00] =	vst v63  }
0xd0: {  	_ =	swait.ge @!p3 [sflag:s23], $0x4000  }
0xd1: {  	s20 =	sadd.s32 $0x30, s20;
	s14 =	rddreg [dreg:$0x6]  }
0xd2: {  	p2 =	sne.s32 s20, $0x4E0;
	s14 =	sadd.s32 @!p3 s18, s14  }
.Ltmp0:
0xd3: {  	[sflag:s23] =	ssyncset.done @!p3 $0x0;
	s14 =	sshrl.u32 @!p3 s14, $0x3;
	(pc) =	sbr.rel @p2 .LBB2_2-.Ltmp0, $4  }
0xd4: {  	[sflag:s23] =	ssyncadd.s32 @!p3 $0xFFFFC000;
	s18 =	simm.s32 @!p3 $0x1FA00;
	s14 =	sadd.s32 @!p3 s5, s14  }
0xd5: {  	[tilespmem:s18], [sflag:$0x9] =	stream.linear.gather @!p3 [hbm4b:s14+s22], $0x80, $0x38;
	[tilespmem:$0x1FC00] =	vst v63  }
0xd6: {  	_ =	swait.ge [sflag:s17], $0x80  }
0xd7: {  	s7 =	sadd.s32 $0x180, s7;
	p3 =	seq.s32 s19, $0x0;
	[sflag:s17] =	ssyncset.done $0x0  }
0xd8: {  	s14 =	simm.s32 @p3 $0x7;
	[sflag:s17] =	ssyncadd.s32 $0xFFFFFF80  }
0xd9: {  	[spmem:s2] =	stream.indirect.scatter.add.f32 [tilespmem:s12], [sflag:$0x6], $0x80, s8, s10, $0xb8;
	[tilespmem:$0x1FC00] =	vst v63  }
0xda: {  	_ =	swait.ge @p3 [sflag:s14], $0x80  }
0xdb: {  	s18 =	simm.s32 @p3 $0x13900;
	s20 =	simm.s32 @!p3 $0x4;
	[sflag:s14] =	ssyncset.done @p3 $0x0  }
0xdc: {  	s21 =	simm.s32 @p3 $0x1F900;
	[sflag:s14] =	ssyncadd.s32 @p3 $0xFFFFFF80;
	s14 =	simm.s32 @p3 $0x80  }
0xdd: {  	[tilespmem:s18], [sflag:$0x1] =	stream.indirect.gather @p3 [hbm4b:s4+s14], $0x80, s21, s14, $0xb8;
	[tilespmem:$0x1FC00] =	vst v63  }
0xde: {  	s18 =	simm.s32 @!p3 $0x7;
	_ =	swait.ge @!p3 [sflag:s20], $0x4000  }
0xdf: {  	s21 =	simm.s32 @!p3 $0x1FA80;
	s14 =	rddreg [dreg:$0x9];
	[sflag:s20] =	ssyncset.done @!p3 $0x0  }
0xe0: {  	[sflag:s20] =	ssyncadd.s32 @!p3 $0xFFFFC000;
	s14 =	sadd.s32 @!p3 s19, s14;
	s20 =	simm.s32 @!p3 $0x0  }
0xe1: {  	[tilespmem:s21], [sflag:$0xA] =	stream.linear.gather @!p3 [hbm4b:s14+s20], $0x80, $0x38;
	[tilespmem:$0x1FC00] =	vst v63  }
0xe2: {  	_ =	swait.ge @!p3 [sflag:s18], $0x80  }
0xe3: {  	s14 =	simm.s32 @!p3 $0x13900;
	[sflag:s18] =	ssyncset.done @!p3 $0x0  }
0xe4: {  	s21 =	simm.s32 @!p3 $0x1F900;
	[sflag:s18] =	ssyncadd.s32 @!p3 $0xFFFFFF80;
	s18 =	simm.s32 @!p3 $0x80  }
0xe5: {  	[tilespmem:s14], [sflag:$0x1] =	stream.indirect.gather @!p3 [hbm4b:s4+s18], $0x80, s21, s18, $0xb8;
	[tilespmem:$0x1FC00] =	vst v63  }
0xe6: {  	s14 =	simm.s32 @!p3 $0x5  }
0xe7: {  	_ =	swait.ge @!p3 [sflag:s14], $0x4000  }
0xe8: {  	s18 =	rddreg [dreg:$0x8];
	[sflag:s14] =	ssyncset.done @!p3 $0x0  }
0xe9: {  	[sflag:s14] =	ssyncadd.s32 @!p3 $0xFFFFC000;
	s14 =	sadd.s32 @!p3 s19, s18;
	s18 =	simm.s32 @!p3 $0x1FB00  }
0xea: {  	[tilespmem:s18], [sflag:$0xB] =	stream.linear.gather @!p3 [hbm4b:s14+s20], $0x80, $0x38;
	[tilespmem:$0x1FC00] =	vst v63  }
0xeb: {  	_ =	swait.ge [sflag:s9], $0x80  }
0xec: {  	[sflag:s9] =	ssyncset.done $0x0  }
0xed: {  	s18 =	simm.s32 @!p3 $0x6;
	s24 =	rddreg [dreg:$0xa];
	[sflag:s9] =	ssyncadd.s32 $0xFFFFFF80  }
0xee: {  	[tilespmem:s24], [sflag:$0x2] =	stream.indirect.gather [hbm4b:s4+s10], $0x80, s1, s10, $0xb8;
	[tilespmem:$0x1FC00] =	vst v63  }
0xef: {  	_ =	swait.ge @!p3 [sflag:s18], $0x4000  }
0xf0: {  	s14 =	rddreg [dreg:$0x7];
	[sflag:s18] =	ssyncset.done @!p3 $0x0  }
0xf1: {  	[sflag:s18] =	ssyncadd.s32 @!p3 $0xFFFFC000;
	s14 =	sadd.s32 @!p3 s19, s14;
	s18 =	simm.s32 @!p3 $0x1FB80  }
0xf2: {  	[tilespmem:s18], [sflag:$0xC] =	stream.linear.gather @!p3 [hbm4b:s14+s20], $0x80, $0x38;
	[tilespmem:$0x1FC00] =	vst v63  }
0xf3: {  	_ =	swait.ge [sflag:s11], $0x80  }
0xf4: {  	[sflag:s11] =	ssyncset.done $0x0  }
0xf5: {  	[sflag:s11] =	ssyncadd.s32 $0xFFFFFF80  }
0xf6: {  	[tilespmem:s12], [sflag:$0x3] =	stream.indirect.gather [hbm4b:s4+s10], $0x80, s6, s10, $0xb8;
	[tilespmem:$0x1FC00] =	vst v63  }
0xf7: {  	_ =	swait.ge [sflag:s13], $0x4000  }
0xf8: {  	s7 =	simm.s32 @p3 $0x0;
	s18 =	rddreg [dreg:$0x4]  }
0xf9: {  	s14 =	sadd.s32 s7, s18  }
0xfa: {  	[sflag:s13] =	ssyncset.done $0x0;
	s14 =	sshrl.u32 s14, $0x3  }
0xfb: {  	[sflag:s13] =	ssyncadd.s32 $0xFFFFC000;
	s14 =	sadd.s32 s5, s14  }
0xfc: {  	[tilespmem:s31], [sflag:$0x7] =	stream.linear.gather [hbm4b:s14+s3], $0x80, $0x38;
	[tilespmem:$0x1FC00] =	vst v63  }
0xfd: {  	_ =	swait.ge [sflag:s15], $0x80  }
0xfe: {  	[sflag:s15] =	ssyncset.done $0x0  }
0xff: {  	[sflag:s15] =	ssyncadd.s32 $0xFFFFFF80  }
0x100: {  	[spmem:s2] =	stream.indirect.scatter.add.f32 [tilespmem:s28], [sflag:$0x4], $0x80, s0, s10, $0xb8;
	[tilespmem:$0x1FC00] =	vst v63  }
0x101: {  	_ =	swait.ge [sflag:s16], $0x4000  }
0x102: {  	p2 =	seq.s32 s19, $0x4B0;
	[sflag:s16] =	ssyncset.done $0x0  }
0x103: {  	s14 =	simm.s32 @p2 $0xB;
	[sflag:s16] =	ssyncadd.s32 $0xFFFFC000  }
0x104: {  	_ =	swait.ge @p2 [sflag:s14], $0x80  }
0x105: {  	s19 =	simm.s32 @p2 $0x3;
	s20 =	simm.s32 @p2 $0x1FB00;
	[sflag:s14] =	ssyncset.done @p2 $0x0  }
0x106: {  	s18 =	simm.s32 @p2 $0x17900;
	[sflag:s14] =	ssyncadd.s32 @p2 $0xFFFFFF80;
	s14 =	simm.s32 @p2 $0x80  }
0x107: {  	[spmem:s2] =	stream.indirect.scatter.add.f32 @p2 [tilespmem:s18], [sflag:$0x5], $0x80, s20, s14, $0xb8;
	[tilespmem:$0x1FC00] =	vst v63  }
0x108: {  	_ =	swait.ge @p2 [sflag:s19], $0x4000  }
0x109: {  	s14 =	rddreg [dreg:$0x5]  }
0x10a: {  	s18 =	simm.s32 @!p2 $0xB;
	s14 =	sadd.s32 @!p2 s7, s14  }
0x10b: {  	s20 =	simm.s32 @!p2 $0x1F980;
	[sflag:s19] =	ssyncset.done @p2 $0x0;
	s14 =	sshrl.u32 @!p2 s14, $0x3  }
0x10c: {  	[sflag:s19] =	ssyncadd.s32 @p2 $0xFFFFC000;
	s19 =	simm.s32 @!p2 $0x0;
	s14 =	sadd.s32 @!p2 s5, s14  }
0x10d: {  	[tilespmem:s20], [sflag:$0x8] =	stream.linear.gather @!p2 [hbm4b:s14+s19], $0x80, $0x38;
	[tilespmem:$0x1FC00] =	vst v63  }
0x10e: {  	_ =	swait.ge @!p2 [sflag:s18], $0x80  }
0x10f: {  	s14 =	simm.s32 @!p2 $0x17900;
	[sflag:s18] =	ssyncset.done @!p2 $0x0  }
0x110: {  	s20 =	simm.s32 @!p2 $0x1FB00;
	[sflag:s18] =	ssyncadd.s32 @!p2 $0xFFFFFF80;
	s18 =	simm.s32 @!p2 $0x80  }
0x111: {  	[spmem:s2] =	stream.indirect.scatter.add.f32 @!p2 [tilespmem:s14], [sflag:$0x5], $0x80, s20, s18, $0xb8;
	[tilespmem:$0x1FC00] =	vst v63  }
0x112: {  	s14 =	simm.s32 @!p2 $0x3  }
0x113: {  	_ =	swait.ge @!p2 [sflag:s14], $0x4000  }
0x114: {  	s18 =	rddreg [dreg:$0x6]  }
0x115: {  	s7 =	sadd.s32 @!p2 s7, s18  }
0x116: {  	[sflag:s14] =	ssyncset.done @!p2 $0x0;
	s7 =	sshrl.u32 @!p2 s7, $0x3  }
0x117: {  	[sflag:s14] =	ssyncadd.s32 @!p2 $0xFFFFC000;
	s14 =	simm.s32 @!p2 $0x1FA00;
	s7 =	sadd.s32 @!p2 s5, s7  }
0x118: {  	[tilespmem:s14], [sflag:$0x9] =	stream.linear.gather @!p2 [hbm4b:s7+s19], $0x80, $0x38;
	[tilespmem:$0x1FC00] =	vst v63  }
0x119: {  	_ =	swait.ge [sflag:s17], $0x80  }
0x11a: {  	[sflag:s17] =	ssyncset.done $0x0  }
0x11b: {  	s19 =	simm.s32 $0x4;
	[sflag:s17] =	ssyncadd.s32 $0xFFFFFF80  }
0x11c: {  	[spmem:s2] =	stream.indirect.scatter.add.f32 [tilespmem:s12], [sflag:$0x6], $0x80, s8, s10, $0xb8;
	[tilespmem:$0x1FC00] =	vst v63  }
0x11d: {  	_ =	swait.ge [sflag:s19], $0x4000  }
0x11e: {  	[sflag:s19] =	ssyncset.done $0x0  }
0x11f: {  	s20 =	simm.s32 $0x5;
	[sflag:s19] =	ssyncadd.s32 $0xFFFFC000  }
0x120: {  	_ =	swait.ge [sflag:s20], $0x4000  }
0x121: {  	[sflag:s20] =	ssyncset.done $0x0  }
0x122: {  	s21 =	simm.s32 $0x6;
	[sflag:s20] =	ssyncadd.s32 $0xFFFFC000  }
0x123: {  	_ =	swait.ge [sflag:s21], $0x4000  }
0x124: {  	[sflag:s21] =	ssyncset.done $0x0  }
0x125: {  	s22 =	simm.s32 $0x7;
	[sflag:s21] =	ssyncadd.s32 $0xFFFFC000  }
0x126: {  	_ =	swait.ge [sflag:s22], $0x80  }
0x127: {  	[sflag:s22] =	ssyncset.done $0x0  }
0x128: {  	s23 =	rddreg [dreg:$0x1e];
	[sflag:s22] =	ssyncadd.s32 $0xFFFFFF80  }
0x129: {  	[tilespmem:s0], [sflag:$0xD] =	stream.linear.gather [hbm4b:s23+s3], $0x80, $0x38;
	[tilespmem:$0x1FC00] =	vst v63  }
0x12a: {  	_ =	swait.ge [sflag:s29], $0x80  }
0x12b: {  	[sflag:s29] =	ssyncset.done $0x0  }
0x12c: {  	[sflag:s29] =	ssyncadd.s32 $0xFFFFFF80  }
0x12d: {  	[tilespmem:s28], [sflag:$0x1] =	stream.indirect.gather [hbm4b:s4+s10], $0x80, s31, s10, $0xb8;
	[tilespmem:$0x1FC00] =	vst v63  }
0x12e: {  	_ =	swait.ge [sflag:s13], $0x4000  }
0x12f: {  	[sflag:s13] =	ssyncset.done $0x0  }
0x130: {  	[sflag:s13] =	ssyncadd.s32 $0xFFFFC000  }
0x131: {  	[spmem:s2] =	stream.indirect.scatter.add.f32 [tilespmem:s28], [sflag:$0xD], $0x80, s0, s10, $0xb8;
	[tilespmem:$0x1FC00] =	vst v63  }
0x132: {  	_ =	swait.ge [sflag:s29], $0x4000  }
0x133: {  	[sflag:s29] =	ssyncset.done $0x0  }
0x134: {  	[sflag:s29] =	ssyncadd.s32 $0xFFFFC000  }
0x135: {  	[bflag:$0x0] =	sbarrier.arrive $0xFFFF  }
0x136: {  	[tilespmem:s28], [sflag:$0xE] =	stream.linear.gather [spmem:s25], $0x4000, $0x38;
	[tilespmem:$0x1FC00] =	vst v63  }
0x137: {  	_ =	swait.ge [sflag:s30], $0x4000  }
0x138: {  	[sflag:s30] =	ssyncset.done $0x0  }
0x139: {  	s24 =	rddreg [dreg:$0xc];
	[sflag:s30] =	ssyncadd.s32 $0xFFFFC000  }
0x13a: {  	[hbm4b:s24+s3] =	stream.linear.scatter [tilespmem:s28], [sflag:$0xE], $0x4000, $0x38;
	[tilespmem:$0x1FC00] =	vst v63  }
0x13b: {  	_ =	swait.ge [sflag:s30], $0x4000  }
0x13c: {  	[sflag:s30] =	ssyncset.done $0x0  }
0x13d: {  	s23 =	rddreg [dreg:$0x1a];
	[sflag:s30] =	ssyncadd.s32 $0xFFFFC000  }
0x13e: {  	[tilespmem:s28], [sflag:$0xE] =	stream.linear.gather [spmem:s23], $0x4000, $0x38;
	[tilespmem:$0x1FC00] =	vst v63  }
0x13f: {  	_ =	swait.ge [sflag:s30], $0x4000  }
0x140: {  	[sflag:s30] =	ssyncset.done $0x0  }
0x141: {  	s20 =	smov.u32 s25;
	s25 =	rddreg [dreg:$0xd];
	[sflag:s30] =	ssyncadd.s32 $0xFFFFC000  }
0x142: {  	[hbm4b:s25+s3] =	stream.linear.scatter [tilespmem:s28], [sflag:$0xE], $0x4000, $0x38;
	[tilespmem:$0x1FC00] =	vst v63  }
0x143: {  	_ =	swait.ge [sflag:s30], $0x4000  }
0x144: {  	[sflag:s30] =	ssyncset.done $0x0  }
0x145: {  	s24 =	rddreg [dreg:$0x1b];
	[sflag:s30] =	ssyncadd.s32 $0xFFFFC000  }
0x146: {  	[tilespmem:s28], [sflag:$0xE] =	stream.linear.gather [spmem:s24], $0x4000, $0x38;
	[tilespmem:$0x1FC00] =	vst v63  }
0x147: {  	_ =	swait.ge [sflag:s30], $0x4000  }
0x148: {  	[sflag:s30] =	ssyncset.done $0x0  }
0x149: {  	s14 =	rddreg [dreg:$0xe];
	[sflag:s30] =	ssyncadd.s32 $0xFFFFC000  }
0x14a: {  	[hbm4b:s14+s3] =	stream.linear.scatter [tilespmem:s28], [sflag:$0xE], $0x4000, $0x38;
	[tilespmem:$0x1FC00] =	vst v63  }
0x14b: {  	_ =	swait.ge [sflag:s30], $0x4000  }
0x14c: {  	[sflag:s30] =	ssyncset.done $0x0  }
0x14d: {  	s21 =	rddreg [dreg:$0x1c];
	[sflag:s30] =	ssyncadd.s32 $0xFFFFC000  }
0x14e: {  	[tilespmem:s28], [sflag:$0xE] =	stream.linear.gather [spmem:s21], $0x4000, $0x38;
	[tilespmem:$0x1FC00] =	vst v63  }
0x14f: {  	_ =	swait.ge [sflag:s30], $0x4000  }
0x150: {  	[sflag:s30] =	ssyncset.done $0x0  }
0x151: {  	s18 =	rddreg [dreg:$0xf];
	[sflag:s30] =	ssyncadd.s32 $0xFFFFC000  }
0x152: {  	[hbm4b:s18+s3] =	stream.linear.scatter [tilespmem:s28], [sflag:$0xE], $0x4000, $0x38;
	[tilespmem:$0x1FC00] =	vst v63  }
0x153: {  	_ =	swait.ge [sflag:s30], $0x4000  }
0x154: {  	s7 =	simm.s32 @p0 $0x13900;
	[sflag:s30] =	ssyncset.done $0x0  }
0x155: {  	s14 =	simm.s32 @p0 $0xE;
	s25 =	rddreg [dreg:$0x1d];
	[sflag:s30] =	ssyncadd.s32 $0xFFFFC000  }
0x156: {  	[tilespmem:s7], [sflag:$0xE] =	stream.linear.gather @p0 [spmem:s25], $0x4000, $0x38;
	[tilespmem:$0x1FC00] =	vst v63  }
0x157: {  	_ =	swait.ge @p0 [sflag:s14], $0x4000  }
0x158: {  	[sflag:s14] =	ssyncset.done @p0 $0x0  }
0x159: {  	s18 =	simm.s32 @p0 $0x0;
	s19 =	rddreg [dreg:$0x10];
	[sflag:s14] =	ssyncadd.s32 @p0 $0xFFFFC000  }
0x15a: {  	[hbm4b:s19+s18] =	stream.linear.scatter @p0 [tilespmem:s7], [sflag:$0xE], $0x4000, $0x38;
	[tilespmem:$0x1FC00] =	vst v63  }
0x15b: {  	_ =	swait.ge @p0 [sflag:s14], $0x4000  }
0x15c: {  	s7 =	simm.s32 @!p1 $0x17900;
	[sflag:s14] =	ssyncset.done @p0 $0x0  }
0x15d: {  	s22 =	rddreg [dreg:$0x19];
	[sflag:s14] =	ssyncadd.s32 @p0 $0xFFFFC000;
	s14 =	simm.s32 @!p1 $0xE  }
0x15e: {  	[tilespmem:s7], [sflag:$0xE] =	stream.linear.gather @!p1 [spmem:s22], $0x800, $0x38;
	[tilespmem:$0x1FC00] =	vst v63  }
0x15f: {  	_ =	swait.ge @!p1 [sflag:s14], $0x800  }
0x160: {  	[sflag:s14] =	ssyncset.done @!p1 $0x0  }
0x161: {  	s18 =	rddreg [dreg:$0x17];
	[sflag:s14] =	ssyncadd.s32 @!p1 $0xFFFFF800;
	s14 =	simm.s32 @!p1 $0x0  }
0x162: {  	[hbm4b:s18+s14] =	stream.linear.scatter @!p1 [tilespmem:s7], [sflag:$0xD], $0x800, $0x38;
	[tilespmem:$0x1FC00] =	vst v63  }
0x163: {  	s7 =	simm.s32 @!p1 $0xD  }
0x164: {  	_ =	swait.ge @!p1 [sflag:s7], $0x800  }
0x165: {  	s26 =	sadd.s32 $0x1, s26;
	s19 =	rddreg [dreg:$0x18]  }
0x166: {  	p2 =	sne.s32 s26, s19  }
.Ltmp1:
0x167: {  	_ = 	snop;
	(pc) =	sbr.rel @p2 .LBB2_1-.Ltmp1, $3  }
0x168: {  	_ =	sdelay $0x1  }
0x169: {  	[sflag:s7] =	ssyncset.done @!p1 $0x0  }
0x16a: {  	s14 =	smov.u32 s25;
	[sflag:s7] =	ssyncadd.s32 @!p1 $0xFFFFF800  }
0x16b: {  	_ =	sfence.sel $0x180000  }
0x16c: {  	[bflag:$0x0] =	sbarrier.arrive $0xFFFF  }
0x16d: {  	_ =	strace $0x9000004A  }
0x16e: {  	s0 =	stileid.u32;
	[bflag:$0x2] =	sbarrier.arrive $0xFFFF  }
0x16f: {  	p0 =	sne.s32 s0, $0x0;
	s0 =	rddreg [dreg:$0x3]  }
0x170: {  	s0 =	sadd.s32 @!p0 $0x100000, s0  }
0x171: {  	[sflag:s0] =	ssyncadd.tile.s32 @!p0 $0x1;
	_ =	shalt  }
.Lfunc_end2:
_tile_overlayer_lowered:
.L_overlay_start_2:
0x172: {  	(tag) =	ssettag $0x2  }
0x173: {  	s0 =	rddreg [dreg:$0x0];
	s2 =	stileid.u32  }
0x174: {  	s1 =	rddreg [dreg:$0x1];
	p0 =	sne.s32 s2, $0x0  }
0x175: {  	s3 =	rddreg [dreg:$0x2];
	[bflag:$0x3] =	sbarrier.arrive $0xFFFF;
	s2 =	simm.s32 @!p0 $0x1C0D  }
0x176: {  	[timem:s3], [sflag:s2] =	dma.local @!p0 [hbm:s0], s1  }
0x177: {  	s0 =	simm.s32 @!p0 $0xD  }
0x178: {  	_ =	swait.ge @!p0 [sflag:s0], s1  }
0x179: {  	s1 =	ssub.s32 @!p0 $0x0, s1;
	[sflag:s0] =	ssyncset.done @!p0 $0x0  }
0x17a: {  	[sflag:s0] =	ssyncadd.s32 @!p0 s1  }
0x17b: {  	[bflag:$0x3] =	sbarrier.arrive $0xFFFF  }
0x17c: {  	_ =	shalt  }

// kernel: kernel.15.cloned.1.call-start
scs
__scs_entry_jumppad:
0x0: {  	(pc) =	sbr.rel $0x88, $3  }
0x1: {  	(tag) =	ssettag $0x0;
	lr =	simm.s32 $0x1  }
0x2: {  	[smem:$0x3F9B] =	sst lr;
	_ =	strace $0xD0000000  }
0x3: {  	_ = 	snop  }
0x4: {  	_ = 	snop  }
0x5: {  	_ = 	snop  }
0x6: {  	_ = 	snop  }
0x7: {  	_ = 	snop  }
__scs_overlays_trampoline_lowered:
0x8: {  	[smem:$0x3FAA] =	sst s0  }
0x9: {  	[smem:$0x3FAB] =	sst s1  }
0xa: {  	[smem:$0x3FAC] =	sst s2  }
0xb: {  	[smem:$0x3FAD] =	sst s3  }
0xc: {  	[smem:$0x3FAE] =	sst s4  }
0xd: {  	[smem:$0x3FAF] =	sst s5  }
0xe: {  	[smem:$0x3FB0] =	sst s6  }
0xf: {  	[smem:$0x3FB1] =	sst s7  }
0x10: {  	[smem:$0x3FB2] =	sst s8  }
0x11: {  	[smem:$0x3FB3] =	sst s9;
	s0 =	simm.s32 @!p0 $0x0  }
0x12: {  	s1 =	sld [smem:$0x3F99];
	s0 =	simm.s32 @p0 $0x1  }
0x13: {  	[smem:$0x3FB4] =	sst s0;
	s0 =	simm.s32 @!p1 $0x0  }
0x14: {  	s2 =	sld [smem:$0x3F98];
	s0 =	simm.s32 @p1 $0x1  }
0x15: {  	[smem:$0x3FB5] =	sst s0;
	s0 =	simm.s32 @!p2 $0x0  }
0x16: {  	s3 =	sld [smem:$0x3FDB];
	s0 =	simm.s32 @p2 $0x1  }
0x17: {  	s4 =	simm.s32 $0x1BF5;
	[smem:$0x3FB7] =	sst s0  }
0x18: {  	s0 =	sld [smem:$0x3F9A];
	_ =	swait.ge [sflag:s4], $0x0  }
0x19: {  	s7 =	sld [smem:$0x3F9B]  }
0x1a: {  	s8 =	sadd.s32 $0xFFFFE003, lr  }
0x1b: {  	s9 =	sadd.s32 $0xFFFFFEF7, lr;
	s5 =	simm.s32 $0xFFFFFFFF;
	p2 =	slt.u32 s8, $0xFFFFF086  }
0x1c: {  	p1 =	slt.u32 s9, $0xF7A;
	s5 =	simm.s32 @!p2 $0x0  }
0x1d: {  	s5 =	simm.s32 @p1 $0x1;
	p0 =	seq.s32 s7, s2  }
0x1e: {  	s7 =	smul.u32 @!p0 $0xF7A, s2;
	p2 =	seq.s32 @!p0 s5, $0x0  }
0x1f: {  	s9 =	smul.u32 $0xF7A, s1;
	s8 =	simm.s32 @!p0 $0x1BF5;
	p2 =	por !p2, p0  }
0x20: {  	[sflag:s8] =	ssyncset.s32 @!p0 $0xFFFFF086;
	s6 =	sadd.s32 @!p0 s3, s7;
	s7 =	simm.s32 @!p0 $0x108  }
0x21: {  	s3 =	sadd.s32 s3, s9;
	s6 =	sadd.s32 @!p0 $0x88, s6;
	s7 =	simm.s32 @p2 $0x1082  }
0x22: {  	[simem:s7], [sflag:s8] =	dma.local @!p0 [hbm:s6], $0xF7A  }
0x23: {  	s9 =	sor.u32 $0xD0000000, s2;
	s6 =	simm.s32 $0x108;
	_ =	swait.ge @!p0 [sflag:s8], $0x0  }
0x24: {  	s3 =	sadd.s32 $0x88, s3;
	s6 =	simm.s32 @!p1 $0x1082;
	[sflag:s4] =	ssyncset.s32 $0xFFFFF086  }
0x25: {  	[simem:s6], [sflag:s4] =	dma.local [hbm:s3], $0xF7A  }
0x26: {  	[smem:$0x3F9B] =	sst s1;
	(tag) =	ssettag s2;
	_ =	strace s9  }
0x27: {  	s1 =	sld [smem:$0x3FAB]  }
0x28: {  	s2 =	sld [smem:$0x3FAC]  }
0x29: {  	s4 =	sld [smem:$0x3FAE]  }
0x2a: {  	p0 =	seq.s32 s5, $0x0;
	s5 =	sld [smem:$0x3FAF]  }
0x2b: {  	s6 =	sld [smem:$0x3FB0]  }
0x2c: {  	s7 =	sld [smem:$0x3FB1]  }
0x2d: {  	s3 =	simm.s32 $0x108;
	s8 =	sld [smem:$0x3FB2]  }
0x2e: {  	s3 =	simm.s32 @!p0 $0x1082;
	s9 =	sld [smem:$0x3FB3]  }
0x2f: {  	lr =	sadd.s32 s0, s3;
	s0 =	sld [smem:$0x3FAA]  }
0x30: {  	s3 =	sld [smem:$0x3FAD]  }
0x31: {  	[smem:$0x3FB6] =	sst s10  }
0x32: {  	s10 =	sld [smem:$0x3FB4];
	_ =	sdelay $0x3  }
0x33: {  	p0 =	seq.s32 s10, $0x1;
	s10 =	sld [smem:$0x3FB6];
	_ =	sdelay $0x3  }
0x34: {  	[smem:$0x3FB6] =	sst s10  }
0x35: {  	s10 =	sld [smem:$0x3FB5];
	_ =	sdelay $0x3  }
0x36: {  	p1 =	seq.s32 s10, $0x1;
	s10 =	sld [smem:$0x3FB6];
	_ =	sdelay $0x3  }
0x37: {  	[smem:$0x3FB6] =	sst s10  }
0x38: {  	s10 =	sld [smem:$0x3FB7]  }
0x39: {  	_ = 	snop;
	(pc) =	sbr.ind lr, $3  }
0x3a: {  	_ = 	snop  }
0x3b: {  	_ = 	snop  }
0x3c: {  	p2 =	seq.s32 s10, $0x1;
	s10 =	sld [smem:$0x3FB6]  }
0x3d: {  	_ =	shalt  }
0x3e: {  	_ =	shalt  }
0x3f: {  	_ =	shalt  }
0x40: {  	_ =	shalt  }
0x41: {  	_ =	shalt  }
0x42: {  	_ =	shalt  }
0x43: {  	_ =	shalt  }
0x44: {  	_ =	shalt  }
0x45: {  	_ =	shalt  }
0x46: {  	_ =	shalt  }
0x47: {  	_ =	shalt  }
0x48: {  	_ =	shalt  }
0x49: {  	_ =	shalt  }
0x4a: {  	_ =	shalt  }
0x4b: {  	_ =	shalt  }
0x4c: {  	_ =	shalt  }
0x4d: {  	_ =	shalt  }
0x4e: {  	_ =	shalt  }
0x4f: {  	_ =	shalt  }
0x50: {  	_ =	shalt  }
0x51: {  	_ =	shalt  }
0x52: {  	_ =	shalt  }
0x53: {  	_ =	shalt  }
0x54: {  	_ =	shalt  }
0x55: {  	_ =	shalt  }
0x56: {  	_ =	shalt  }
0x57: {  	_ =	shalt  }
0x58: {  	_ =	shalt  }
0x59: {  	_ =	shalt  }
0x5a: {  	_ =	shalt  }
0x5b: {  	_ =	shalt  }
0x5c: {  	_ =	shalt  }
0x5d: {  	_ =	shalt  }
0x5e: {  	_ =	shalt  }
0x5f: {  	_ =	shalt  }
0x60: {  	_ =	shalt  }
0x61: {  	_ =	shalt  }
0x62: {  	_ =	shalt  }
0x63: {  	_ =	shalt  }
0x64: {  	_ =	shalt  }
0x65: {  	_ =	shalt  }
0x66: {  	_ =	shalt  }
0x67: {  	_ =	shalt  }
0x68: {  	_ =	shalt  }
0x69: {  	_ =	shalt  }
0x6a: {  	_ =	shalt  }
0x6b: {  	_ =	shalt  }
0x6c: {  	_ =	shalt  }
0x6d: {  	_ =	shalt  }
0x6e: {  	_ =	shalt  }
0x6f: {  	_ =	shalt  }
0x70: {  	_ =	shalt  }
0x71: {  	_ =	shalt  }
0x72: {  	_ =	shalt  }
0x73: {  	_ =	shalt  }
0x74: {  	_ =	shalt  }
0x75: {  	_ =	shalt  }
0x76: {  	_ =	shalt  }
0x77: {  	_ =	shalt  }
0x78: {  	_ =	shalt  }
0x79: {  	_ =	shalt  }
0x7a: {  	_ =	shalt  }
0x7b: {  	_ =	shalt  }
0x7c: {  	_ =	shalt  }
0x7d: {  	_ =	shalt  }
0x7e: {  	_ =	shalt  }
0x7f: {  	_ =	shalt  }
0x80: {  	_ =	shalt  }
0x81: {  	_ =	shalt  }
0x82: {  	_ =	shalt  }
0x83: {  	_ =	shalt  }
0x84: {  	_ =	shalt  }
0x85: {  	_ =	shalt  }
0x86: {  	_ =	shalt  }
0x87: {  	_ =	shalt  }
.Lfunc_end0:
.L_simem_size_0:
called_computation.2_lowered:
.L_overlay_start_0:
0x88: {  	s2 =	sld [smem:$0x3FD9]  }
0x89: {  	s3 =	sld [smem:$0x3FFE];
	_ =	sdelay $0x1  }
0x8a: {  	s1 =	srdreg.scid  }
0x8b: {  	s0 =	sand.u32 $0x1, s1  }
0x8c: {  	s17 =	sshll.u32 s0, $0xA;
	s2 =	sadd.s32 s3, s2  }
0x8d: {  	s2 =	sadd.s32 s2, s17  }
0x8e: {  	[smem:$0x3FC2] =	sst s2  }
0x8f: {  	_ = 	snop  }
0x90: {  	s2 =	sld [smem:$0x3FD0];
	(tm) =	ssettm $0x1  }
0x91: {  	s18 =	sld [smem:$0x3FFB];
	_ =	sdelay $0x3  }
0x92: {  	_ =	strace s18  }
0x93: {  	s3 =	sld [smem:$0x3FFC];
	_ =	sdelay $0x3  }
0x94: {  	_ =	strace s3  }
0x95: {  	s3 =	sld [smem:$0x3FFD];
	_ =	sdelay $0x3  }
0x96: {  	_ =	strace s3  }
0x97: {  	_ =	strace $0x8FFFFFFF  }
0x98: {  	s19 =	sld [smem:$0x3FDB];
	_ =	sdelay $0x1  }
0x99: {  	s4 =	simm.s32 $_scs_section_size  }
0x9a: {  	s5 =	simm.s32 $_size__tile_overlayer_lowered;
	s6 =	simm.s32 $_tile_overlayer_lowered  }
0x9b: {  	s22 =	simm.s32 $0x1BFF;
	s21 =	sshll.u32 s6, $0x1;
	s3 =	sadd.s32 s4, s19  }
0x9c: {  	s7 =	simm.s32 $0x0;
	s20 =	sshll.u32 s5, $0x1;
	s5 =	sadd.s32 s21, s3  }
0x9d: {  	[timem:s7], [sflag:s22] =	dma.local [hbm:s5], s20  }
0x9e: {  	_ =	swait.ge [sflag:s22], s20  }
0x9f: {  	s4 =	ssub.s32 $0x0, s20;
	[sflag:s22] =	ssyncset.done $0x0  }
0xa0: {  	[sflag:s22] =	ssyncadd.s32 s4;
	_ =	sdelay $0x1  }
0xa1: {  	s23 =	simm.s32 $0x1B8B  }
0xa2: {  	_ =	swait.ge [sflag:s23], $0x1  }
0xa3: {  	[sflag:s23] =	ssyncset.done $0x0  }
0xa4: {  	s25 =	simm.s32 $0x1B8E;
	s24 =	sld [smem:$0x3FFE];
	[sflag:s23] =	ssyncadd.s32 $0xFFFFFFFF  }
0xa5: {  	s26 =	simm.s32 $execute0_lowered;
	[smem:$0x3FD2] =	sst s25  }
0xa6: {  	s5 =	sshll.u32 s26, $0x1;
	_ =	strace $0x8000004C;
	[dreg:$0x1] =	wrdreg $0xFFFFFFFF  }
0xa7: {  	s28 =	simm.s32 $_size_execute0_lowered;
	s3 =	sadd.s32 s3, s5;
	[dreg:$0x0] =	wrdreg $0x0  }
0xa8: {  	s5 =	sshll.u32 s28, $0x1;
	[dreg:$0x2] =	wrdreg s3  }
0xa9: {  	[dreg:$0x3] =	wrdreg s5  }
0xaa: {  	[dreg:$0x4] =	wrdreg $0xC0  }
0xab: {  	_ =	task [dreg:s7], $0x5FFFF  }
0xac: {  	[dreg:$0x1] =	wrdreg $0xFFFFFFFF  }
0xad: {  	[dreg:$0x0] =	wrdreg $0x60  }
0xae: {  	[dreg:$0x2] =	wrdreg s2  }
0xaf: {  	[dreg:$0x3] =	wrdreg s24  }
0xb0: {  	[dreg:$0x4] =	wrdreg $0x0  }
0xb1: {  	[dreg:$0x5] =	wrdreg $0x9  }
0xb2: {  	_ =	task.clear_ibuf [dreg:s7], $0x6FFFF;
	_ =	strace $0x9000004C  }
0xb3: {  	s29 =	simm.s32 $0x9;
	_ =	strace $0x8000004E  }
0xb4: {  	_ =	swait.ge [sflag:s29], $0x1  }
0xb5: {  	[sflag:s29] =	ssyncadd.s32 $0xFFFFFFFF  }
0xb6: {  	_ =	strace $0x9000004E  }
0xb7: {  	_ =	sfence  }
0xb8: {  	s30 =	sld [smem:$0x0];
	_ =	sdelay $0x2  }
0xb9: {  	s31 =	sshll.u32 s1, $0xD;
	s1 =	sshrl.u32 s1, $0x2  }
0xba: {  	s3 =	sand.u32 $0x4000, s31;
	s1 =	sadd.s32 s1, s30  }
0xbb: {  	s0 =	sor.u32 s3, s0;
	s1 =	sshll.u32 s1, $0x11  }
0xbc: {  	s0 =	sor.u32 s1, s0  }
0xbd: {  	s0 =	sadd.s32 $0x8F2B, s0  }
0xbe: {  	[sflag:s0] =	ssyncadd.remote.s32 $0x1  }
0xbf: {  	_ =	sfence.sel $0xFFFF  }
0xc0: {  	[dreg:$0x0] =	wrdreg $0xFFFFFFFF;
	(pc) =	sbr.abs _section_cstart, $3  }
0xc1: {  	[dreg:$0x1] =	wrdreg $0xFFFFFFFF  }
0xc2: {  	_ =	task.clear_ibuf [dreg:s7], $0x2FFFF;
	_ =	strace $0x9FFFFFFF  }
0xc3: {  	(tm) =	ssettm $0x7FFFFFFF  }
tec
execute0_lowered:
.L_overlay_start_1:
0x0: {  	(tag) =	ssettag $0x1  }
0x1: {  	s1 =	rddreg [dreg:$0x0]  }
0x2: {  	s0 =	rddreg [dreg:$0x1]  }
0x3: {  	s3 =	rddreg [dreg:$0x2];
	s4 =	simm.s32 $0x0  }
0x4: {  	s2 =	srdreg.scid;
	s21 =	stileid.u32;
	s28 =	simm.s32 $0x13900  }
0x5: {  	s29 =	simm.s32 $0xD;
	s30 =	simm.s32 $0xE;
	s31 =	simm.s32 $0x1F900  }
0x6: {  	[smem:$0x7FF] =	sst s4;
	s2 =	sand.u32 $0x1, s2;
	s6 =	sshll.u32 s21, $0x1  }
0x7: {  	s5 =	sadd.s32 $0xCC00, s0;
	s7 =	sadd.s32 $0x2A00, s0;
	s9 =	sadd.s32 $0x3DC00, s0  }
0x8: {  	s0 =	sadd.s32 $0x3E400, s0;
	s22 =	sadd.s32 $0x138000, s3;
	s14 =	sor.u32 $0x40, s21  }
0x9: {  	_ =	strace $0x8000004D;
	s6 =	sor.u32 s2, s6;
	s10 =	smul.u32 $0x138800, s2  }
0xa: {  	s8 =	ssub.s32 $0x2, s2;
	[dreg:$0xb] =	wrdreg s9;
	s2 =	smul.u32 $0x2780, s2  }
0xb: {  	s16 =	sshll.u32 s14, $0xE;
	p0 =	slt.u32 s14, $0x4E;
	s6 =	smul.u32 $0x2780, s6  }
0xc: {  	[dreg:$0x19] =	wrdreg s22;
	s17 =	sshrl.u32 s8, $0x1;
	p1 =	sne.s32 @!p0 s21, $0xE  }
0xd: {  	s8 =	ssub.s32 s8, s17;
	s11 =	sshrl.u32 s10, $0x3;
	s18 =	sadd.s32 $0x180, s6  }
0xe: {  	p1 =	por p1, p0;
	s19 =	sadd.s32 $0x200, s6;
	[dreg:$0x4] =	wrdreg s18  }
0xf: {  	s20 =	sadd.s32 $0x280, s6;
	s9 =	sadd.s32 s0, s11;
	[dreg:$0x5] =	wrdreg s19  }
0x10: {  	s11 =	sshll.u32 s21, $0xE;
	s6 =	sshrl.u32 s6, $0x3;
	[dreg:$0x6] =	wrdreg s20  }
0x11: {  	s12 =	sor.u32 $0x40000, s11;
	s13 =	sor.u32 $0x80000, s11;
	s15 =	sor.u32 $0xC0000, s11  }
0x12: {  	s17 =	sadd.s32 s10, s11;
	s19 =	smul.u32 $0x4F00, s21;
	s14 =	sadd.s32 $0x10, s6  }
0x13: {  	s17 =	sshrl.u32 s17, $0x3;
	s18 =	sadd.s32 s10, s12;
	s20 =	sadd.s32 s10, s13  }
0x14: {  	s25 =	sadd.s32 s10, s15;
	s10 =	sadd.s32 s10, s16;
	s18 =	sshrl.u32 s18, $0x3  }
0x15: {  	s17 =	sadd.s32 s0, s17;
	s24 =	sshrl.u32 s20, $0x3;
	s2 =	sadd.s32 s2, s19  }
0x16: {  	s10 =	sshrl.u32 s10, $0x3;
	[dreg:$0xc] =	wrdreg s17;
	s23 =	sadd.s32 s0, s18  }
0x17: {  	s17 =	sadd.s32 s0, s24;
	s26 =	sadd.s32 $0x100, s2;
	[dreg:$0xd] =	wrdreg s23  }
0x18: {  	s18 =	sadd.s32 s7, s14;
	[dreg:$0xe] =	wrdreg s17;
	s17 =	sshrl.u32 s25, $0x3  }
0x19: {  	s19 =	sshrl.u32 s26, $0x3;
	s25 =	sadd.s32 s5, s6;
	[dreg:$0x14] =	wrdreg s18  }
0x1a: {  	s23 =	sadd.s32 $0x80, s2;
	s17 =	sadd.s32 s0, s17;
	[dreg:$0x11] =	wrdreg s25  }
0x1b: {  	s2 =	sshrl.u32 s2, $0x3;
	s0 =	sadd.s32 s0, s10;
	[dreg:$0xf] =	wrdreg s17  }
0x1c: {  	s20 =	sadd.s32 s19, s7;
	s24 =	sshrl.u32 s23, $0x3;
	[dreg:$0x10] =	wrdreg s0  }
0x1d: {  	s10 =	sadd.s32 s7, s6;
	s26 =	sadd.s32 s2, s7;
	[dreg:$0x7] =	wrdreg s20  }
0x1e: {  	s2 =	simm.s32 $0x17900;
	s6 =	sadd.s32 $0x20, s6;
	[dreg:$0x9] =	wrdreg s26  }
0x1f: {  	s23 =	sadd.s32 $0x27000, s9;
	s25 =	sadd.s32 s15, s3;
	[dreg:$0xa] =	wrdreg s2  }
0x20: {  	s9 =	simm.s32 $0x8;
	s15 =	simm.s32 $0xA;
	[dreg:$0x17] =	wrdreg s23  }
0x21: {  	s0 =	sadd.s32 s24, s7;
	s17 =	sadd.s32 s5, s14;
	[dreg:$0x12] =	wrdreg s10  }
0x22: {  	s19 =	sadd.s32 s7, s6;
	s20 =	sadd.s32 s5, s6;
	[dreg:$0x8] =	wrdreg s0  }
0x23: {  	s24 =	smax.u32 s8, $0x1;
	s23 =	sadd.s32 s12, s3;
	[dreg:$0x13] =	wrdreg s17  }
0x24: {  	s14 =	sadd.s32 s16, s3;
	s21 =	smov.u32 s25;
	[dreg:$0x15] =	wrdreg s19  }
0x25: {  	s26 =	sadd.s32 $0x4E0, s10;
	s2 =	simm.s32 $0x1F980;
	[dreg:$0x16] =	wrdreg s20  }
0x26: {  	s6 =	simm.s32 $0x1FA00;
	s8 =	simm.s32 $0x1FB80;
	[dreg:$0x18] =	wrdreg s24  }
0x27: {  	s10 =	simm.s32 $0x80;
	s12 =	simm.s32 $0x1B900;
	[dreg:$0x1e] =	wrdreg s26  }
0x28: {  	s16 =	simm.s32 $0x2;
	s20 =	sadd.s32 s11, s3;
	[dreg:$0x1a] =	wrdreg s23  }
0x29: {  	s24 =	sadd.s32 s13, s3;
	s0 =	simm.s32 $0x1FA80;
	[dreg:$0x1c] =	wrdreg s21  }
0x2a: {  	s11 =	simm.s32 $0x9;
	s13 =	simm.s32 $0x1;
	[dreg:$0x1d] =	wrdreg s14  }
0x2b: {  	s17 =	simm.s32 $0xC;
	s26 =	simm.s32 $0x0;
	[dreg:$0x1b] =	wrdreg s24  }
.LBB2_1:
0x2c: {  	s7 =	rddreg [dreg:$0xb]  }
0x2d: {  	[tilespmem:s28], [sflag:$0xD] =	stream.linear.gather [hbm4b:s7+s4], $0x4000, $0x38;
	[tilespmem:$0x1FC00] =	vst v63  }
0x2e: {  	_ =	swait.ge [sflag:s29], $0x4000  }
0x2f: {  	[sflag:s29] =	ssyncset.done $0x0  }
0x30: {  	[sflag:s29] =	ssyncadd.s32 $0xFFFFC000  }
0x31: {  	[spmem:s20] =	stream.linear.scatter [tilespmem:s28], [sflag:$0xE], $0x4000, $0x38;
	[tilespmem:$0x1FC00] =	vst v63  }
0x32: {  	_ =	swait.ge [sflag:s30], $0x4000  }
0x33: {  	[sflag:s30] =	ssyncset.done $0x0  }
0x34: {  	[sflag:s30] =	ssyncadd.s32 $0xFFFFC000  }
0x35: {  	[spmem:s23] =	stream.linear.scatter [tilespmem:s28], [sflag:$0xE], $0x4000, $0x38;
	[tilespmem:$0x1FC00] =	vst v63  }
0x36: {  	_ =	swait.ge [sflag:s30], $0x4000  }
0x37: {  	[sflag:s30] =	ssyncset.done $0x0  }
0x38: {  	[sflag:s30] =	ssyncadd.s32 $0xFFFFC000  }
0x39: {  	[spmem:s24] =	stream.linear.scatter [tilespmem:s28], [sflag:$0xE], $0x4000, $0x38;
	[tilespmem:$0x1FC00] =	vst v63  }
0x3a: {  	_ =	swait.ge [sflag:s30], $0x4000  }
0x3b: {  	[sflag:s30] =	ssyncset.done $0x0  }
0x3c: {  	[sflag:s30] =	ssyncadd.s32 $0xFFFFC000  }
0x3d: {  	[spmem:s21] =	stream.linear.scatter [tilespmem:s28], [sflag:$0xE], $0x4000, $0x38;
	[tilespmem:$0x1FC00] =	vst v63  }
0x3e: {  	_ =	swait.ge [sflag:s30], $0x4000  }
0x3f: {  	[sflag:s30] =	ssyncset.done $0x0  }
0x40: {  	s7 =	simm.s32 @p0 $0x13900;
	[sflag:s30] =	ssyncadd.s32 $0xFFFFC000  }
0x41: {  	[spmem:s14] =	stream.linear.scatter @p0 [tilespmem:s7], [sflag:$0xE], $0x4000, $0x38;
	[tilespmem:$0x1FC00] =	vst v63  }
0x42: {  	s7 =	simm.s32 @p0 $0xE  }
0x43: {  	_ =	swait.ge @p0 [sflag:s7], $0x4000  }
0x44: {  	[sflag:s7] =	ssyncset.done @p0 $0x0  }
0x45: {  	[sflag:s7] =	ssyncadd.s32 @p0 $0xFFFFC000;
	s7 =	simm.s32 @!p1 $0x13900  }
0x46: {  	[spmem:s22] =	stream.linear.scatter @!p1 [tilespmem:s7], [sflag:$0xD], $0x800, $0x38;
	[tilespmem:$0x1FC00] =	vst v63  }
0x47: {  	s7 =	simm.s32 @!p1 $0xD  }
0x48: {  	_ =	swait.ge @!p1 [sflag:s7], $0x800  }
0x49: {  	[sflag:s7] =	ssyncset.done @!p1 $0x0  }
0x4a: {  	s24 =	rddreg [dreg:$0x11];
	[sflag:s7] =	ssyncadd.s32 @!p1 $0xFFFFF800  }
0x4b: {  	[tilespmem:s31], [sflag:$0x7] =	stream.linear.gather [hbm4b:s24+s4], $0x80, $0x38;
	[tilespmem:$0x1FC00] =	vst v63  }
0x4c: {  	s14 =	rddreg [dreg:$0x12]  }
0x4d: {  	[tilespmem:s0], [sflag:$0xA] =	stream.linear.gather [hbm4b:s14+s4], $0x80, $0x38;
	[tilespmem:$0x1FC00] =	vst v63  }
0x4e: {  	s18 =	rddreg [dreg:$0x13]  }
0x4f: {  	[tilespmem:s2], [sflag:$0x8] =	stream.linear.gather [hbm4b:s18+s4], $0x80, $0x38;
	[tilespmem:$0x1FC00] =	vst v63  }
0x50: {  	s25 =	smov.u32 s20;
	s20 =	simm.s32 $0x1FB00;
	s19 =	rddreg [dreg:$0x14]  }
0x51: {  	[tilespmem:s20], [sflag:$0xB] =	stream.linear.gather [hbm4b:s19+s4], $0x80, $0x38;
	[tilespmem:$0x1FC00] =	vst v63  }
0x52: {  	s21 =	rddreg [dreg:$0x16]  }
0x53: {  	[tilespmem:s6], [sflag:$0x9] =	stream.linear.gather [hbm4b:s21+s4], $0x80, $0x38;
	[tilespmem:$0x1FC00] =	vst v63  }
0x54: {  	p2 =	por $0x1, $0x1;
	s22 =	rddreg [dreg:$0x15]  }
0x55: {  	[tilespmem:s8], [sflag:$0xC] =	stream.linear.gather [hbm4b:s22+s4], $0x80, $0x38;
	[tilespmem:$0x1FC00] =	vst v63  }
0x56: {  	s7 =	simm.s32 @p2 $0x7;
	[bflag:$0x0] =	sbarrier.arrive $0xFFFF  }
0x57: {  	_ =	swait.ge @p2 [sflag:s7], $0x80  }
0x58: {  	s14 =	simm.s32 @p2 $0x13900;
	s18 =	simm.s32 @!p2 $0x4;
	[sflag:s7] =	ssyncset.done @p2 $0x0  }
0x59: {  	s19 =	simm.s32 @p2 $0x1F900;
	[sflag:s7] =	ssyncadd.s32 @p2 $0xFFFFFF80;
	s7 =	simm.s32 @p2 $0x80  }
0x5a: {  	[tilespmem:s14], [sflag:$0x1] =	stream.indirect.gather @p2 [hbm4b:s1+s7], $0x80, s19, s7, $0xb8;
	[tilespmem:$0x1FC00] =	vst v63  }
0x5b: {  	s14 =	simm.s32 @!p2 $0x7;
	_ =	swait.ge @!p2 [sflag:s18], $0x4000  }
0x5c: {  	s19 =	simm.s32 @!p2 $0x1FA80;
	s7 =	rddreg [dreg:$0x9];
	[sflag:s18] =	ssyncset.done @!p2 $0x0  }
0x5d: {  	[sflag:s18] =	ssyncadd.s32 @!p2 $0xFFFFC000;
	s7 =	sadd.s32 @!p2 $0x0, s7;
	s18 =	simm.s32 @!p2 $0x0  }
0x5e: {  	[tilespmem:s19], [sflag:$0xA] =	stream.linear.gather @!p2 [hbm4b:s7+s18], $0x80, $0x38;
	[tilespmem:$0x1FC00] =	vst v63  }
0x5f: {  	_ =	swait.ge @!p2 [sflag:s14], $0x80  }
0x60: {  	s20 =	simm.s32 @!p2 $0x1F900;
	s7 =	simm.s32 @!p2 $0x13900;
	[sflag:s14] =	ssyncset.done @!p2 $0x0  }
0x61: {  	s19 =	simm.s32 @!p2 $0x5;
	[sflag:s14] =	ssyncadd.s32 @!p2 $0xFFFFFF80;
	s14 =	simm.s32 @!p2 $0x80  }
0x62: {  	[tilespmem:s7], [sflag:$0x1] =	stream.indirect.gather @!p2 [hbm4b:s1+s14], $0x80, s20, s14, $0xb8;
	[tilespmem:$0x1FC00] =	vst v63  }
0x63: {  	_ =	swait.ge @!p2 [sflag:s19], $0x4000  }
0x64: {  	s7 =	rddreg [dreg:$0x8];
	[sflag:s19] =	ssyncset.done @!p2 $0x0  }
0x65: {  	s14 =	simm.s32 @!p2 $0x1FB00;
	[sflag:s19] =	ssyncadd.s32 @!p2 $0xFFFFC000;
	s7 =	sadd.s32 @!p2 $0x0, s7  }
0x66: {  	[tilespmem:s14], [sflag:$0xB] =	stream.linear.gather @!p2 [hbm4b:s7+s18], $0x80, $0x38;
	[tilespmem:$0x1FC00] =	vst v63  }
0x67: {  	_ =	swait.ge [sflag:s9], $0x80  }
0x68: {  	[sflag:s9] =	ssyncset.done $0x0  }
0x69: {  	s14 =	simm.s32 @!p2 $0x6;
	s23 =	rddreg [dreg:$0xa];
	[sflag:s9] =	ssyncadd.s32 $0xFFFFFF80  }
0x6a: {  	[tilespmem:s23], [sflag:$0x2] =	stream.indirect.gather [hbm4b:s1+s10], $0x80, s2, s10, $0xb8;
	[tilespmem:$0x1FC00] =	vst v63  }
0x6b: {  	_ =	swait.ge @!p2 [sflag:s14], $0x4000  }
0x6c: {  	s7 =	rddreg [dreg:$0x7];
	[sflag:s14] =	ssyncset.done @!p2 $0x0  }
0x6d: {  	[sflag:s14] =	ssyncadd.s32 @!p2 $0xFFFFC000;
	s7 =	sadd.s32 @!p2 $0x0, s7;
	s14 =	simm.s32 @!p2 $0x1FB80  }
0x6e: {  	[tilespmem:s14], [sflag:$0xC] =	stream.linear.gather @!p2 [hbm4b:s7+s18], $0x80, $0x38;
	[tilespmem:$0x1FC00] =	vst v63  }
0x6f: {  	_ =	swait.ge [sflag:s11], $0x80  }
0x70: {  	[sflag:s11] =	ssyncset.done $0x0  }
0x71: {  	[sflag:s11] =	ssyncadd.s32 $0xFFFFFF80  }
0x72: {  	[tilespmem:s12], [sflag:$0x3] =	stream.indirect.gather [hbm4b:s1+s10], $0x80, s6, s10, $0xb8;
	[tilespmem:$0x1FC00] =	vst v63  }
0x73: {  	s14 =	simm.s32 $0x0;
	_ =	swait.ge [sflag:s13], $0x4000  }
0x74: {  	s14 =	simm.s32 @p2 $0x0;
	s24 =	rddreg [dreg:$0x4]  }
0x75: {  	s7 =	sadd.s32 s14, s24  }
0x76: {  	[sflag:s13] =	ssyncset.done $0x0;
	s7 =	sshrl.u32 s7, $0x3  }
0x77: {  	[sflag:s13] =	ssyncadd.s32 $0xFFFFC000;
	s7 =	sadd.s32 s5, s7  }
0x78: {  	[tilespmem:s31], [sflag:$0x7] =	stream.linear.gather [hbm4b:s7+s4], $0x80, $0x38;
	[tilespmem:$0x1FC00] =	vst v63  }
0x79: {  	_ =	swait.ge [sflag:s15], $0x80  }
0x7a: {  	[sflag:s15] =	ssyncset.done $0x0  }
0x7b: {  	[sflag:s15] =	ssyncadd.s32 $0xFFFFFF80  }
0x7c: {  	[spmem:s3] =	stream.indirect.scatter.add.f32 [tilespmem:s28], [sflag:$0x4], $0x80, s0, s10, $0xb8;
	[tilespmem:$0x1FC00] =	vst v63  }
0x7d: {  	_ =	swait.ge [sflag:s16], $0x4000  }
0x7e: {  	p2 =	por $0x0, $0x0;
	[sflag:s16] =	ssyncset.done $0x0  }
0x7f: {  	s7 =	simm.s32 @p2 $0xB;
	[sflag:s16] =	ssyncadd.s32 $0xFFFFC000  }
0x80: {  	_ =	swait.ge @p2 [sflag:s7], $0x80  }
0x81: {  	s18 =	simm.s32 @p2 $0x17900;
	s19 =	simm.s32 @p2 $0x3;
	[sflag:s7] =	ssyncset.done @p2 $0x0  }
0x82: {  	s20 =	simm.s32 @p2 $0x1FB00;
	[sflag:s7] =	ssyncadd.s32 @p2 $0xFFFFFF80;
	s7 =	simm.s32 @p2 $0x80  }
0x83: {  	[spmem:s3] =	stream.indirect.scatter.add.f32 @p2 [tilespmem:s18], [sflag:$0x5], $0x80, s20, s7, $0xb8;
	[tilespmem:$0x1FC00] =	vst v63  }
0x84: {  	_ =	swait.ge @p2 [sflag:s19], $0x4000  }
0x85: {  	s7 =	rddreg [dreg:$0x5]  }
0x86: {  	s18 =	simm.s32 @!p2 $0xB;
	s7 =	sadd.s32 @!p2 s14, s7  }
0x87: {  	s20 =	simm.s32 @!p2 $0x1F980;
	[sflag:s19] =	ssyncset.done @p2 $0x0;
	s7 =	sshrl.u32 @!p2 s7, $0x3  }
0x88: {  	[sflag:s19] =	ssyncadd.s32 @p2 $0xFFFFC000;
	s19 =	simm.s32 @!p2 $0x0;
	s7 =	sadd.s32 @!p2 s5, s7  }
0x89: {  	[tilespmem:s20], [sflag:$0x8] =	stream.linear.gather @!p2 [hbm4b:s7+s19], $0x80, $0x38;
	[tilespmem:$0x1FC00] =	vst v63  }
0x8a: {  	_ =	swait.ge @!p2 [sflag:s18], $0x80  }
0x8b: {  	s7 =	simm.s32 @!p2 $0x17900;
	[sflag:s18] =	ssyncset.done @!p2 $0x0  }
0x8c: {  	s20 =	simm.s32 @!p2 $0x1FB00;
	[sflag:s18] =	ssyncadd.s32 @!p2 $0xFFFFFF80;
	s18 =	simm.s32 @!p2 $0x80  }
0x8d: {  	[spmem:s3] =	stream.indirect.scatter.add.f32 @!p2 [tilespmem:s7], [sflag:$0x5], $0x80, s20, s18, $0xb8;
	[tilespmem:$0x1FC00] =	vst v63  }
0x8e: {  	s7 =	simm.s32 @!p2 $0x3  }
0x8f: {  	_ =	swait.ge @!p2 [sflag:s7], $0x4000  }
0x90: {  	s18 =	rddreg [dreg:$0x6]  }
0x91: {  	s14 =	sadd.s32 @!p2 s14, s18  }
0x92: {  	[sflag:s7] =	ssyncset.done @!p2 $0x0;
	s14 =	sshrl.u32 @!p2 s14, $0x3  }
0x93: {  	[sflag:s7] =	ssyncadd.s32 @!p2 $0xFFFFC000;
	s7 =	sadd.s32 @!p2 s5, s14;
	s14 =	simm.s32 @!p2 $0x1FA00  }
0x94: {  	[tilespmem:s14], [sflag:$0x9] =	stream.linear.gather @!p2 [hbm4b:s7+s19], $0x80, $0x38;
	[tilespmem:$0x1FC00] =	vst v63  }
0x95: {  	p3 =	por $0x0, $0x0;
	s20 =	simm.s32 $0x60;
	_ =	swait.ge [sflag:s17], $0x80  }
0x96: {  	s19 =	simm.s32 $0x30;
	s7 =	simm.s32 $0x180;
	[sflag:s17] =	ssyncset.done $0x0  }
.LBB2_2:
0x97: {  	s18 =	simm.s32 @p3 $0x7;
	[sflag:s17] =	ssyncadd.s32 $0xFFFFFF80  }
0x98: {  	[spmem:s3] =	stream.indirect.scatter.add.f32 [tilespmem:s12], [sflag:$0x6], $0x80, s8, s10, $0xb8;
	[tilespmem:$0x1FC00] =	vst v63  }
0x99: {  	_ =	swait.ge @p3 [sflag:s18], $0x80  }
0x9a: {  	s21 =	simm.s32 @p3 $0x13900;
	s22 =	simm.s32 @!p3 $0x4;
	[sflag:s18] =	ssyncset.done @p3 $0x0  }
0x9b: {  	s23 =	simm.s32 @p3 $0x1F900;
	[sflag:s18] =	ssyncadd.s32 @p3 $0xFFFFFF80;
	s18 =	simm.s32 @p3 $0x80  }
0x9c: {  	[tilespmem:s21], [sflag:$0x1] =	stream.indirect.gather @p3 [hbm4b:s1+s18], $0x80, s23, s18, $0xb8;
	[tilespmem:$0x1FC00] =	vst v63  }
0x9d: {  	s21 =	simm.s32 @!p3 $0x7;
	_ =	swait.ge @!p3 [sflag:s22], $0x4000  }
0x9e: {  	s23 =	simm.s32 @!p3 $0x1FA80;
	[sflag:s22] =	ssyncset.done @!p3 $0x0;
	s18 =	rddreg [dreg:$0x9]  }
0x9f: {  	[sflag:s22] =	ssyncadd.s32 @!p3 $0xFFFFC000;
	s18 =	sadd.s32 @!p3 s19, s18;
	s22 =	simm.s32 @!p3 $0x0  }
0xa0: {  	[tilespmem:s23], [sflag:$0xA] =	stream.linear.gather @!p3 [hbm4b:s18+s22], $0x80, $0x38;
	[tilespmem:$0x1FC00] =	vst v63  }
0xa1: {  	_ =	swait.ge @!p3 [sflag:s21], $0x80  }
0xa2: {  	s24 =	simm.s32 @!p3 $0x1F900;
	s18 =	simm.s32 @!p3 $0x13900;
	[sflag:s21] =	ssyncset.done @!p3 $0x0  }
0xa3: {  	s23 =	simm.s32 @!p3 $0x5;
	[sflag:s21] =	ssyncadd.s32 @!p3 $0xFFFFFF80;
	s21 =	simm.s32 @!p3 $0x80  }
0xa4: {  	[tilespmem:s18], [sflag:$0x1] =	stream.indirect.gather @!p3 [hbm4b:s1+s21], $0x80, s24, s21, $0xb8;
	[tilespmem:$0x1FC00] =	vst v63  }
0xa5: {  	_ =	swait.ge @!p3 [sflag:s23], $0x4000  }
0xa6: {  	[sflag:s23] =	ssyncset.done @!p3 $0x0;
	s18 =	rddreg [dreg:$0x8]  }
0xa7: {  	s21 =	simm.s32 @!p3 $0x1FB00;
	[sflag:s23] =	ssyncadd.s32 @!p3 $0xFFFFC000;
	s18 =	sadd.s32 @!p3 s19, s18  }
0xa8: {  	[tilespmem:s21], [sflag:$0xB] =	stream.linear.gather @!p3 [hbm4b:s18+s22], $0x80, $0x38;
	[tilespmem:$0x1FC00] =	vst v63  }
0xa9: {  	_ =	swait.ge [sflag:s9], $0x80  }
0xaa: {  	[sflag:s9] =	ssyncset.done $0x0  }
0xab: {  	s21 =	simm.s32 @!p3 $0x6;
	s23 =	rddreg [dreg:$0xa];
	[sflag:s9] =	ssyncadd.s32 $0xFFFFFF80  }
0xac: {  	[tilespmem:s23], [sflag:$0x2] =	stream.indirect.gather [hbm4b:s1+s10], $0x80, s2, s10, $0xb8;
	[tilespmem:$0x1FC00] =	vst v63  }
0xad: {  	_ =	swait.ge @!p3 [sflag:s21], $0x4000  }
0xae: {  	[sflag:s21] =	ssyncset.done @!p3 $0x0;
	s18 =	rddreg [dreg:$0x7]  }
0xaf: {  	[sflag:s21] =	ssyncadd.s32 @!p3 $0xFFFFC000;
	s18 =	sadd.s32 @!p3 s19, s18;
	s21 =	simm.s32 @!p3 $0x1FB80  }
0xb0: {  	[tilespmem:s21], [sflag:$0xC] =	stream.linear.gather @!p3 [hbm4b:s18+s22], $0x80, $0x38;
	[tilespmem:$0x1FC00] =	vst v63  }
0xb1: {  	_ =	swait.ge [sflag:s11], $0x80  }
0xb2: {  	[sflag:s11] =	ssyncset.done $0x0  }
0xb3: {  	[sflag:s11] =	ssyncadd.s32 $0xFFFFFF80  }
0xb4: {  	[tilespmem:s12], [sflag:$0x3] =	stream.indirect.gather [hbm4b:s1+s10], $0x80, s6, s10, $0xb8;
	[tilespmem:$0x1FC00] =	vst v63  }
0xb5: {  	s18 =	smov.u32 s7;
	_ =	swait.ge [sflag:s13], $0x4000  }
0xb6: {  	s18 =	simm.s32 @p3 $0x0;
	s24 =	rddreg [dreg:$0x4]  }
0xb7: {  	s21 =	sadd.s32 s18, s24  }
0xb8: {  	[sflag:s13] =	ssyncset.done $0x0;
	s21 =	sshrl.u32 s21, $0x3  }
0xb9: {  	[sflag:s13] =	ssyncadd.s32 $0xFFFFC000;
	s21 =	sadd.s32 s5, s21  }
0xba: {  	[tilespmem:s31], [sflag:$0x7] =	stream.linear.gather [hbm4b:s21+s4], $0x80, $0x38;
	[tilespmem:$0x1FC00] =	vst v63  }
0xbb: {  	_ =	swait.ge [sflag:s15], $0x80  }
0xbc: {  	[sflag:s15] =	ssyncset.done $0x0  }
0xbd: {  	[sflag:s15] =	ssyncadd.s32 $0xFFFFFF80  }
0xbe: {  	[spmem:s3] =	stream.indirect.scatter.add.f32 [tilespmem:s28], [sflag:$0x4], $0x80, s0, s10, $0xb8;
	[tilespmem:$0x1FC00] =	vst v63  }
0xbf: {  	_ =	swait.ge [sflag:s16], $0x4000  }
0xc0: {  	s14 =	smov.u32 s20;
	p3 =	seq.s32 s19, $0x4B0;
	[sflag:s16] =	ssyncset.done $0x0  }
0xc1: {  	s19 =	smov.u32 s14;
	s14 =	simm.s32 @p3 $0xB;
	[sflag:s16] =	ssyncadd.s32 $0xFFFFC000  }
0xc2: {  	_ =	swait.ge @p3 [sflag:s14], $0x80  }
0xc3: {  	s22 =	simm.s32 @p3 $0x3;
	s23 =	simm.s32 @p3 $0x1FB00;
	[sflag:s14] =	ssyncset.done @p3 $0x0  }
0xc4: {  	s21 =	simm.s32 @p3 $0x17900;
	[sflag:s14] =	ssyncadd.s32 @p3 $0xFFFFFF80;
	s14 =	simm.s32 @p3 $0x80  }
0xc5: {  	[spmem:s3] =	stream.indirect.scatter.add.f32 @p3 [tilespmem:s21], [sflag:$0x5], $0x80, s23, s14, $0xb8;
	[tilespmem:$0x1FC00] =	vst v63  }
0xc6: {  	_ =	swait.ge @p3 [sflag:s22], $0x4000  }
0xc7: {  	s14 =	rddreg [dreg:$0x5]  }
0xc8: {  	s21 =	simm.s32 @!p3 $0xB;
	s14 =	sadd.s32 @!p3 s18, s14  }
0xc9: {  	s23 =	simm.s32 @!p3 $0x1F980;
	[sflag:s22] =	ssyncset.done @p3 $0x0;
	s14 =	sshrl.u32 @!p3 s14, $0x3  }
0xca: {  	[sflag:s22] =	ssyncadd.s32 @p3 $0xFFFFC000;
	s22 =	simm.s32 @!p3 $0x0;
	s14 =	sadd.s32 @!p3 s5, s14  }
0xcb: {  	[tilespmem:s23], [sflag:$0x8] =	stream.linear.gather @!p3 [hbm4b:s14+s22], $0x80, $0x38;
	[tilespmem:$0x1FC00] =	vst v63  }
0xcc: {  	_ =	swait.ge @!p3 [sflag:s21], $0x80  }
0xcd: {  	s24 =	simm.s32 @!p3 $0x1FB00;
	s14 =	simm.s32 @!p3 $0x17900;
	[sflag:s21] =	ssyncset.done @!p3 $0x0  }
0xce: {  	s23 =	simm.s32 @!p3 $0x3;
	[sflag:s21] =	ssyncadd.s32 @!p3 $0xFFFFFF80;
	s21 =	simm.s32 @!p3 $0x80  }
0xcf: {  	[spmem:s3] =	stream.indirect.scatter.add.f32 @!p3 [tilespmem:s14], [sflag:$0x5], $0x80, s24, s21, $0xb8;
	[tilespmem:$0x1FC00] =	vst v63  }
0xd0: {  	_ =	swait.ge @!p3 [sflag:s23], $0x4000  }
0xd1: {  	s20 =	sadd.s32 $0x30, s20;
	s14 =	rddreg [dreg:$0x6]  }
0xd2: {  	p2 =	sne.s32 s20, $0x4E0;
	s14 =	sadd.s32 @!p3 s18, s14  }
.Ltmp0:
0xd3: {  	[sflag:s23] =	ssyncset.done @!p3 $0x0;
	s14 =	sshrl.u32 @!p3 s14, $0x3;
	(pc) =	sbr.rel @p2 .LBB2_2-.Ltmp0, $4  }
0xd4: {  	[sflag:s23] =	ssyncadd.s32 @!p3 $0xFFFFC000;
	s18 =	simm.s32 @!p3 $0x1FA00;
	s14 =	sadd.s32 @!p3 s5, s14  }
0xd5: {  	[tilespmem:s18], [sflag:$0x9] =	stream.linear.gather @!p3 [hbm4b:s14+s22], $0x80, $0x38;
	[tilespmem:$0x1FC00] =	vst v63  }
0xd6: {  	_ =	swait.ge [sflag:s17], $0x80  }
0xd7: {  	s7 =	sadd.s32 $0x180, s7;
	p3 =	seq.s32 s19, $0x0;
	[sflag:s17] =	ssyncset.done $0x0  }
0xd8: {  	s14 =	simm.s32 @p3 $0x7;
	[sflag:s17] =	ssyncadd.s32 $0xFFFFFF80  }
0xd9: {  	[spmem:s3] =	stream.indirect.scatter.add.f32 [tilespmem:s12], [sflag:$0x6], $0x80, s8, s10, $0xb8;
	[tilespmem:$0x1FC00] =	vst v63  }
0xda: {  	_ =	swait.ge @p3 [sflag:s14], $0x80  }
0xdb: {  	s18 =	simm.s32 @p3 $0x13900;
	s20 =	simm.s32 @!p3 $0x4;
	[sflag:s14] =	ssyncset.done @p3 $0x0  }
0xdc: {  	s21 =	simm.s32 @p3 $0x1F900;
	[sflag:s14] =	ssyncadd.s32 @p3 $0xFFFFFF80;
	s14 =	simm.s32 @p3 $0x80  }
0xdd: {  	[tilespmem:s18], [sflag:$0x1] =	stream.indirect.gather @p3 [hbm4b:s1+s14], $0x80, s21, s14, $0xb8;
	[tilespmem:$0x1FC00] =	vst v63  }
0xde: {  	s18 =	simm.s32 @!p3 $0x7;
	_ =	swait.ge @!p3 [sflag:s20], $0x4000  }
0xdf: {  	s21 =	simm.s32 @!p3 $0x1FA80;
	s14 =	rddreg [dreg:$0x9];
	[sflag:s20] =	ssyncset.done @!p3 $0x0  }
0xe0: {  	[sflag:s20] =	ssyncadd.s32 @!p3 $0xFFFFC000;
	s14 =	sadd.s32 @!p3 s19, s14;
	s20 =	simm.s32 @!p3 $0x0  }
0xe1: {  	[tilespmem:s21], [sflag:$0xA] =	stream.linear.gather @!p3 [hbm4b:s14+s20], $0x80, $0x38;
	[tilespmem:$0x1FC00] =	vst v63  }
0xe2: {  	_ =	swait.ge @!p3 [sflag:s18], $0x80  }
0xe3: {  	s14 =	simm.s32 @!p3 $0x13900;
	[sflag:s18] =	ssyncset.done @!p3 $0x0  }
0xe4: {  	s21 =	simm.s32 @!p3 $0x1F900;
	[sflag:s18] =	ssyncadd.s32 @!p3 $0xFFFFFF80;
	s18 =	simm.s32 @!p3 $0x80  }
0xe5: {  	[tilespmem:s14], [sflag:$0x1] =	stream.indirect.gather @!p3 [hbm4b:s1+s18], $0x80, s21, s18, $0xb8;
	[tilespmem:$0x1FC00] =	vst v63  }
0xe6: {  	s14 =	simm.s32 @!p3 $0x5  }
0xe7: {  	_ =	swait.ge @!p3 [sflag:s14], $0x4000  }
0xe8: {  	s18 =	rddreg [dreg:$0x8];
	[sflag:s14] =	ssyncset.done @!p3 $0x0  }
0xe9: {  	[sflag:s14] =	ssyncadd.s32 @!p3 $0xFFFFC000;
	s14 =	sadd.s32 @!p3 s19, s18;
	s18 =	simm.s32 @!p3 $0x1FB00  }
0xea: {  	[tilespmem:s18], [sflag:$0xB] =	stream.linear.gather @!p3 [hbm4b:s14+s20], $0x80, $0x38;
	[tilespmem:$0x1FC00] =	vst v63  }
0xeb: {  	_ =	swait.ge [sflag:s9], $0x80  }
0xec: {  	[sflag:s9] =	ssyncset.done $0x0  }
0xed: {  	s18 =	simm.s32 @!p3 $0x6;
	s24 =	rddreg [dreg:$0xa];
	[sflag:s9] =	ssyncadd.s32 $0xFFFFFF80  }
0xee: {  	[tilespmem:s24], [sflag:$0x2] =	stream.indirect.gather [hbm4b:s1+s10], $0x80, s2, s10, $0xb8;
	[tilespmem:$0x1FC00] =	vst v63  }
0xef: {  	_ =	swait.ge @!p3 [sflag:s18], $0x4000  }
0xf0: {  	s14 =	rddreg [dreg:$0x7];
	[sflag:s18] =	ssyncset.done @!p3 $0x0  }
0xf1: {  	[sflag:s18] =	ssyncadd.s32 @!p3 $0xFFFFC000;
	s14 =	sadd.s32 @!p3 s19, s14;
	s18 =	simm.s32 @!p3 $0x1FB80  }
0xf2: {  	[tilespmem:s18], [sflag:$0xC] =	stream.linear.gather @!p3 [hbm4b:s14+s20], $0x80, $0x38;
	[tilespmem:$0x1FC00] =	vst v63  }
0xf3: {  	_ =	swait.ge [sflag:s11], $0x80  }
0xf4: {  	[sflag:s11] =	ssyncset.done $0x0  }
0xf5: {  	[sflag:s11] =	ssyncadd.s32 $0xFFFFFF80  }
0xf6: {  	[tilespmem:s12], [sflag:$0x3] =	stream.indirect.gather [hbm4b:s1+s10], $0x80, s6, s10, $0xb8;
	[tilespmem:$0x1FC00] =	vst v63  }
0xf7: {  	_ =	swait.ge [sflag:s13], $0x4000  }
0xf8: {  	s7 =	simm.s32 @p3 $0x0;
	s18 =	rddreg [dreg:$0x4]  }
0xf9: {  	s14 =	sadd.s32 s7, s18  }
0xfa: {  	[sflag:s13] =	ssyncset.done $0x0;
	s14 =	sshrl.u32 s14, $0x3  }
0xfb: {  	[sflag:s13] =	ssyncadd.s32 $0xFFFFC000;
	s14 =	sadd.s32 s5, s14  }
0xfc: {  	[tilespmem:s31], [sflag:$0x7] =	stream.linear.gather [hbm4b:s14+s4], $0x80, $0x38;
	[tilespmem:$0x1FC00] =	vst v63  }
0xfd: {  	_ =	swait.ge [sflag:s15], $0x80  }
0xfe: {  	[sflag:s15] =	ssyncset.done $0x0  }
0xff: {  	[sflag:s15] =	ssyncadd.s32 $0xFFFFFF80  }
0x100: {  	[spmem:s3] =	stream.indirect.scatter.add.f32 [tilespmem:s28], [sflag:$0x4], $0x80, s0, s10, $0xb8;
	[tilespmem:$0x1FC00] =	vst v63  }
0x101: {  	_ =	swait.ge [sflag:s16], $0x4000  }
0x102: {  	p2 =	seq.s32 s19, $0x4B0;
	[sflag:s16] =	ssyncset.done $0x0  }
0x103: {  	s14 =	simm.s32 @p2 $0xB;
	[sflag:s16] =	ssyncadd.s32 $0xFFFFC000  }
0x104: {  	_ =	swait.ge @p2 [sflag:s14], $0x80  }
0x105: {  	s19 =	simm.s32 @p2 $0x3;
	s20 =	simm.s32 @p2 $0x1FB00;
	[sflag:s14] =	ssyncset.done @p2 $0x0  }
0x106: {  	s18 =	simm.s32 @p2 $0x17900;
	[sflag:s14] =	ssyncadd.s32 @p2 $0xFFFFFF80;
	s14 =	simm.s32 @p2 $0x80  }
0x107: {  	[spmem:s3] =	stream.indirect.scatter.add.f32 @p2 [tilespmem:s18], [sflag:$0x5], $0x80, s20, s14, $0xb8;
	[tilespmem:$0x1FC00] =	vst v63  }
0x108: {  	_ =	swait.ge @p2 [sflag:s19], $0x4000  }
0x109: {  	s14 =	rddreg [dreg:$0x5]  }
0x10a: {  	s18 =	simm.s32 @!p2 $0xB;
	s14 =	sadd.s32 @!p2 s7, s14  }
0x10b: {  	s20 =	simm.s32 @!p2 $0x1F980;
	[sflag:s19] =	ssyncset.done @p2 $0x0;
	s14 =	sshrl.u32 @!p2 s14, $0x3  }
0x10c: {  	[sflag:s19] =	ssyncadd.s32 @p2 $0xFFFFC000;
	s19 =	simm.s32 @!p2 $0x0;
	s14 =	sadd.s32 @!p2 s5, s14  }
0x10d: {  	[tilespmem:s20], [sflag:$0x8] =	stream.linear.gather @!p2 [hbm4b:s14+s19], $0x80, $0x38;
	[tilespmem:$0x1FC00] =	vst v63  }
0x10e: {  	_ =	swait.ge @!p2 [sflag:s18], $0x80  }
0x10f: {  	s14 =	simm.s32 @!p2 $0x17900;
	[sflag:s18] =	ssyncset.done @!p2 $0x0  }
0x110: {  	s20 =	simm.s32 @!p2 $0x1FB00;
	[sflag:s18] =	ssyncadd.s32 @!p2 $0xFFFFFF80;
	s18 =	simm.s32 @!p2 $0x80  }
0x111: {  	[spmem:s3] =	stream.indirect.scatter.add.f32 @!p2 [tilespmem:s14], [sflag:$0x5], $0x80, s20, s18, $0xb8;
	[tilespmem:$0x1FC00] =	vst v63  }
0x112: {  	s14 =	simm.s32 @!p2 $0x3  }
0x113: {  	_ =	swait.ge @!p2 [sflag:s14], $0x4000  }
0x114: {  	s18 =	rddreg [dreg:$0x6]  }
0x115: {  	s7 =	sadd.s32 @!p2 s7, s18  }
0x116: {  	[sflag:s14] =	ssyncset.done @!p2 $0x0;
	s7 =	sshrl.u32 @!p2 s7, $0x3  }
0x117: {  	[sflag:s14] =	ssyncadd.s32 @!p2 $0xFFFFC000;
	s14 =	simm.s32 @!p2 $0x1FA00;
	s7 =	sadd.s32 @!p2 s5, s7  }
0x118: {  	[tilespmem:s14], [sflag:$0x9] =	stream.linear.gather @!p2 [hbm4b:s7+s19], $0x80, $0x38;
	[tilespmem:$0x1FC00] =	vst v63  }
0x119: {  	_ =	swait.ge [sflag:s17], $0x80  }
0x11a: {  	[sflag:s17] =	ssyncset.done $0x0  }
0x11b: {  	s19 =	simm.s32 $0x4;
	[sflag:s17] =	ssyncadd.s32 $0xFFFFFF80  }
0x11c: {  	[spmem:s3] =	stream.indirect.scatter.add.f32 [tilespmem:s12], [sflag:$0x6], $0x80, s8, s10, $0xb8;
	[tilespmem:$0x1FC00] =	vst v63  }
0x11d: {  	_ =	swait.ge [sflag:s19], $0x4000  }
0x11e: {  	[sflag:s19] =	ssyncset.done $0x0  }
0x11f: {  	s20 =	simm.s32 $0x5;
	[sflag:s19] =	ssyncadd.s32 $0xFFFFC000  }
0x120: {  	_ =	swait.ge [sflag:s20], $0x4000  }
0x121: {  	[sflag:s20] =	ssyncset.done $0x0  }
0x122: {  	s21 =	simm.s32 $0x6;
	[sflag:s20] =	ssyncadd.s32 $0xFFFFC000  }
0x123: {  	_ =	swait.ge [sflag:s21], $0x4000  }
0x124: {  	[sflag:s21] =	ssyncset.done $0x0  }
0x125: {  	s22 =	simm.s32 $0x7;
	[sflag:s21] =	ssyncadd.s32 $0xFFFFC000  }
0x126: {  	_ =	swait.ge [sflag:s22], $0x80  }
0x127: {  	[sflag:s22] =	ssyncset.done $0x0  }
0x128: {  	s23 =	rddreg [dreg:$0x1e];
	[sflag:s22] =	ssyncadd.s32 $0xFFFFFF80  }
0x129: {  	[tilespmem:s0], [sflag:$0xD] =	stream.linear.gather [hbm4b:s23+s4], $0x80, $0x38;
	[tilespmem:$0x1FC00] =	vst v63  }
0x12a: {  	_ =	swait.ge [sflag:s29], $0x80  }
0x12b: {  	[sflag:s29] =	ssyncset.done $0x0  }
0x12c: {  	[sflag:s29] =	ssyncadd.s32 $0xFFFFFF80  }
0x12d: {  	[tilespmem:s28], [sflag:$0x1] =	stream.indirect.gather [hbm4b:s1+s10], $0x80, s31, s10, $0xb8;
	[tilespmem:$0x1FC00] =	vst v63  }
0x12e: {  	_ =	swait.ge [sflag:s13], $0x4000  }
0x12f: {  	[sflag:s13] =	ssyncset.done $0x0  }
0x130: {  	[sflag:s13] =	ssyncadd.s32 $0xFFFFC000  }
0x131: {  	[spmem:s3] =	stream.indirect.scatter.add.f32 [tilespmem:s28], [sflag:$0xD], $0x80, s0, s10, $0xb8;
	[tilespmem:$0x1FC00] =	vst v63  }
0x132: {  	_ =	swait.ge [sflag:s29], $0x4000  }
0x133: {  	[sflag:s29] =	ssyncset.done $0x0  }
0x134: {  	[sflag:s29] =	ssyncadd.s32 $0xFFFFC000  }
0x135: {  	[bflag:$0x0] =	sbarrier.arrive $0xFFFF  }
0x136: {  	[tilespmem:s28], [sflag:$0xE] =	stream.linear.gather [spmem:s25], $0x4000, $0x38;
	[tilespmem:$0x1FC00] =	vst v63  }
0x137: {  	_ =	swait.ge [sflag:s30], $0x4000  }
0x138: {  	[sflag:s30] =	ssyncset.done $0x0  }
0x139: {  	s24 =	rddreg [dreg:$0xc];
	[sflag:s30] =	ssyncadd.s32 $0xFFFFC000  }
0x13a: {  	[hbm4b:s24+s4] =	stream.linear.scatter [tilespmem:s28], [sflag:$0xE], $0x4000, $0x38;
	[tilespmem:$0x1FC00] =	vst v63  }
0x13b: {  	_ =	swait.ge [sflag:s30], $0x4000  }
0x13c: {  	[sflag:s30] =	ssyncset.done $0x0  }
0x13d: {  	s23 =	rddreg [dreg:$0x1a];
	[sflag:s30] =	ssyncadd.s32 $0xFFFFC000  }
0x13e: {  	[tilespmem:s28], [sflag:$0xE] =	stream.linear.gather [spmem:s23], $0x4000, $0x38;
	[tilespmem:$0x1FC00] =	vst v63  }
0x13f: {  	_ =	swait.ge [sflag:s30], $0x4000  }
0x140: {  	[sflag:s30] =	ssyncset.done $0x0  }
0x141: {  	s20 =	smov.u32 s25;
	s25 =	rddreg [dreg:$0xd];
	[sflag:s30] =	ssyncadd.s32 $0xFFFFC000  }
0x142: {  	[hbm4b:s25+s4] =	stream.linear.scatter [tilespmem:s28], [sflag:$0xE], $0x4000, $0x38;
	[tilespmem:$0x1FC00] =	vst v63  }
0x143: {  	_ =	swait.ge [sflag:s30], $0x4000  }
0x144: {  	[sflag:s30] =	ssyncset.done $0x0  }
0x145: {  	s24 =	rddreg [dreg:$0x1b];
	[sflag:s30] =	ssyncadd.s32 $0xFFFFC000  }
0x146: {  	[tilespmem:s28], [sflag:$0xE] =	stream.linear.gather [spmem:s24], $0x4000, $0x38;
	[tilespmem:$0x1FC00] =	vst v63  }
0x147: {  	_ =	swait.ge [sflag:s30], $0x4000  }
0x148: {  	[sflag:s30] =	ssyncset.done $0x0  }
0x149: {  	s14 =	rddreg [dreg:$0xe];
	[sflag:s30] =	ssyncadd.s32 $0xFFFFC000  }
0x14a: {  	[hbm4b:s14+s4] =	stream.linear.scatter [tilespmem:s28], [sflag:$0xE], $0x4000, $0x38;
	[tilespmem:$0x1FC00] =	vst v63  }
0x14b: {  	_ =	swait.ge [sflag:s30], $0x4000  }
0x14c: {  	[sflag:s30] =	ssyncset.done $0x0  }
0x14d: {  	s21 =	rddreg [dreg:$0x1c];
	[sflag:s30] =	ssyncadd.s32 $0xFFFFC000  }
0x14e: {  	[tilespmem:s28], [sflag:$0xE] =	stream.linear.gather [spmem:s21], $0x4000, $0x38;
	[tilespmem:$0x1FC00] =	vst v63  }
0x14f: {  	_ =	swait.ge [sflag:s30], $0x4000  }
0x150: {  	[sflag:s30] =	ssyncset.done $0x0  }
0x151: {  	s18 =	rddreg [dreg:$0xf];
	[sflag:s30] =	ssyncadd.s32 $0xFFFFC000  }
0x152: {  	[hbm4b:s18+s4] =	stream.linear.scatter [tilespmem:s28], [sflag:$0xE], $0x4000, $0x38;
	[tilespmem:$0x1FC00] =	vst v63  }
0x153: {  	_ =	swait.ge [sflag:s30], $0x4000  }
0x154: {  	s7 =	simm.s32 @p0 $0x13900;
	[sflag:s30] =	ssyncset.done $0x0  }
0x155: {  	s14 =	simm.s32 @p0 $0xE;
	s25 =	rddreg [dreg:$0x1d];
	[sflag:s30] =	ssyncadd.s32 $0xFFFFC000  }
0x156: {  	[tilespmem:s7], [sflag:$0xE] =	stream.linear.gather @p0 [spmem:s25], $0x4000, $0x38;
	[tilespmem:$0x1FC00] =	vst v63  }
0x157: {  	_ =	swait.ge @p0 [sflag:s14], $0x4000  }
0x158: {  	[sflag:s14] =	ssyncset.done @p0 $0x0  }
0x159: {  	s18 =	simm.s32 @p0 $0x0;
	s19 =	rddreg [dreg:$0x10];
	[sflag:s14] =	ssyncadd.s32 @p0 $0xFFFFC000  }
0x15a: {  	[hbm4b:s19+s18] =	stream.linear.scatter @p0 [tilespmem:s7], [sflag:$0xE], $0x4000, $0x38;
	[tilespmem:$0x1FC00] =	vst v63  }
0x15b: {  	_ =	swait.ge @p0 [sflag:s14], $0x4000  }
0x15c: {  	s7 =	simm.s32 @!p1 $0x17900;
	[sflag:s14] =	ssyncset.done @p0 $0x0  }
0x15d: {  	s22 =	rddreg [dreg:$0x19];
	[sflag:s14] =	ssyncadd.s32 @p0 $0xFFFFC000;
	s14 =	simm.s32 @!p1 $0xE  }
0x15e: {  	[tilespmem:s7], [sflag:$0xE] =	stream.linear.gather @!p1 [spmem:s22], $0x800, $0x38;
	[tilespmem:$0x1FC00] =	vst v63  }
0x15f: {  	_ =	swait.ge @!p1 [sflag:s14], $0x800  }
0x160: {  	[sflag:s14] =	ssyncset.done @!p1 $0x0  }
0x161: {  	s18 =	rddreg [dreg:$0x17];
	[sflag:s14] =	ssyncadd.s32 @!p1 $0xFFFFF800;
	s14 =	simm.s32 @!p1 $0x0  }
0x162: {  	[hbm4b:s18+s14] =	stream.linear.scatter @!p1 [tilespmem:s7], [sflag:$0xD], $0x800, $0x38;
	[tilespmem:$0x1FC00] =	vst v63  }
0x163: {  	s7 =	simm.s32 @!p1 $0xD  }
0x164: {  	_ =	swait.ge @!p1 [sflag:s7], $0x800  }
0x165: {  	s26 =	sadd.s32 $0x1, s26;
	s19 =	rddreg [dreg:$0x18]  }
0x166: {  	p2 =	sne.s32 s26, s19  }
.Ltmp1:
0x167: {  	_ = 	snop;
	(pc) =	sbr.rel @p2 .LBB2_1-.Ltmp1, $3  }
0x168: {  	_ =	sdelay $0x1  }
0x169: {  	[sflag:s7] =	ssyncset.done @!p1 $0x0  }
0x16a: {  	s14 =	smov.u32 s25;
	[sflag:s7] =	ssyncadd.s32 @!p1 $0xFFFFF800  }
0x16b: {  	_ =	sfence.sel $0x180000  }
0x16c: {  	[bflag:$0x0] =	sbarrier.arrive $0xFFFF  }
0x16d: {  	_ =	strace $0x9000004D  }
0x16e: {  	s0 =	stileid.u32;
	[bflag:$0x2] =	sbarrier.arrive $0xFFFF  }
0x16f: {  	p0 =	sne.s32 s0, $0x0;
	s0 =	rddreg [dreg:$0x3]  }
0x170: {  	s0 =	sadd.s32 @!p0 $0x100000, s0  }
0x171: {  	[sflag:s0] =	ssyncadd.tile.s32 @!p0 $0x1;
	_ =	shalt  }
.Lfunc_end2:
_tile_overlayer_lowered:
.L_overlay_start_2:
0x172: {  	(tag) =	ssettag $0x2  }
0x173: {  	s0 =	rddreg [dreg:$0x0];
	s2 =	stileid.u32  }
0x174: {  	s1 =	rddreg [dreg:$0x1];
	p0 =	sne.s32 s2, $0x0  }
0x175: {  	s3 =	rddreg [dreg:$0x2];
	[bflag:$0x3] =	sbarrier.arrive $0xFFFF;
	s2 =	simm.s32 @!p0 $0x1C0D  }
0x176: {  	[timem:s3], [sflag:s2] =	dma.local @!p0 [hbm:s0], s1  }
0x177: {  	s0 =	simm.s32 @!p0 $0xD  }
0x178: {  	_ =	swait.ge @!p0 [sflag:s0], s1  }
0x179: {  	s1 =	ssub.s32 @!p0 $0x0, s1;
	[sflag:s0] =	ssyncset.done @!p0 $0x0  }
0x17a: {  	[sflag:s0] =	ssyncadd.s32 @!p0 s1  }
0x17b: {  	[bflag:$0x3] =	sbarrier.arrive $0xFFFF  }
0x17c: {  	_ =	shalt  }

// kernel: kernel.9.cloned.1.call-start
scs
__scs_entry_jumppad:
0x0: {  	(pc) =	sbr.rel $0x88, $3  }
0x1: {  	(tag) =	ssettag $0x0;
	lr =	simm.s32 $0x1  }
0x2: {  	[smem:$0x3F9B] =	sst lr;
	_ =	strace $0xD0000000  }
0x3: {  	_ = 	snop  }
0x4: {  	_ = 	snop  }
0x5: {  	_ = 	snop  }
0x6: {  	_ = 	snop  }
0x7: {  	_ = 	snop  }
__scs_overlays_trampoline_lowered:
0x8: {  	[smem:$0x3FAA] =	sst s0  }
0x9: {  	[smem:$0x3FAB] =	sst s1  }
0xa: {  	[smem:$0x3FAC] =	sst s2  }
0xb: {  	[smem:$0x3FAD] =	sst s3  }
0xc: {  	[smem:$0x3FAE] =	sst s4  }
0xd: {  	[smem:$0x3FAF] =	sst s5  }
0xe: {  	[smem:$0x3FB0] =	sst s6  }
0xf: {  	[smem:$0x3FB1] =	sst s7  }
0x10: {  	[smem:$0x3FB2] =	sst s8  }
0x11: {  	[smem:$0x3FB3] =	sst s9;
	s0 =	simm.s32 @!p0 $0x0  }
0x12: {  	s1 =	sld [smem:$0x3F99];
	s0 =	simm.s32 @p0 $0x1  }
0x13: {  	[smem:$0x3FB4] =	sst s0;
	s0 =	simm.s32 @!p1 $0x0  }
0x14: {  	s2 =	sld [smem:$0x3F98];
	s0 =	simm.s32 @p1 $0x1  }
0x15: {  	[smem:$0x3FB5] =	sst s0;
	s0 =	simm.s32 @!p2 $0x0  }
0x16: {  	s3 =	sld [smem:$0x3FDB];
	s0 =	simm.s32 @p2 $0x1  }
0x17: {  	s4 =	simm.s32 $0x1BF5;
	[smem:$0x3FB7] =	sst s0  }
0x18: {  	s0 =	sld [smem:$0x3F9A];
	_ =	swait.ge [sflag:s4], $0x0  }
0x19: {  	s7 =	sld [smem:$0x3F9B]  }
0x1a: {  	s8 =	sadd.s32 $0xFFFFE003, lr  }
0x1b: {  	s9 =	sadd.s32 $0xFFFFFEF7, lr;
	s5 =	simm.s32 $0xFFFFFFFF;
	p2 =	slt.u32 s8, $0xFFFFF086  }
0x1c: {  	p1 =	slt.u32 s9, $0xF7A;
	s5 =	simm.s32 @!p2 $0x0  }
0x1d: {  	s5 =	simm.s32 @p1 $0x1;
	p0 =	seq.s32 s7, s2  }
0x1e: {  	s7 =	smul.u32 @!p0 $0xF7A, s2;
	p2 =	seq.s32 @!p0 s5, $0x0  }
0x1f: {  	s9 =	smul.u32 $0xF7A, s1;
	s8 =	simm.s32 @!p0 $0x1BF5;
	p2 =	por !p2, p0  }
0x20: {  	[sflag:s8] =	ssyncset.s32 @!p0 $0xFFFFF086;
	s6 =	sadd.s32 @!p0 s3, s7;
	s7 =	simm.s32 @!p0 $0x108  }
0x21: {  	s3 =	sadd.s32 s3, s9;
	s6 =	sadd.s32 @!p0 $0x88, s6;
	s7 =	simm.s32 @p2 $0x1082  }
0x22: {  	[simem:s7], [sflag:s8] =	dma.local @!p0 [hbm:s6], $0xF7A  }
0x23: {  	s9 =	sor.u32 $0xD0000000, s2;
	s6 =	simm.s32 $0x108;
	_ =	swait.ge @!p0 [sflag:s8], $0x0  }
0x24: {  	s3 =	sadd.s32 $0x88, s3;
	s6 =	simm.s32 @!p1 $0x1082;
	[sflag:s4] =	ssyncset.s32 $0xFFFFF086  }
0x25: {  	[simem:s6], [sflag:s4] =	dma.local [hbm:s3], $0xF7A  }
0x26: {  	[smem:$0x3F9B] =	sst s1;
	(tag) =	ssettag s2;
	_ =	strace s9  }
0x27: {  	s1 =	sld [smem:$0x3FAB]  }
0x28: {  	s2 =	sld [smem:$0x3FAC]  }
0x29: {  	s4 =	sld [smem:$0x3FAE]  }
0x2a: {  	p0 =	seq.s32 s5, $0x0;
	s5 =	sld [smem:$0x3FAF]  }
0x2b: {  	s6 =	sld [smem:$0x3FB0]  }
0x2c: {  	s7 =	sld [smem:$0x3FB1]  }
0x2d: {  	s3 =	simm.s32 $0x108;
	s8 =	sld [smem:$0x3FB2]  }
0x2e: {  	s3 =	simm.s32 @!p0 $0x1082;
	s9 =	sld [smem:$0x3FB3]  }
0x2f: {  	lr =	sadd.s32 s0, s3;
	s0 =	sld [smem:$0x3FAA]  }
0x30: {  	s3 =	sld [smem:$0x3FAD]  }
0x31: {  	[smem:$0x3FB6] =	sst s10  }
0x32: {  	s10 =	sld [smem:$0x3FB4];
	_ =	sdelay $0x3  }
0x33: {  	p0 =	seq.s32 s10, $0x1;
	s10 =	sld [smem:$0x3FB6];
	_ =	sdelay $0x3  }
0x34: {  	[smem:$0x3FB6] =	sst s10  }
0x35: {  	s10 =	sld [smem:$0x3FB5];
	_ =	sdelay $0x3  }
0x36: {  	p1 =	seq.s32 s10, $0x1;
	s10 =	sld [smem:$0x3FB6];
	_ =	sdelay $0x3  }
0x37: {  	[smem:$0x3FB6] =	sst s10  }
0x38: {  	s10 =	sld [smem:$0x3FB7]  }
0x39: {  	_ = 	snop;
	(pc) =	sbr.ind lr, $3  }
0x3a: {  	_ = 	snop  }
0x3b: {  	_ = 	snop  }
0x3c: {  	p2 =	seq.s32 s10, $0x1;
	s10 =	sld [smem:$0x3FB6]  }
0x3d: {  	_ =	shalt  }
0x3e: {  	_ =	shalt  }
0x3f: {  	_ =	shalt  }
0x40: {  	_ =	shalt  }
0x41: {  	_ =	shalt  }
0x42: {  	_ =	shalt  }
0x43: {  	_ =	shalt  }
0x44: {  	_ =	shalt  }
0x45: {  	_ =	shalt  }
0x46: {  	_ =	shalt  }
0x47: {  	_ =	shalt  }
0x48: {  	_ =	shalt  }
0x49: {  	_ =	shalt  }
0x4a: {  	_ =	shalt  }
0x4b: {  	_ =	shalt  }
0x4c: {  	_ =	shalt  }
0x4d: {  	_ =	shalt  }
0x4e: {  	_ =	shalt  }
0x4f: {  	_ =	shalt  }
0x50: {  	_ =	shalt  }
0x51: {  	_ =	shalt  }
0x52: {  	_ =	shalt  }
0x53: {  	_ =	shalt  }
0x54: {  	_ =	shalt  }
0x55: {  	_ =	shalt  }
0x56: {  	_ =	shalt  }
0x57: {  	_ =	shalt  }
0x58: {  	_ =	shalt  }
0x59: {  	_ =	shalt  }
0x5a: {  	_ =	shalt  }
0x5b: {  	_ =	shalt  }
0x5c: {  	_ =	shalt  }
0x5d: {  	_ =	shalt  }
0x5e: {  	_ =	shalt  }
0x5f: {  	_ =	shalt  }
0x60: {  	_ =	shalt  }
0x61: {  	_ =	shalt  }
0x62: {  	_ =	shalt  }
0x63: {  	_ =	shalt  }
0x64: {  	_ =	shalt  }
0x65: {  	_ =	shalt  }
0x66: {  	_ =	shalt  }
0x67: {  	_ =	shalt  }
0x68: {  	_ =	shalt  }
0x69: {  	_ =	shalt  }
0x6a: {  	_ =	shalt  }
0x6b: {  	_ =	shalt  }
0x6c: {  	_ =	shalt  }
0x6d: {  	_ =	shalt  }
0x6e: {  	_ =	shalt  }
0x6f: {  	_ =	shalt  }
0x70: {  	_ =	shalt  }
0x71: {  	_ =	shalt  }
0x72: {  	_ =	shalt  }
0x73: {  	_ =	shalt  }
0x74: {  	_ =	shalt  }
0x75: {  	_ =	shalt  }
0x76: {  	_ =	shalt  }
0x77: {  	_ =	shalt  }
0x78: {  	_ =	shalt  }
0x79: {  	_ =	shalt  }
0x7a: {  	_ =	shalt  }
0x7b: {  	_ =	shalt  }
0x7c: {  	_ =	shalt  }
0x7d: {  	_ =	shalt  }
0x7e: {  	_ =	shalt  }
0x7f: {  	_ =	shalt  }
0x80: {  	_ =	shalt  }
0x81: {  	_ =	shalt  }
0x82: {  	_ =	shalt  }
0x83: {  	_ =	shalt  }
0x84: {  	_ =	shalt  }
0x85: {  	_ =	shalt  }
0x86: {  	_ =	shalt  }
0x87: {  	_ =	shalt  }
.Lfunc_end0:
.L_simem_size_0:
called_computation_lowered:
.L_overlay_start_0:
0x88: {  	s2 =	sld [smem:$0x3FD9]  }
0x89: {  	s3 =	sld [smem:$0x3FFE];
	_ =	sdelay $0x1  }
0x8a: {  	s1 =	srdreg.scid  }
0x8b: {  	s0 =	sand.u32 $0x1, s1  }
0x8c: {  	s17 =	sshll.u32 s0, $0xA;
	s2 =	sadd.s32 s3, s2  }
0x8d: {  	s2 =	sadd.s32 s2, s17  }
0x8e: {  	[smem:$0x3FC2] =	sst s2  }
0x8f: {  	_ = 	snop  }
0x90: {  	s2 =	sld [smem:$0x3FD0];
	(tm) =	ssettm $0x1  }
0x91: {  	s18 =	sld [smem:$0x3FFB];
	_ =	sdelay $0x3  }
0x92: {  	_ =	strace s18  }
0x93: {  	s3 =	sld [smem:$0x3FFC];
	_ =	sdelay $0x3  }
0x94: {  	_ =	strace s3  }
0x95: {  	s3 =	sld [smem:$0x3FFD];
	_ =	sdelay $0x3  }
0x96: {  	_ =	strace s3  }
0x97: {  	_ =	strace $0x8FFFFFFF  }
0x98: {  	s19 =	sld [smem:$0x3FDB];
	_ =	sdelay $0x1  }
0x99: {  	s4 =	simm.s32 $_scs_section_size  }
0x9a: {  	s5 =	simm.s32 $_size__tile_overlayer_lowered;
	s6 =	simm.s32 $_tile_overlayer_lowered  }
0x9b: {  	s22 =	simm.s32 $0x1BFF;
	s21 =	sshll.u32 s6, $0x1;
	s3 =	sadd.s32 s4, s19  }
0x9c: {  	s7 =	simm.s32 $0x0;
	s20 =	sshll.u32 s5, $0x1;
	s5 =	sadd.s32 s21, s3  }
0x9d: {  	[timem:s7], [sflag:s22] =	dma.local [hbm:s5], s20  }
0x9e: {  	_ =	swait.ge [sflag:s22], s20  }
0x9f: {  	s4 =	ssub.s32 $0x0, s20;
	[sflag:s22] =	ssyncset.done $0x0  }
0xa0: {  	[sflag:s22] =	ssyncadd.s32 s4;
	_ =	sdelay $0x1  }
0xa1: {  	s23 =	simm.s32 $0x1B8B  }
0xa2: {  	_ =	swait.ge [sflag:s23], $0x1  }
0xa3: {  	[sflag:s23] =	ssyncset.done $0x0  }
0xa4: {  	s25 =	simm.s32 $0x1B8E;
	s24 =	sld [smem:$0x3FFE];
	[sflag:s23] =	ssyncadd.s32 $0xFFFFFFFF  }
0xa5: {  	s26 =	simm.s32 $execute0_lowered;
	[smem:$0x3FD2] =	sst s25  }
0xa6: {  	s5 =	sshll.u32 s26, $0x1;
	_ =	strace $0x80000046;
	[dreg:$0x1] =	wrdreg $0xFFFFFFFF  }
0xa7: {  	s28 =	simm.s32 $_size_execute0_lowered;
	s3 =	sadd.s32 s3, s5;
	[dreg:$0x0] =	wrdreg $0x0  }
0xa8: {  	s5 =	sshll.u32 s28, $0x1;
	[dreg:$0x2] =	wrdreg s3  }
0xa9: {  	[dreg:$0x3] =	wrdreg s5  }
0xaa: {  	[dreg:$0x4] =	wrdreg $0xC0  }
0xab: {  	_ =	task [dreg:s7], $0x5FFFF  }
0xac: {  	[dreg:$0x1] =	wrdreg $0xFFFFFFFF  }
0xad: {  	[dreg:$0x0] =	wrdreg $0x60  }
0xae: {  	[dreg:$0x2] =	wrdreg s24  }
0xaf: {  	[dreg:$0x3] =	wrdreg s2  }
0xb0: {  	[dreg:$0x4] =	wrdreg $0x3000  }
0xb1: {  	[dreg:$0x5] =	wrdreg $0x9  }
0xb2: {  	_ =	task.clear_ibuf [dreg:s7], $0x6FFFF;
	_ =	strace $0x90000046  }
0xb3: {  	s29 =	simm.s32 $0x9;
	_ =	strace $0x80000048  }
0xb4: {  	_ =	swait.ge [sflag:s29], $0x1  }
0xb5: {  	[sflag:s29] =	ssyncadd.s32 $0xFFFFFFFF  }
0xb6: {  	_ =	strace $0x90000048  }
0xb7: {  	_ =	sfence  }
0xb8: {  	s30 =	sld [smem:$0x0];
	_ =	sdelay $0x2  }
0xb9: {  	s31 =	sshll.u32 s1, $0xD;
	s1 =	sshrl.u32 s1, $0x2  }
0xba: {  	s3 =	sand.u32 $0x4000, s31;
	s1 =	sadd.s32 s1, s30  }
0xbb: {  	s0 =	sor.u32 s3, s0;
	s1 =	sshll.u32 s1, $0x11  }
0xbc: {  	s0 =	sor.u32 s1, s0  }
0xbd: {  	s0 =	sadd.s32 $0x8F2B, s0  }
0xbe: {  	[sflag:s0] =	ssyncadd.remote.s32 $0x1  }
0xbf: {  	_ =	sfence.sel $0xFFFF  }
0xc0: {  	[dreg:$0x0] =	wrdreg $0xFFFFFFFF;
	(pc) =	sbr.abs _section_cstart, $3  }
0xc1: {  	[dreg:$0x1] =	wrdreg $0xFFFFFFFF  }
0xc2: {  	_ =	task.clear_ibuf [dreg:s7], $0x2FFFF;
	_ =	strace $0x9FFFFFFF  }
0xc3: {  	(tm) =	ssettm $0x7FFFFFFF  }
tec
execute0_lowered:
.L_overlay_start_1:
0x0: {  	(tag) =	ssettag $0x1  }
0x1: {  	s0 =	rddreg [dreg:$0x0]  }
0x2: {  	s1 =	rddreg [dreg:$0x1]  }
0x3: {  	s2 =	rddreg [dreg:$0x2]  }
0x4: {  	s4 =	srdreg.scid;
	s11 =	stileid.u32;
	s3 =	simm.s32 $0x0  }
0x5: {  	s5 =	sand.u32 $0x1, s4;
	s20 =	sshll.u32 s11, $0x1;
	s21 =	smul.u32 $0xA00, s11  }
0x6: {  	[smem:$0x7FF] =	sst s3;
	s7 =	sadd.s32 $0xC800, s0;
	s26 =	smul.u32 $0x280, s11  }
0x7: {  	s14 =	smul.u32 $0x4F00, s11;
	s4 =	sor.u32 s5, s20;
	_ =	strace $0x80000047  }
0x8: {  	[dreg:$0x4] =	wrdreg s7;
	s22 =	ssub.s32 $0x2, s5;
	s6 =	smul.u32 $0x2780, s4  }
0x9: {  	s4 =	sadd.s32 $0x2A00, s0;
	s0 =	sadd.s32 $0xCA00, s0;
	s8 =	sshrl.u32 s22, $0x1  }
0xa: {  	s9 =	sshrl.u32 s21, $0x2;
	s15 =	sadd.s32 s26, s2;
	[dreg:$0x5] =	wrdreg s0  }
0xb: {  	s0 =	ssub.s32 s22, s8;
	s8 =	sadd.s32 s9, s2;
	s9 =	sadd.s32 $0xA0, s15  }
0xc: {  	p0 =	seq.s32 s11, $0xF;
	s11 =	sadd.s32 $0xF0, s15;
	[dreg:$0x16] =	wrdreg s9  }
0xd: {  	s0 =	smax.u32 s0, $0x1;
	[dreg:$0x18] =	wrdreg s11  }
0xe: {  	s17 =	sadd.s32 $0x50, s8;
	[dreg:$0xc] =	wrdreg s0  }
0xf: {  	s28 =	simm.s32 $0x200;
	s18 =	sadd.s32 $0xA0, s8;
	[dreg:$0xd] =	wrdreg s17  }
0x10: {  	s16 =	smul.u32 $0x2780, s5;
	s19 =	sadd.s32 $0xF0, s8;
	[dreg:$0xe] =	wrdreg s18  }
0x11: {  	s6 =	sshrl.u32 s6, $0x3;
	s20 =	sadd.s32 $0x140, s8;
	[dreg:$0xf] =	wrdreg s19  }
0x12: {  	s29 =	simm.s32 $0x280;
	s23 =	sadd.s32 s4, s6;
	[dreg:$0x10] =	wrdreg s20  }
0x13: {  	s0 =	sadd.s32 s16, s14;
	s16 =	sadd.s32 $0x190, s15;
	[dreg:$0x1f] =	wrdreg s23  }
0x14: {  	s30 =	simm.s32 $0x1;
	s18 =	sadd.s32 $0x1E0, s15;
	[dreg:$0x1c] =	wrdreg s16  }
0x15: {  	s31 =	simm.s32 $0x2;
	s20 =	sadd.s32 $0x230, s15;
	[dreg:$0x1e] =	wrdreg s18  }
0x16: {  	s13 =	smul.u32 $0x2710, s5;
	s6 =	sadd.s32 $0x10, s23;
	[smem:$0x7FC] =	sst s20  }
0x17: {  	s9 =	simm.s32 $0x7;
	s24 =	sadd.s32 $0x20, s23;
	[dreg:$0x6] =	wrdreg s6  }
0x18: {  	s11 =	simm.s32 $0xA;
	s25 =	sadd.s32 $0x30, s23;
	[dreg:$0x7] =	wrdreg s24  }
0x19: {  	s10 =	sadd.s32 $0x4C0, s23;
	s12 =	sadd.s32 $0x4D0, s23;
	[dreg:$0x8] =	wrdreg s25  }
0x1a: {  	s22 =	sadd.s32 $0x380, s0;
	s18 =	simm.s32 $0x80;
	[dreg:$0x9] =	wrdreg s10  }
0x1b: {  	s20 =	simm.s32 $0x100;
	[dreg:$0xa] =	wrdreg s12;
	s10 =	sadd.s32 $0x4E0, s23  }
0x1c: {  	s6 =	sadd.s32 s26, s13;
	s23 =	sadd.s32 $0x300, s0;
	s26 =	sadd.s32 $0x190, s8  }
0x1d: {  	s13 =	sadd.s32 $0x140, s15;
	[dreg:$0xb] =	wrdreg s10;
	s21 =	sshrl.u32 s6, $0x3  }
0x1e: {  	s5 =	sshrl.u32 s23, $0x3;
	[dreg:$0x11] =	wrdreg s26;
	s6 =	sadd.s32 $0x50, s15  }
0x1f: {  	[dreg:$0x1a] =	wrdreg s13;
	s21 =	sadd.s32 s1, s21;
	s1 =	sshrl.u32 s22, $0x3  }
0x20: {  	s23 =	sadd.s32 s5, s4;
	s5 =	sadd.s32 $0x230, s8;
	[dreg:$0x14] =	wrdreg s6  }
0x21: {  	s22 =	sadd.s32 s1, s4;
	s1 =	sadd.s32 $0x1E0, s8;
	[dreg:$0x13] =	wrdreg s5  }
0x22: {  	s24 =	sadd.s32 $0x280, s0;
	s7 =	sadd.s32 $0xA, s21;
	[dreg:$0x12] =	wrdreg s1  }
0x23: {  	s25 =	sshrl.u32 s24, $0x3;
	s10 =	sadd.s32 $0x14, s21;
	[dreg:$0x15] =	wrdreg s7  }
0x24: {  	s24 =	sadd.s32 s25, s4;
	s12 =	sadd.s32 $0x1E, s21;
	[dreg:$0x17] =	wrdreg s10  }
0x25: {  	s25 =	sadd.s32 $0x200, s0;
	s14 =	sadd.s32 $0x28, s21;
	[dreg:$0x19] =	wrdreg s12  }
0x26: {  	s0 =	simm.s32 $0x3;
	s17 =	sadd.s32 $0x32, s21;
	[dreg:$0x1b] =	wrdreg s14  }
0x27: {  	s6 =	simm.s32 $0x6;
	s19 =	sadd.s32 $0x3C, s21;
	[dreg:$0x1d] =	wrdreg s17  }
0x28: {  	s26 =	sadd.s32 $0x46, s21;
	s5 =	simm.s32 $0x5;
	[smem:$0x7FB] =	sst s19  }
0x29: {  	[smem:$0x7FD] =	sst s26;
	s19 =	simm.s32 $0x9;
	s26 =	simm.s32 $0x180  }
0x2a: {  	s1 =	simm.s32 $0x4;
	s10 =	simm.s32 $0x8;
	s12 =	simm.s32 $0x0  }
.LBB2_1:
0x2b: {  	s13 =	rddreg [dreg:$0x4]  }
0x2c: {  	[tilespmem:s18], [sflag:$0x9] =	stream.linear.gather [hbm4b:s13+s3], $0x80, $0x38;
	[tilespmem:$0x580] =	vst v63  }
0x2d: {  	_ =	swait.ge [sflag:s19], $0x80  }
0x2e: {  	[sflag:s19] =	ssyncset.done $0x0  }
0x2f: {  	[sflag:s19] =	ssyncadd.s32 $0xFFFFFF80  }
0x30: {  	[spmem:s8] =	stream.linear.scatter [tilespmem:s18], [sflag:$0x9], $0x50, $0x38;
	[tilespmem:$0x580] =	vst v63  }
0x31: {  	_ =	swait.ge [sflag:s19], $0x50  }
0x32: {  	[sflag:s19] =	ssyncset.done $0x0  }
0x33: {  	s7 =	rddreg [dreg:$0xd];
	[sflag:s19] =	ssyncadd.s32 $0xFFFFFFB0  }
0x34: {  	[spmem:s7] =	stream.linear.scatter [tilespmem:s18], [sflag:$0x9], $0x50, $0x38;
	[tilespmem:$0x580] =	vst v63  }
0x35: {  	_ =	swait.ge [sflag:s19], $0x50  }
0x36: {  	[sflag:s19] =	ssyncset.done $0x0  }
0x37: {  	s14 =	rddreg [dreg:$0xe];
	[sflag:s19] =	ssyncadd.s32 $0xFFFFFFB0  }
0x38: {  	[spmem:s14] =	stream.linear.scatter [tilespmem:s18], [sflag:$0x9], $0x50, $0x38;
	[tilespmem:$0x580] =	vst v63  }
0x39: {  	_ =	swait.ge [sflag:s19], $0x50  }
0x3a: {  	[sflag:s19] =	ssyncset.done $0x0  }
0x3b: {  	s16 =	rddreg [dreg:$0xf];
	[sflag:s19] =	ssyncadd.s32 $0xFFFFFFB0  }
0x3c: {  	[spmem:s16] =	stream.linear.scatter [tilespmem:s18], [sflag:$0x9], $0x50, $0x38;
	[tilespmem:$0x580] =	vst v63  }
0x3d: {  	_ =	swait.ge [sflag:s19], $0x50  }
0x3e: {  	[sflag:s19] =	ssyncset.done $0x0  }
0x3f: {  	s17 =	rddreg [dreg:$0x10];
	[sflag:s19] =	ssyncadd.s32 $0xFFFFFFB0  }
0x40: {  	[spmem:s17] =	stream.linear.scatter [tilespmem:s18], [sflag:$0x9], $0x50, $0x38;
	[tilespmem:$0x580] =	vst v63  }
0x41: {  	_ =	swait.ge [sflag:s19], $0x50  }
0x42: {  	[sflag:s19] =	ssyncset.done $0x0  }
0x43: {  	s13 =	simm.s32 @!p0 $0x80;
	s14 =	rddreg [dreg:$0x11];
	[sflag:s19] =	ssyncadd.s32 $0xFFFFFFB0  }
0x44: {  	[spmem:s14] =	stream.linear.scatter @!p0 [tilespmem:s13], [sflag:$0x9], $0x50, $0x38;
	[tilespmem:$0x580] =	vst v63  }
0x45: {  	s14 =	simm.s32 @!p0 $0x9  }
0x46: {  	_ =	swait.ge @!p0 [sflag:s14], $0x50  }
0x47: {  	[sflag:s14] =	ssyncset.done @!p0 $0x0  }
0x48: {  	s16 =	rddreg [dreg:$0x12];
	[sflag:s14] =	ssyncadd.s32 @!p0 $0xFFFFFFB0  }
0x49: {  	[spmem:s16] =	stream.linear.scatter @!p0 [tilespmem:s13], [sflag:$0x9], $0x50, $0x38;
	[tilespmem:$0x580] =	vst v63  }
0x4a: {  	_ =	swait.ge @!p0 [sflag:s14], $0x50  }
0x4b: {  	[sflag:s14] =	ssyncset.done @!p0 $0x0  }
0x4c: {  	s16 =	rddreg [dreg:$0x13];
	[sflag:s14] =	ssyncadd.s32 @!p0 $0xFFFFFFB0  }
0x4d: {  	[spmem:s16] =	stream.linear.scatter @!p0 [tilespmem:s13], [sflag:$0x9], $0x50, $0x38;
	[tilespmem:$0x580] =	vst v63  }
0x4e: {  	_ =	swait.ge @!p0 [sflag:s14], $0x50  }
0x4f: {  	[sflag:s14] =	ssyncset.done @!p0 $0x0  }
0x50: {  	s7 =	rddreg [dreg:$0x5];
	[sflag:s14] =	ssyncadd.s32 @!p0 $0xFFFFFFB0  }
0x51: {  	[tilespmem:s3], [sflag:$0x9] =	stream.linear.gather [hbm4b:s7+s3], $0x80, $0x38;
	[tilespmem:$0x580] =	vst v63  }
0x52: {  	_ =	swait.ge [sflag:s19], $0x80  }
0x53: {  	[sflag:s19] =	ssyncset.done $0x0  }
0x54: {  	s7 =	rddreg [dreg:$0x1f];
	[sflag:s19] =	ssyncadd.s32 $0xFFFFFF80  }
0x55: {  	[tilespmem:s20], [sflag:$0x1] =	stream.linear.gather [hbm4b:s7+s3], $0x80, $0x38;
	[tilespmem:$0x580] =	vst v63  }
0x56: {  	s14 =	rddreg [dreg:$0x6]  }
0x57: {  	[tilespmem:s26], [sflag:$0x2] =	stream.linear.gather [hbm4b:s14+s3], $0x80, $0x38;
	[tilespmem:$0x580] =	vst v63  }
0x58: {  	s16 =	rddreg [dreg:$0x7]  }
0x59: {  	[tilespmem:s28], [sflag:$0x3] =	stream.linear.gather [hbm4b:s16+s3], $0x80, $0x38;
	[tilespmem:$0x580] =	vst v63  }
0x5a: {  	s17 =	rddreg [dreg:$0x8]  }
0x5b: {  	[tilespmem:s29], [sflag:$0x4] =	stream.linear.gather [hbm4b:s17+s3], $0x80, $0x38;
	[tilespmem:$0x580] =	vst v63  }
0x5c: {  	[bflag:$0x0] =	sbarrier.arrive $0xFFFF  }
0x5d: {  	_ =	swait.ge [sflag:s30], $0x80  }
0x5e: {  	[sflag:s30] =	ssyncset.done $0x0  }
0x5f: {  	[sflag:s30] =	ssyncadd.s32 $0xFFFFFF80  }
0x60: {  	[spmem:s2] =	stream.indirect.scatter.add.f32 [tilespmem:s3], [sflag:$0x5], $0x1, s20, s18, $0xb8;
	[tilespmem:$0x580] =	vst v63  }
0x61: {  	_ =	swait.ge [sflag:s31], $0x80  }
0x62: {  	[sflag:s31] =	ssyncset.done $0x0  }
0x63: {  	[sflag:s31] =	ssyncadd.s32 $0xFFFFFF80  }
0x64: {  	[spmem:s2] =	stream.indirect.scatter.add.f32 [tilespmem:s3], [sflag:$0x6], $0x1, s26, s18, $0xb8;
	[tilespmem:$0x580] =	vst v63  }
0x65: {  	_ =	swait.ge [sflag:s0], $0x80  }
0x66: {  	[sflag:s0] =	ssyncset.done $0x0  }
0x67: {  	[sflag:s0] =	ssyncadd.s32 $0xFFFFFF80  }
0x68: {  	[spmem:s2] =	stream.indirect.scatter.add.f32 [tilespmem:s3], [sflag:$0x7], $0x1, s28, s18, $0xb8;
	[tilespmem:$0x580] =	vst v63  }
0x69: {  	_ =	swait.ge [sflag:s1], $0x80  }
0x6a: {  	[sflag:s1] =	ssyncset.done $0x0  }
0x6b: {  	[sflag:s1] =	ssyncadd.s32 $0xFFFFFF80  }
0x6c: {  	[spmem:s2] =	stream.indirect.scatter.add.f32 [tilespmem:s3], [sflag:$0x8], $0x1, s29, s18, $0xb8;
	[tilespmem:$0x580] =	vst v63  }
0x6d: {  	_ =	swait.ge [sflag:s5], $0x80  }
0x6e: {  	s7 =	sshrl.u32 s25, $0x3;
	[sflag:s5] =	ssyncset.done $0x0  }
0x6f: {  	s13 =	sadd.s32 s4, s7;
	[sflag:s5] =	ssyncadd.s32 $0xFFFFFF80  }
0x70: {  	[tilespmem:s20], [sflag:$0x1] =	stream.linear.gather [hbm4b:s13+s3], $0x80, $0x38;
	[tilespmem:$0x580] =	vst v63  }
0x71: {  	_ =	swait.ge [sflag:s6], $0x80  }
0x72: {  	[sflag:s6] =	ssyncset.done $0x0  }
0x73: {  	s14 =	sadd.s32 $0x0, s24;
	[sflag:s6] =	ssyncadd.s32 $0xFFFFFF80  }
0x74: {  	[tilespmem:s26], [sflag:$0x2] =	stream.linear.gather [hbm4b:s14+s3], $0x80, $0x38;
	[tilespmem:$0x580] =	vst v63  }
0x75: {  	_ =	swait.ge [sflag:s9], $0x80  }
0x76: {  	[sflag:s9] =	ssyncset.done $0x0  }
0x77: {  	s16 =	sadd.s32 $0x0, s23;
	[sflag:s9] =	ssyncadd.s32 $0xFFFFFF80  }
0x78: {  	[tilespmem:s28], [sflag:$0x3] =	stream.linear.gather [hbm4b:s16+s3], $0x80, $0x38;
	[tilespmem:$0x580] =	vst v63  }
0x79: {  	_ =	swait.ge [sflag:s10], $0x80  }
0x7a: {  	[sflag:s10] =	ssyncset.done $0x0  }
0x7b: {  	s17 =	sadd.s32 $0x0, s22;
	[sflag:s10] =	ssyncadd.s32 $0xFFFFFF80  }
0x7c: {  	[tilespmem:s29], [sflag:$0x4] =	stream.linear.gather [hbm4b:s17+s3], $0x80, $0x38;
	[tilespmem:$0x580] =	vst v63  }
0x7d: {  	_ =	swait.ge [sflag:s30], $0x80  }
0x7e: {  	[sflag:s30] =	ssyncset.done $0x0  }
0x7f: {  	[sflag:s30] =	ssyncadd.s32 $0xFFFFFF80  }
0x80: {  	[spmem:s2] =	stream.indirect.scatter.add.f32 [tilespmem:s3], [sflag:$0x5], $0x1, s20, s18, $0xb8;
	[tilespmem:$0x580] =	vst v63  }
0x81: {  	_ =	swait.ge [sflag:s31], $0x80  }
0x82: {  	[sflag:s31] =	ssyncset.done $0x0  }
0x83: {  	[sflag:s31] =	ssyncadd.s32 $0xFFFFFF80  }
0x84: {  	[spmem:s2] =	stream.indirect.scatter.add.f32 [tilespmem:s3], [sflag:$0x6], $0x1, s26, s18, $0xb8;
	[tilespmem:$0x580] =	vst v63  }
0x85: {  	_ =	swait.ge [sflag:s0], $0x80  }
0x86: {  	[sflag:s0] =	ssyncset.done $0x0  }
0x87: {  	[sflag:s0] =	ssyncadd.s32 $0xFFFFFF80  }
0x88: {  	[spmem:s2] =	stream.indirect.scatter.add.f32 [tilespmem:s3], [sflag:$0x7], $0x1, s28, s18, $0xb8;
	[tilespmem:$0x580] =	vst v63  }
0x89: {  	_ =	swait.ge [sflag:s1], $0x80  }
0x8a: {  	[sflag:s1] =	ssyncset.done $0x0  }
0x8b: {  	s13 =	simm.s32 $0x40;
	s14 =	sadd.s32 $0x200, s25;
	[sflag:s1] =	ssyncadd.s32 $0xFFFFFF80  }
.LBB2_2:
0x8c: {  	[spmem:s2] =	stream.indirect.scatter.add.f32 [tilespmem:s3], [sflag:$0x8], $0x1, s29, s18, $0xb8;
	[tilespmem:$0x580] =	vst v63  }
0x8d: {  	s16 =	smov.u32 s13  }
0x8e: {  	p1 =	sne.s32 s13, $0x440;
	s13 =	sadd.s32 $0x40, s13;
	_ =	swait.ge [sflag:s5], $0x80  }
0x8f: {  	s17 =	sshrl.u32 s14, $0x3;
	[sflag:s5] =	ssyncset.done $0x0  }
0x90: {  	s17 =	sadd.s32 s4, s17;
	[sflag:s5] =	ssyncadd.s32 $0xFFFFFF80  }
0x91: {  	[tilespmem:s20], [sflag:$0x1] =	stream.linear.gather [hbm4b:s17+s3], $0x80, $0x38;
	[tilespmem:$0x580] =	vst v63  }
0x92: {  	_ =	swait.ge [sflag:s6], $0x80  }
0x93: {  	[sflag:s6] =	ssyncset.done $0x0  }
0x94: {  	s17 =	sadd.s32 s16, s24;
	[sflag:s6] =	ssyncadd.s32 $0xFFFFFF80  }
0x95: {  	[tilespmem:s26], [sflag:$0x2] =	stream.linear.gather [hbm4b:s17+s3], $0x80, $0x38;
	[tilespmem:$0x580] =	vst v63  }
0x96: {  	_ =	swait.ge [sflag:s9], $0x80  }
0x97: {  	[sflag:s9] =	ssyncset.done $0x0  }
0x98: {  	s17 =	sadd.s32 s16, s23;
	[sflag:s9] =	ssyncadd.s32 $0xFFFFFF80  }
0x99: {  	[tilespmem:s28], [sflag:$0x3] =	stream.linear.gather [hbm4b:s17+s3], $0x80, $0x38;
	[tilespmem:$0x580] =	vst v63  }
0x9a: {  	_ =	swait.ge [sflag:s10], $0x80  }
0x9b: {  	[sflag:s10] =	ssyncset.done $0x0  }
0x9c: {  	s16 =	sadd.s32 s16, s22;
	[sflag:s10] =	ssyncadd.s32 $0xFFFFFF80  }
0x9d: {  	[tilespmem:s29], [sflag:$0x4] =	stream.linear.gather [hbm4b:s16+s3], $0x80, $0x38;
	[tilespmem:$0x580] =	vst v63  }
0x9e: {  	_ =	swait.ge [sflag:s30], $0x80  }
0x9f: {  	[sflag:s30] =	ssyncset.done $0x0  }
0xa0: {  	[sflag:s30] =	ssyncadd.s32 $0xFFFFFF80  }
0xa1: {  	[spmem:s2] =	stream.indirect.scatter.add.f32 [tilespmem:s3], [sflag:$0x5], $0x1, s20, s18, $0xb8;
	[tilespmem:$0x580] =	vst v63  }
0xa2: {  	_ =	swait.ge [sflag:s31], $0x80  }
0xa3: {  	[sflag:s31] =	ssyncset.done $0x0  }
0xa4: {  	[sflag:s31] =	ssyncadd.s32 $0xFFFFFF80  }
0xa5: {  	[spmem:s2] =	stream.indirect.scatter.add.f32 [tilespmem:s3], [sflag:$0x6], $0x1, s26, s18, $0xb8;
	[tilespmem:$0x580] =	vst v63  }
0xa6: {  	_ =	swait.ge [sflag:s0], $0x80  }
0xa7: {  	[sflag:s0] =	ssyncset.done $0x0  }
.Ltmp0:
0xa8: {  	[sflag:s0] =	ssyncadd.s32 $0xFFFFFF80;
	(pc) =	sbr.rel @p1 .LBB2_2-.Ltmp0, $4  }
0xa9: {  	[spmem:s2] =	stream.indirect.scatter.add.f32 [tilespmem:s3], [sflag:$0x7], $0x1, s28, s18, $0xb8;
	[tilespmem:$0x580] =	vst v63  }
0xaa: {  	_ =	swait.ge [sflag:s1], $0x80  }
0xab: {  	[sflag:s1] =	ssyncset.done $0x0  }
0xac: {  	s14 =	sadd.s32 $0x200, s14;
	[sflag:s1] =	ssyncadd.s32 $0xFFFFFF80  }
0xad: {  	[spmem:s2] =	stream.indirect.scatter.add.f32 [tilespmem:s3], [sflag:$0x8], $0x1, s29, s18, $0xb8;
	[tilespmem:$0x580] =	vst v63  }
0xae: {  	_ =	swait.ge [sflag:s5], $0x80  }
0xaf: {  	[sflag:s5] =	ssyncset.done $0x0  }
0xb0: {  	[sflag:s5] =	ssyncadd.s32 $0xFFFFFF80  }
0xb1: {  	_ =	swait.ge [sflag:s6], $0x80  }
0xb2: {  	[sflag:s6] =	ssyncset.done $0x0  }
0xb3: {  	[sflag:s6] =	ssyncadd.s32 $0xFFFFFF80  }
0xb4: {  	_ =	swait.ge [sflag:s9], $0x80  }
0xb5: {  	[sflag:s9] =	ssyncset.done $0x0  }
0xb6: {  	[sflag:s9] =	ssyncadd.s32 $0xFFFFFF80  }
0xb7: {  	_ =	swait.ge [sflag:s10], $0x80  }
0xb8: {  	[sflag:s10] =	ssyncset.done $0x0  }
0xb9: {  	s13 =	rddreg [dreg:$0x9];
	[sflag:s10] =	ssyncadd.s32 $0xFFFFFF80  }
0xba: {  	[tilespmem:s20], [sflag:$0x9] =	stream.linear.gather [hbm4b:s13+s3], $0x80, $0x38;
	[tilespmem:$0x580] =	vst v63  }
0xbb: {  	_ =	swait.ge [sflag:s19], $0x80  }
0xbc: {  	[sflag:s19] =	ssyncset.done $0x0  }
0xbd: {  	[sflag:s19] =	ssyncadd.s32 $0xFFFFFF80  }
0xbe: {  	[spmem:s2] =	stream.indirect.scatter.add.f32 [tilespmem:s3], [sflag:$0x9], $0x1, s20, s18, $0xb8;
	[tilespmem:$0x580] =	vst v63  }
0xbf: {  	_ =	swait.ge [sflag:s19], $0x80  }
0xc0: {  	[sflag:s19] =	ssyncset.done $0x0  }
0xc1: {  	s7 =	rddreg [dreg:$0xa];
	[sflag:s19] =	ssyncadd.s32 $0xFFFFFF80  }
0xc2: {  	[tilespmem:s26], [sflag:$0x9] =	stream.linear.gather [hbm4b:s7+s3], $0x80, $0x38;
	[tilespmem:$0x580] =	vst v63  }
0xc3: {  	_ =	swait.ge [sflag:s19], $0x80  }
0xc4: {  	[sflag:s19] =	ssyncset.done $0x0  }
0xc5: {  	[sflag:s19] =	ssyncadd.s32 $0xFFFFFF80  }
0xc6: {  	[spmem:s2] =	stream.indirect.scatter.add.f32 [tilespmem:s3], [sflag:$0x9], $0x1, s26, s18, $0xb8;
	[tilespmem:$0x580] =	vst v63  }
0xc7: {  	_ =	swait.ge [sflag:s19], $0x80  }
0xc8: {  	[sflag:s19] =	ssyncset.done $0x0  }
0xc9: {  	s14 =	rddreg [dreg:$0xb];
	[sflag:s19] =	ssyncadd.s32 $0xFFFFFF80  }
0xca: {  	[tilespmem:s28], [sflag:$0x9] =	stream.linear.gather [hbm4b:s14+s3], $0x80, $0x38;
	[tilespmem:$0x580] =	vst v63  }
0xcb: {  	_ =	swait.ge [sflag:s19], $0x80  }
0xcc: {  	[sflag:s19] =	ssyncset.done $0x0  }
0xcd: {  	[sflag:s19] =	ssyncadd.s32 $0xFFFFFF80  }
0xce: {  	[spmem:s2] =	stream.indirect.scatter.add.f32 [tilespmem:s3], [sflag:$0x9], $0x1, s28, s18, $0xb8;
	[tilespmem:$0x580] =	vst v63  }
0xcf: {  	_ =	swait.ge [sflag:s19], $0x80  }
0xd0: {  	[sflag:s19] =	ssyncset.done $0x0  }
0xd1: {  	[sflag:s19] =	ssyncadd.s32 $0xFFFFFF80  }
0xd2: {  	[bflag:$0x0] =	sbarrier.arrive $0xFFFF  }
0xd3: {  	[tilespmem:s18], [sflag:$0xA] =	stream.linear.gather [spmem:s15], $0x50, $0x38;
	[tilespmem:$0x580] =	vst v63  }
0xd4: {  	_ =	swait.ge [sflag:s11], $0x50  }
0xd5: {  	[sflag:s11] =	ssyncset.done $0x0  }
0xd6: {  	[sflag:s11] =	ssyncadd.s32 $0xFFFFFFB0  }
0xd7: {  	[hbm4b:s21+s3] =	stream.linear.scatter [tilespmem:s18], [sflag:$0x9], $0x50, $0x38;
	[tilespmem:$0x580] =	vst v63  }
0xd8: {  	_ =	swait.ge [sflag:s19], $0x50  }
0xd9: {  	[sflag:s19] =	ssyncset.done $0x0  }
0xda: {  	s16 =	rddreg [dreg:$0x14];
	[sflag:s19] =	ssyncadd.s32 $0xFFFFFFB0  }
0xdb: {  	[tilespmem:s18], [sflag:$0xA] =	stream.linear.gather [spmem:s16], $0x50, $0x38;
	[tilespmem:$0x580] =	vst v63  }
0xdc: {  	_ =	swait.ge [sflag:s11], $0x50  }
0xdd: {  	[sflag:s11] =	ssyncset.done $0x0  }
0xde: {  	s17 =	rddreg [dreg:$0x15];
	[sflag:s11] =	ssyncadd.s32 $0xFFFFFFB0  }
0xdf: {  	[hbm4b:s17+s3] =	stream.linear.scatter [tilespmem:s18], [sflag:$0x9], $0x50, $0x38;
	[tilespmem:$0x580] =	vst v63  }
0xe0: {  	_ =	swait.ge [sflag:s19], $0x50  }
0xe1: {  	[sflag:s19] =	ssyncset.done $0x0  }
0xe2: {  	s7 =	rddreg [dreg:$0x16];
	[sflag:s19] =	ssyncadd.s32 $0xFFFFFFB0  }
0xe3: {  	[tilespmem:s18], [sflag:$0xA] =	stream.linear.gather [spmem:s7], $0x50, $0x38;
	[tilespmem:$0x580] =	vst v63  }
0xe4: {  	_ =	swait.ge [sflag:s11], $0x50  }
0xe5: {  	[sflag:s11] =	ssyncset.done $0x0  }
0xe6: {  	s14 =	rddreg [dreg:$0x17];
	[sflag:s11] =	ssyncadd.s32 $0xFFFFFFB0  }
0xe7: {  	[hbm4b:s14+s3] =	stream.linear.scatter [tilespmem:s18], [sflag:$0x9], $0x50, $0x38;
	[tilespmem:$0x580] =	vst v63  }
0xe8: {  	_ =	swait.ge [sflag:s19], $0x50  }
0xe9: {  	[sflag:s19] =	ssyncset.done $0x0  }
0xea: {  	s16 =	rddreg [dreg:$0x18];
	[sflag:s19] =	ssyncadd.s32 $0xFFFFFFB0  }
0xeb: {  	[tilespmem:s18], [sflag:$0xA] =	stream.linear.gather [spmem:s16], $0x50, $0x38;
	[tilespmem:$0x580] =	vst v63  }
0xec: {  	_ =	swait.ge [sflag:s11], $0x50  }
0xed: {  	[sflag:s11] =	ssyncset.done $0x0  }
0xee: {  	s17 =	rddreg [dreg:$0x19];
	[sflag:s11] =	ssyncadd.s32 $0xFFFFFFB0  }
0xef: {  	[hbm4b:s17+s3] =	stream.linear.scatter [tilespmem:s18], [sflag:$0x9], $0x50, $0x38;
	[tilespmem:$0x580] =	vst v63  }
0xf0: {  	_ =	swait.ge [sflag:s19], $0x50  }
0xf1: {  	[sflag:s19] =	ssyncset.done $0x0  }
0xf2: {  	s7 =	rddreg [dreg:$0x1a];
	[sflag:s19] =	ssyncadd.s32 $0xFFFFFFB0  }
0xf3: {  	[tilespmem:s18], [sflag:$0xA] =	stream.linear.gather [spmem:s7], $0x50, $0x38;
	[tilespmem:$0x580] =	vst v63  }
0xf4: {  	_ =	swait.ge [sflag:s11], $0x50  }
0xf5: {  	[sflag:s11] =	ssyncset.done $0x0  }
0xf6: {  	s14 =	rddreg [dreg:$0x1b];
	[sflag:s11] =	ssyncadd.s32 $0xFFFFFFB0  }
0xf7: {  	[hbm4b:s14+s3] =	stream.linear.scatter [tilespmem:s18], [sflag:$0x9], $0x50, $0x38;
	[tilespmem:$0x580] =	vst v63  }
0xf8: {  	_ =	swait.ge [sflag:s19], $0x50  }
0xf9: {  	[sflag:s19] =	ssyncset.done $0x0  }
0xfa: {  	s13 =	simm.s32 @!p0 $0x80;
	s14 =	rddreg [dreg:$0x1c];
	[sflag:s19] =	ssyncadd.s32 $0xFFFFFFB0  }
0xfb: {  	[tilespmem:s13], [sflag:$0xA] =	stream.linear.gather @!p0 [spmem:s14], $0x50, $0x38;
	[tilespmem:$0x580] =	vst v63  }
0xfc: {  	s14 =	simm.s32 @!p0 $0xA  }
0xfd: {  	_ =	swait.ge @!p0 [sflag:s14], $0x50  }
0xfe: {  	[sflag:s14] =	ssyncset.done @!p0 $0x0  }
0xff: {  	s16 =	simm.s32 @!p0 $0x0;
	s17 =	rddreg [dreg:$0x1d];
	[sflag:s14] =	ssyncadd.s32 @!p0 $0xFFFFFFB0  }
0x100: {  	[hbm4b:s17+s16] =	stream.linear.scatter @!p0 [tilespmem:s13], [sflag:$0x9], $0x50, $0x38;
	[tilespmem:$0x580] =	vst v63  }
0x101: {  	s17 =	simm.s32 @!p0 $0x9  }
0x102: {  	_ =	swait.ge @!p0 [sflag:s17], $0x50  }
0x103: {  	[sflag:s17] =	ssyncset.done @!p0 $0x0  }
0x104: {  	s7 =	rddreg [dreg:$0x1e];
	[sflag:s17] =	ssyncadd.s32 @!p0 $0xFFFFFFB0  }
0x105: {  	[tilespmem:s13], [sflag:$0xA] =	stream.linear.gather @!p0 [spmem:s7], $0x50, $0x38;
	[tilespmem:$0x580] =	vst v63  }
0x106: {  	_ =	swait.ge @!p0 [sflag:s14], $0x50  }
0x107: {  	s7 =	sld [smem:$0x7FB]  }
0x108: {  	[sflag:s14] =	ssyncset.done @!p0 $0x0  }
0x109: {  	[sflag:s14] =	ssyncadd.s32 @!p0 $0xFFFFFFB0  }
0x10a: {  	[hbm4b:s7+s16] =	stream.linear.scatter @!p0 [tilespmem:s13], [sflag:$0x9], $0x50, $0x38;
	[tilespmem:$0x580] =	vst v63  }
0x10b: {  	_ =	swait.ge @!p0 [sflag:s17], $0x50  }
0x10c: {  	s7 =	sld [smem:$0x7FC]  }
0x10d: {  	[sflag:s17] =	ssyncset.done @!p0 $0x0  }
0x10e: {  	[sflag:s17] =	ssyncadd.s32 @!p0 $0xFFFFFFB0  }
0x10f: {  	[tilespmem:s13], [sflag:$0xA] =	stream.linear.gather @!p0 [spmem:s7], $0x50, $0x38;
	[tilespmem:$0x580] =	vst v63  }
0x110: {  	_ =	swait.ge @!p0 [sflag:s14], $0x50  }
0x111: {  	s7 =	sld [smem:$0x7FD]  }
0x112: {  	[sflag:s14] =	ssyncset.done @!p0 $0x0  }
0x113: {  	[sflag:s14] =	ssyncadd.s32 @!p0 $0xFFFFFFB0  }
0x114: {  	[hbm4b:s7+s16] =	stream.linear.scatter @!p0 [tilespmem:s13], [sflag:$0x9], $0x50, $0x38;
	[tilespmem:$0x580] =	vst v63  }
0x115: {  	_ =	swait.ge @!p0 [sflag:s17], $0x50  }
0x116: {  	s12 =	sadd.s32 $0x1, s12;
	s16 =	rddreg [dreg:$0xc]  }
0x117: {  	p1 =	sne.s32 s12, s16  }
.Ltmp1:
0x118: {  	_ = 	snop;
	(pc) =	sbr.rel @p1 .LBB2_1-.Ltmp1, $3  }
0x119: {  	_ =	sdelay $0x1  }
0x11a: {  	[sflag:s17] =	ssyncset.done @!p0 $0x0  }
0x11b: {  	[sflag:s17] =	ssyncadd.s32 @!p0 $0xFFFFFFB0  }
0x11c: {  	_ =	sfence.sel $0x180000  }
0x11d: {  	[bflag:$0x0] =	sbarrier.arrive $0xFFFF  }
0x11e: {  	_ =	strace $0x90000047  }
0x11f: {  	s0 =	stileid.u32;
	[bflag:$0x2] =	sbarrier.arrive $0xFFFF  }
0x120: {  	p0 =	sne.s32 s0, $0x0;
	s0 =	rddreg [dreg:$0x3]  }
0x121: {  	s0 =	sadd.s32 @!p0 $0x100000, s0  }
0x122: {  	[sflag:s0] =	ssyncadd.tile.s32 @!p0 $0x1;
	_ =	shalt  }
.Lfunc_end2:
_tile_overlayer_lowered:
.L_overlay_start_2:
0x123: {  	(tag) =	ssettag $0x2  }
0x124: {  	s0 =	rddreg [dreg:$0x0];
	s2 =	stileid.u32  }
0x125: {  	s1 =	rddreg [dreg:$0x1];
	p0 =	sne.s32 s2, $0x0  }
0x126: {  	s3 =	rddreg [dreg:$0x2];
	[bflag:$0x3] =	sbarrier.arrive $0xFFFF;
	s2 =	simm.s32 @!p0 $0x1C09  }
0x127: {  	[timem:s3], [sflag:s2] =	dma.local @!p0 [hbm:s0], s1  }
0x128: {  	s0 =	simm.s32 @!p0 $0x9  }
0x129: {  	_ =	swait.ge @!p0 [sflag:s0], s1  }
0x12a: {  	s1 =	ssub.s32 @!p0 $0x0, s1;
	[sflag:s0] =	ssyncset.done @!p0 $0x0  }
0x12b: {  	[sflag:s0] =	ssyncadd.s32 @!p0 s1  }
0x12c: {  	[bflag:$0x3] =	sbarrier.arrive $0xFFFF  }
0x12d: {  	_ =	shalt  }

</sc_bundles>
